<compile_context>
chip_gen: v7x
topology: tpu7x:2x2x1
jax: 0.10.2.dev20260603
libtpu: 0.0.44.dev20260713+nightly
codegen_flags: <defaults>
</compile_context>

<pallas_src>
import functools

import jax
import jax.numpy as jnp
from jax import lax
from jax.experimental import pallas as pl
from jax.experimental.pallas import tpu as pltpu
from jax.experimental.pallas import tpu_sc as plsc

_N_USERS = 5000
_N_ITEMS = 5000
_N = _N_USERS + _N_ITEMS
_NPAD = 10240
_D = 128
_E = 320000
_NC, _NS, _L = 2, 16, 16
_NW = _NC * _NS
_EPW = _E // _NW
_BB = 125
_NB = _EPW // _BB
_RPW = _NPAD // _NW
_RPS = _NPAD // _NS

_f32 = jnp.float32
_i32 = jnp.int32


def _wid():
    return lax.axis_index("s") * _NC + lax.axis_index("c")


_TCB = 1000



def _pre_tc_body(d0_ref, d1_ref, u_ref, it_ref, dinv_ref, xs_ref):
    d = d0_ref[...] + d1_ref[...]
    dv = jnp.where(d > 0.5, lax.rsqrt(d), 0.0)
    dinv_ref[...] = dv
    x = jnp.where(pl.program_id(0) < 5, u_ref[...], it_ref[...])
    xs_ref[...] = x * dv


def _comb_first_tc_body(p0_ref, p1_ref, dv_ref, u0_ref, it0_ref,
                        xs_ref, so_ref):
    dv = dv_ref[...]
    u = (p0_ref[...] + p1_ref[...]) * dv
    xs_ref[...] = u * dv
    x0 = jnp.where(pl.program_id(0) < 5, u0_ref[...], it0_ref[...])
    so_ref[...] = (x0 + u) * 0.25


def _comb_mid_tc_body(p0_ref, p1_ref, dv_ref, sin_ref, xs_ref, so_ref):
    dv = dv_ref[...]
    u = (p0_ref[...] + p1_ref[...]) * dv
    xs_ref[...] = u * dv
    so_ref[...] = sin_ref[...] + u * 0.25


def _comb_last_tc_body(p0_ref, p1_ref, dv_ref, sin_ref, so_ref):
    dv = dv_ref[...]
    u = (p0_ref[...] + p1_ref[...]) * dv
    so_ref[...] = sin_ref[...] + u * 0.25


def _dv_spec(off=0):
    return pl.BlockSpec((_TCB, 1), lambda i: (i + off, 0))


def _mat_spec(off=0):
    return pl.BlockSpec((_TCB, _D), lambda i: (i + off, 0))


def _half_spec():
    return [pl.BlockSpec((_TCB, _D), lambda i: (jnp.minimum(i, 4), 0)),
            pl.BlockSpec((_TCB, _D), lambda i: (jnp.maximum(i - 5, 0), 0))]


@functools.cache
def _build():
    mesh = plsc.VectorSubcoreMesh(core_axis_name="c", subcore_axis_name="s",
                                  num_cores=_NC)

    @functools.partial(
        pl.kernel,
        out_type=(
            jax.ShapeDtypeStruct((_NPAD,), _f32),
            jax.ShapeDtypeStruct((_NPAD,), _f32),
        ),
        mesh=mesh,
        scratch_types=[
            pltpu.VMEM((_NB, _BB), _i32),
            pltpu.VMEM((128,), _f32),
            pltpu.VMEM((_RPS,), _f32),
            pltpu.VMEM_SHARED((_NPAD,), _f32),
        ],
    )
    def deg_kernel(col_hbm, d0_hbm, d1_hbm, col_st, ones_v, z_v, deg_sh):
        cid = lax.axis_index("c")
        sid = lax.axis_index("s")
        w = _wid()
        pltpu.sync_copy(col_hbm.at[pl.ds(w * _NB, _NB)], col_st)
        for j in range(8):
            ones_v[pl.ds(j * _L, _L)] = jnp.ones((_L,), _f32)

        def zfill(i, c):
            z_v[pl.ds(i * _L, _L)] = jnp.zeros((_L,), _f32)
            return c

        lax.fori_loop(0, _RPS // _L, zfill, 0)
        pltpu.sync_copy(z_v, deg_sh.at[pl.ds(sid * _RPS, _RPS)])
        plsc.subcore_barrier()

        def body(b, c):
            pltpu.sync_copy(ones_v.at[pl.ds(0, _BB)],
                            deg_sh.at[col_st.at[b]], add=True)
            return c

        lax.fori_loop(0, _NB, body, 0)
        plsc.subcore_barrier()
        sl = pl.ds(sid * _RPS, _RPS)

        @pl.when(cid == 0)
        def _():
            pltpu.sync_copy(deg_sh.at[sl], d0_hbm.at[sl])

        @pl.when(cid == 1)
        def _():
            pltpu.sync_copy(deg_sh.at[sl], d1_hbm.at[sl])

    @functools.partial(
        pl.kernel,
        out_type=(
            jax.ShapeDtypeStruct((_NPAD, _D), _f32),
            jax.ShapeDtypeStruct((_NPAD, _D), _f32),
        ),
        mesh=mesh,
        scratch_types=[
            pltpu.VMEM((_NB, _BB), _i32),
            pltpu.VMEM((_BB, _D), _f32),
            pltpu.VMEM((_BB, _D), _f32),
            pltpu.VMEM((_BB,), _i32),
            pltpu.VMEM((_BB,), _i32),
            pltpu.VMEM((16, _D), _f32),
            pltpu.VMEM_SHARED((_NPAD, _D), _f32),
            pltpu.SemaphoreType.DMA,
            pltpu.SemaphoreType.DMA,
            pltpu.SemaphoreType.DMA,
            pltpu.SemaphoreType.DMA,
            pltpu.SemaphoreType.DMA,
            pltpu.SemaphoreType.DMA,
        ],
    )
    def layer_kernel(xs_hbm, row_hbm, col_hbm, p0_hbm, p1_hbm,
                     row_st, rbuf0, rbuf1, cbuf0, cbuf1, zbuf, acc_sh,
                     gsem0, gsem1, csem0, csem1, ssem0, ssem1):
        cid = lax.axis_index("c")
        sid = lax.axis_index("s")
        w = _wid()
        rbuf = (rbuf0, rbuf1)
        cbuf = (cbuf0, cbuf1)
        gsem = (gsem0, gsem1)
        csem = (csem0, csem1)
        ssem = (ssem0, ssem1)
        pltpu.async_copy(row_hbm.at[pl.ds(w * _NB, _NB)], row_st, gsem[1])

        def zfill(i, c):
            for j in range(_D // _L):
                zbuf[i, pl.ds(j * _L, _L)] = jnp.zeros((_L,), _f32)
            return c

        lax.fori_loop(0, 16, zfill, 0)

        def zcopy(c, cc):
            pltpu.async_copy(zbuf, acc_sh.at[pl.ds(sid * _RPS + c * 16, 16)],
                             ssem[0])
            return cc

        lax.fori_loop(0, _RPS // 16, zcopy, 0)
        pltpu.make_async_copy(row_hbm.at[pl.ds(w * _NB, _NB)], row_st,
                              gsem[1]).wait()
        pltpu.async_copy(col_hbm.at[w * _NB], cbuf[0], csem[0])

        def zdrain(c, cc):
            pltpu.make_async_copy(zbuf,
                                  acc_sh.at[pl.ds(sid * _RPS + c * 16, 16)],
                                  ssem[0]).wait()
            return cc

        lax.fori_loop(0, _RPS // 16, zdrain, 0)
        plsc.subcore_barrier()

        pltpu.async_copy(xs_hbm.at[row_st.at[0]], rbuf[0], gsem[0])

        def body(i, c):
            for p in range(2):
                b = i * 2 + p
                q = 1 - p

                @pl.when(b >= 1)
                def _():
                    pltpu.make_async_copy(rbuf[q], acc_sh.at[cbuf[q]],
                                          ssem[q]).wait()

                @pl.when(b + 1 < _NB)
                def _():
                    pltpu.async_copy(xs_hbm.at[row_st.at[b + 1]],
                                     rbuf[q], gsem[q])
                    pltpu.async_copy(col_hbm.at[w * _NB + b + 1],
                                     cbuf[q], csem[q])

                pltpu.make_async_copy(xs_hbm.at[row_st.at[b]],
                                      rbuf[p], gsem[p]).wait()
                pltpu.make_async_copy(col_hbm.at[w * _NB + b],
                                      cbuf[p], csem[p]).wait()
                pltpu.async_copy(rbuf[p], acc_sh.at[cbuf[p]], ssem[p],
                                 add=True)
            return c

        lax.fori_loop(0, _NB // 2, body, 0)
        pltpu.make_async_copy(rbuf[1], acc_sh.at[cbuf[1]], ssem[1]).wait()
        plsc.subcore_barrier()
        sl = pl.ds(sid * _RPS, _RPS)

        @pl.when(cid == 0)
        def _():
            pltpu.sync_copy(acc_sh.at[sl], p0_hbm.at[sl])

        @pl.when(cid == 1)
        def _():
            pltpu.sync_copy(acc_sh.at[sl], p1_hbm.at[sl])

    return deg_kernel, layer_kernel


def kernel(user_emb, item_emb, edge_index):
    deg_kernel, layer_kernel = _build()
    col = edge_index[1].astype(_i32).reshape(_E // _BB, _BB)
    row = edge_index[0].astype(_i32).reshape(_E // _BB, _BB)

    d0, d1 = deg_kernel(col)
    mat = jax.ShapeDtypeStruct((_NPAD, _D), _f32)
    half = jax.ShapeDtypeStruct((_N_USERS, _D), _f32)
    dvt = jax.ShapeDtypeStruct((_NPAD, 1), _f32)
    grid = (_N // _TCB,)
    dinv, xs = pl.pallas_call(
        _pre_tc_body,
        grid=grid,
        in_specs=[_dv_spec(), _dv_spec()] + _half_spec(),
        out_specs=[_dv_spec(), _mat_spec()],
        out_shape=(dvt, mat),
    )(d0.reshape(_NPAD, 1), d1.reshape(_NPAD, 1), user_emb, item_emb)

    p0, p1 = layer_kernel(xs, row, col)
    xs, ssum = pl.pallas_call(
        _comb_first_tc_body,
        grid=grid,
        in_specs=[_mat_spec(), _mat_spec(), _dv_spec()] + _half_spec(),
        out_specs=[_mat_spec(), _mat_spec()],
        out_shape=(mat, mat),
    )(p0, p1, dinv, user_emb, item_emb)

    p0, p1 = layer_kernel(xs, row, col)
    xs, ssum = pl.pallas_call(
        _comb_mid_tc_body,
        grid=grid,
        in_specs=[_mat_spec(), _mat_spec(), _dv_spec(), _mat_spec()],
        out_specs=[_mat_spec(), _mat_spec()],
        out_shape=(mat, mat),
    )(p0, p1, dinv, ssum)

    p0, p1 = layer_kernel(xs, row, col)
    outs = []
    for off in (0, 5):
        outs.append(pl.pallas_call(
            _comb_last_tc_body,
            grid=(_N_USERS // _TCB,),
            in_specs=[_mat_spec(off), _mat_spec(off), _dv_spec(off),
                      _mat_spec(off)],
            out_specs=_mat_spec(),
            out_shape=half,
        )(p0, p1, dinv, ssum))
    return outs[0], outs[1]

# --- scband reference (transcript-rebuilt; emitter-appended) ---
"""Pipeline reference for scband-light-gcn-25881472925719 (READ-ONLY COPY).

The authoritative reference and input builder live on the scoring server;
editing this copy changes nothing except your own understanding.
"""

import jax, jax.numpy as jnp
import numpy as np

NUM_USERS = 5000
NUM_ITEMS = 5000
EMBED_DIM = 128
NUM_LAYERS = 3
NUM_EDGES = 320000
N = NUM_USERS + NUM_ITEMS


def setup_inputs(seed: int = 0) -> dict:
    key = jax.random.key(seed)
    k1, k2, k3 = jax.random.split(key, 3)
    edge_index = jax.random.randint(k1, (2, NUM_EDGES), 0, N, dtype=jnp.int64 if jax.config.jax_enable_x64 else jnp.int32)
    # Xavier-uniform init for embedding tables
    limit = float(np.sqrt(6.0 / (NUM_USERS + EMBED_DIM)))
    user_emb = jax.random.uniform(k2, (NUM_USERS, EMBED_DIM), minval=-limit, maxval=limit, dtype=jnp.float32)
    limit_i = float(np.sqrt(6.0 / (NUM_ITEMS + EMBED_DIM)))
    item_emb = jax.random.uniform(k3, (NUM_ITEMS, EMBED_DIM), minval=-limit_i, maxval=limit_i, dtype=jnp.float32)
    return {"user_emb": user_emb, "item_emb": item_emb, "edge_index": edge_index}


def _lightgcn_conv(x, row, col):
    # degree of target nodes (col), symmetric normalization
    deg = jnp.zeros((x.shape[0],), dtype=x.dtype).at[col].add(1.0)
    deg_inv_sqrt = jnp.where(deg > 0, 1.0 / jnp.sqrt(deg), 0.0)
    norm = deg_inv_sqrt[row] * deg_inv_sqrt[col]
    # message: norm * x_j (x_j = x[row]); aggregate (add) at col
    msgs = norm[:, None] * x[row]
    out = jnp.zeros_like(x).at[col].add(msgs)
    return out


def reference(user_emb, item_emb, edge_index):
    x = jnp.concatenate([user_emb, item_emb], axis=0)
    row, col = edge_index[0], edge_index[1]
    all_embeddings = [x]
    for _ in range(NUM_LAYERS):
        x = _lightgcn_conv(x, row, col)
        all_embeddings.append(x)
    stacked = jnp.stack(all_embeddings, axis=0)
    final = stacked.mean(axis=0)
    user_embeddings = final[:NUM_USERS]
    item_embeddings = final[NUM_USERS:]
    return (user_embeddings, item_embeddings)

if __name__ == "__main__":
    import jax
    _d = setup_inputs()
    print(jax.jit(kernel)(*tuple(_d.values())))

</pallas_src>

<mosaic_0001>
#map = affine_map<(d0, d1) -> (0, 0)>
module attributes {stable_mosaic.version = 14 : i64} {
  func.func @layer_kernel(%arg0: i32, %arg1: i32, %arg2: memref<10240x128xf32, #tpu.memory_space<hbm>>, %arg3: memref<2560x125xi32, #tpu.memory_space<hbm>>, %arg4: memref<2560x125xi32, #tpu.memory_space<hbm>>, %arg5: memref<10240x128xf32, #tpu.memory_space<hbm>>, %arg6: memref<10240x128xf32, #tpu.memory_space<hbm>>, %arg7: memref<80x125xi32, #tpu.memory_space<vmem>>, %arg8: memref<125x128xf32, #tpu.memory_space<vmem>>, %arg9: memref<125x128xf32, #tpu.memory_space<vmem>>, %arg10: memref<125xi32, #tpu.memory_space<vmem>>, %arg11: memref<125xi32, #tpu.memory_space<vmem>>, %arg12: memref<16x128xf32, #tpu.memory_space<vmem>>, %arg13: memref<10240x128xf32, #tpu.memory_space<vmem_shared>>, %arg14: memref<!tpu.dma_semaphore, #tpu.memory_space<semaphore_mem>>, %arg15: memref<!tpu.dma_semaphore, #tpu.memory_space<semaphore_mem>>, %arg16: memref<!tpu.dma_semaphore, #tpu.memory_space<semaphore_mem>>, %arg17: memref<!tpu.dma_semaphore, #tpu.memory_space<semaphore_mem>>, %arg18: memref<!tpu.dma_semaphore, #tpu.memory_space<semaphore_mem>>, %arg19: memref<!tpu.dma_semaphore, #tpu.memory_space<semaphore_mem>>) attributes {dimension_semantics = [#tpu.dimension_semantics<core_parallel>, #tpu.dimension_semantics<subcore_parallel>], iteration_bounds = array<i64: 2, 16>, scalar_prefetch = 0 : i64, scratch_operands = 13 : i64, tpu.core_type = #tpu.core_type<sc_vector_subcore>, window_params = [{transform_indices = #map}, {transform_indices = #map}, {transform_indices = #map}, {transform_indices = #map}, {transform_indices = #map}]} {
    %mul3A = arith.constant 2 : i32
    %mul3A_0 = arith.muli %arg1, %mul3A : i32
    %add3A = arith.addi %mul3A_0, %arg0 : i32
    %mul3A_1 = arith.constant 80 : i32
    %mul3A_2 = arith.muli %add3A, %mul3A_1 : i32
    %dma_start3A = arith.constant 0 : i32
    %dma_start3A_3 = tpu.memref_slice %arg3[%mul3A_2, %dma_start3A] : memref<2560x125xi32, #tpu.memory_space<hbm>> -> memref<80x125xi32, #tpu.memory_space<hbm>>
    %dma_start3A_4 = arith.constant 0 : i32
    %dma_start3A_5 = tpu.memref_slice %arg3[%mul3A_2, %dma_start3A_4] : memref<2560x125xi32, #tpu.memory_space<hbm>> -> memref<80x125xi32, #tpu.memory_space<hbm>>
    tpu.enqueue_dma source(%dma_start3A_5 : memref<80x125xi32, #tpu.memory_space<hbm>>) target(%arg7 : memref<80x125xi32, #tpu.memory_space<vmem>>) target_semaphore(%arg15 : memref<!tpu.dma_semaphore, #tpu.memory_space<semaphore_mem>>)
    %scan3A = arith.constant 0 : i32
    %scan3A_6 = arith.constant 0 : i32
    %scan3A_7 = arith.constant 16 : i32
    %scan3A_8 = arith.addi %scan3A_6, %scan3A_7 : i32
    %scan3A_9 = arith.constant 1 : i32
    scf.for %scan3A_62 = %scan3A_6 to %scan3A_8 step %scan3A_9  : i32 {
      %broadcast_in_dim3A = arith.constant 0.000000e+00 : f32
      %broadcast_in_dim3A_63 = vector.broadcast %broadcast_in_dim3A : f32 to vector<16xf32>
      %swap3A = arith.index_cast %scan3A_62 : i32 to index
      %swap3A_64 = arith.constant 0 : index
      %swap3A_65 = tpu.vector_load %arg12[%swap3A, %swap3A_64] {strides = array<i32>} : memref<16x128xf32, #tpu.memory_space<vmem>>, vector<1x16xf32>,
      %swap3A_66 = vector.shape_cast %swap3A_65 : vector<1x16xf32> to vector<16xf32>
      %swap3A_67 = vector.shape_cast %broadcast_in_dim3A_63 : vector<16xf32> to vector<1x16xf32>
      tpu.vector_store %arg12[%swap3A, %swap3A_64], %swap3A_67 {strides = array<i32>} : memref<16x128xf32, #tpu.memory_space<vmem>>, vector<1x16xf32>,
      %broadcast_in_dim3A_68 = arith.constant 0.000000e+00 : f32
      %broadcast_in_dim3A_69 = vector.broadcast %broadcast_in_dim3A_68 : f32 to vector<16xf32>
      %swap3A_70 = arith.index_cast %scan3A_62 : i32 to index
      %swap3A_71 = arith.constant 16 : index
      %swap3A_72 = tpu.vector_load %arg12[%swap3A_70, %swap3A_71] {strides = array<i32>} : memref<16x128xf32, #tpu.memory_space<vmem>>, vector<1x16xf32>,
      %swap3A_73 = vector.shape_cast %swap3A_72 : vector<1x16xf32> to vector<16xf32>
      %swap3A_74 = vector.shape_cast %broadcast_in_dim3A_69 : vector<16xf32> to vector<1x16xf32>
      tpu.vector_store %arg12[%swap3A_70, %swap3A_71], %swap3A_74 {strides = array<i32>} : memref<16x128xf32, #tpu.memory_space<vmem>>, vector<1x16xf32>,
      %broadcast_in_dim3A_75 = arith.constant 0.000000e+00 : f32
      %broadcast_in_dim3A_76 = vector.broadcast %broadcast_in_dim3A_75 : f32 to vector<16xf32>
      %swap3A_77 = arith.index_cast %scan3A_62 : i32 to index
      %swap3A_78 = arith.constant 32 : index
      %swap3A_79 = tpu.vector_load %arg12[%swap3A_77, %swap3A_78] {strides = array<i32>} : memref<16x128xf32, #tpu.memory_space<vmem>>, vector<1x16xf32>,
      %swap3A_80 = vector.shape_cast %swap3A_79 : vector<1x16xf32> to vector<16xf32>
      %swap3A_81 = vector.shape_cast %broadcast_in_dim3A_76 : vector<16xf32> to vector<1x16xf32>
      tpu.vector_store %arg12[%swap3A_77, %swap3A_78], %swap3A_81 {strides = array<i32>} : memref<16x128xf32, #tpu.memory_space<vmem>>, vector<1x16xf32>,
      %broadcast_in_dim3A_82 = arith.constant 0.000000e+00 : f32
      %broadcast_in_dim3A_83 = vector.broadcast %broadcast_in_dim3A_82 : f32 to vector<16xf32>
      %swap3A_84 = arith.index_cast %scan3A_62 : i32 to index
      %swap3A_85 = arith.constant 48 : index
      %swap3A_86 = tpu.vector_load %arg12[%swap3A_84, %swap3A_85] {strides = array<i32>} : memref<16x128xf32, #tpu.memory_space<vmem>>, vector<1x16xf32>,
      %swap3A_87 = vector.shape_cast %swap3A_86 : vector<1x16xf32> to vector<16xf32>
      %swap3A_88 = vector.shape_cast %broadcast_in_dim3A_83 : vector<16xf32> to vector<1x16xf32>
      tpu.vector_store %arg12[%swap3A_84, %swap3A_85], %swap3A_88 {strides = array<i32>} : memref<16x128xf32, #tpu.memory_space<vmem>>, vector<1x16xf32>,
      %broadcast_in_dim3A_89 = arith.constant 0.000000e+00 : f32
      %broadcast_in_dim3A_90 = vector.broadcast %broadcast_in_dim3A_89 : f32 to vector<16xf32>
      %swap3A_91 = arith.index_cast %scan3A_62 : i32 to index
      %swap3A_92 = arith.constant 64 : index
      %swap3A_93 = tpu.vector_load %arg12[%swap3A_91, %swap3A_92] {strides = array<i32>} : memref<16x128xf32, #tpu.memory_space<vmem>>, vector<1x16xf32>,
      %swap3A_94 = vector.shape_cast %swap3A_93 : vector<1x16xf32> to vector<16xf32>
      %swap3A_95 = vector.shape_cast %broadcast_in_dim3A_90 : vector<16xf32> to vector<1x16xf32>
      tpu.vector_store %arg12[%swap3A_91, %swap3A_92], %swap3A_95 {strides = array<i32>} : memref<16x128xf32, #tpu.memory_space<vmem>>, vector<1x16xf32>,
      %broadcast_in_dim3A_96 = arith.constant 0.000000e+00 : f32
      %broadcast_in_dim3A_97 = vector.broadcast %broadcast_in_dim3A_96 : f32 to vector<16xf32>
      %swap3A_98 = arith.index_cast %scan3A_62 : i32 to index
      %swap3A_99 = arith.constant 80 : index
      %swap3A_100 = tpu.vector_load %arg12[%swap3A_98, %swap3A_99] {strides = array<i32>} : memref<16x128xf32, #tpu.memory_space<vmem>>, vector<1x16xf32>,
      %swap3A_101 = vector.shape_cast %swap3A_100 : vector<1x16xf32> to vector<16xf32>
      %swap3A_102 = vector.shape_cast %broadcast_in_dim3A_97 : vector<16xf32> to vector<1x16xf32>
      tpu.vector_store %arg12[%swap3A_98, %swap3A_99], %swap3A_102 {strides = array<i32>} : memref<16x128xf32, #tpu.memory_space<vmem>>, vector<1x16xf32>,
      %broadcast_in_dim3A_103 = arith.constant 0.000000e+00 : f32
      %broadcast_in_dim3A_104 = vector.broadcast %broadcast_in_dim3A_103 : f32 to vector<16xf32>
      %swap3A_105 = arith.index_cast %scan3A_62 : i32 to index
      %swap3A_106 = arith.constant 96 : index
      %swap3A_107 = tpu.vector_load %arg12[%swap3A_105, %swap3A_106] {strides = array<i32>} : memref<16x128xf32, #tpu.memory_space<vmem>>, vector<1x16xf32>,
      %swap3A_108 = vector.shape_cast %swap3A_107 : vector<1x16xf32> to vector<16xf32>
      %swap3A_109 = vector.shape_cast %broadcast_in_dim3A_104 : vector<16xf32> to vector<1x16xf32>
      tpu.vector_store %arg12[%swap3A_105, %swap3A_106], %swap3A_109 {strides = array<i32>} : memref<16x128xf32, #tpu.memory_space<vmem>>, vector<1x16xf32>,
      %broadcast_in_dim3A_110 = arith.constant 0.000000e+00 : f32
      %broadcast_in_dim3A_111 = vector.broadcast %broadcast_in_dim3A_110 : f32 to vector<16xf32>
      %swap3A_112 = arith.index_cast %scan3A_62 : i32 to index
      %swap3A_113 = arith.constant 112 : index
      %swap3A_114 = tpu.vector_load %arg12[%swap3A_112, %swap3A_113] {strides = array<i32>} : memref<16x128xf32, #tpu.memory_space<vmem>>, vector<1x16xf32>,
      %swap3A_115 = vector.shape_cast %swap3A_114 : vector<1x16xf32> to vector<16xf32>
      %swap3A_116 = vector.shape_cast %broadcast_in_dim3A_111 : vector<16xf32> to vector<1x16xf32>
      tpu.vector_store %arg12[%swap3A_112, %swap3A_113], %swap3A_116 {strides = array<i32>} : memref<16x128xf32, #tpu.memory_space<vmem>>, vector<1x16xf32>,
    }
    %scan3A_10 = arith.constant 16 : i32
    %scan3A_11 = arith.constant 0 : i32
    %scan3A_12 = arith.constant 0 : i32
    %scan3A_13 = arith.constant 40 : i32
    %scan3A_14 = arith.addi %scan3A_12, %scan3A_13 : i32
    %scan3A_15 = arith.constant 1 : i32
    scf.for %scan3A_62 = %scan3A_12 to %scan3A_14 step %scan3A_15  : i32 {
      %mul3A_63 = arith.constant 640 : i32
      %mul3A_64 = arith.muli %arg1, %mul3A_63 : i32
      %mul3A_65 = arith.constant 16 : i32
      %mul3A_66 = arith.muli %scan3A_62, %mul3A_65 : i32
      %add3A_67 = arith.addi %mul3A_64, %mul3A_66 : i32
      %dma_start3A_68 = arith.constant 0 : i32
      %dma_start3A_69 = tpu.memref_slice %arg13[%add3A_67, %dma_start3A_68] : memref<10240x128xf32, #tpu.memory_space<vmem_shared>> -> memref<16x128xf32, #tpu.memory_space<vmem_shared>>
      %dma_start3A_70 = arith.constant 0 : i32
      %dma_start3A_71 = tpu.memref_slice %arg13[%add3A_67, %dma_start3A_70] : memref<10240x128xf32, #tpu.memory_space<vmem_shared>> -> memref<16x128xf32, #tpu.memory_space<vmem_shared>>
      tpu.enqueue_dma source(%arg12 : memref<16x128xf32, #tpu.memory_space<vmem>>) target(%dma_start3A_71 : memref<16x128xf32, #tpu.memory_space<vmem_shared>>) target_semaphore(%arg18 : memref<!tpu.dma_semaphore, #tpu.memory_space<semaphore_mem>>)
    }
    %scan3A_16 = arith.constant 40 : i32
    %mul3A_17 = arith.constant 80 : i32
    %mul3A_18 = arith.muli %add3A, %mul3A_17 : i32
    %dma_wait3A = arith.constant 0 : i32
    %dma_wait3A_19 = tpu.memref_slice %arg3[%mul3A_18, %dma_wait3A] : memref<2560x125xi32, #tpu.memory_space<hbm>> -> memref<80x125xi32, #tpu.memory_space<hbm>>
    %dma_wait3A_20 = arith.constant 0 : i32
    %dma_wait3A_21 = tpu.memref_slice %arg3[%mul3A_18, %dma_wait3A_20] : memref<2560x125xi32, #tpu.memory_space<hbm>> -> memref<80x125xi32, #tpu.memory_space<hbm>>
    tpu.wait_dma2 semaphore(%arg15 : memref<!tpu.dma_semaphore, #tpu.memory_space<semaphore_mem>>) src(%dma_wait3A_21 : memref<80x125xi32, #tpu.memory_space<hbm>>) dst(%arg7 : memref<80x125xi32, #tpu.memory_space<vmem>>)
    %mul3A_22 = arith.constant 80 : i32
    %mul3A_23 = arith.muli %add3A, %mul3A_22 : i32
    %dma_start3A_24 = arith.constant 0 : i32
    %dma_start3A_25 = tpu.memref_slice %arg4[%mul3A_23, %dma_start3A_24] : memref<2560x125xi32, #tpu.memory_space<hbm>> -> memref<1x125xi32, #tpu.memory_space<hbm>>
    %dma_start3A_26 = tpu.memref_squeeze %dma_start3A_25 : memref<1x125xi32, #tpu.memory_space<hbm>> -> memref<125xi32, #tpu.memory_space<hbm>>
    %dma_start3A_27 = arith.constant 0 : i32
    %dma_start3A_28 = tpu.memref_slice %arg4[%mul3A_23, %dma_start3A_27] : memref<2560x125xi32, #tpu.memory_space<hbm>> -> memref<1x125xi32, #tpu.memory_space<hbm>>
    %dma_start3A_29 = tpu.memref_squeeze %dma_start3A_28 : memref<1x125xi32, #tpu.memory_space<hbm>> -> memref<125xi32, #tpu.memory_space<hbm>>
    tpu.enqueue_dma source(%dma_start3A_29 : memref<125xi32, #tpu.memory_space<hbm>>) target(%arg10 : memref<125xi32, #tpu.memory_space<vmem>>) target_semaphore(%arg16 : memref<!tpu.dma_semaphore, #tpu.memory_space<semaphore_mem>>)
    %scan3A_30 = arith.constant 0 : i32
    %scan3A_31 = arith.constant 0 : i32
    %scan3A_32 = arith.constant 40 : i32
    %scan3A_33 = arith.addi %scan3A_31, %scan3A_32 : i32
    %scan3A_34 = arith.constant 1 : i32
    scf.for %scan3A_62 = %scan3A_31 to %scan3A_33 step %scan3A_34  : i32 {
      %mul3A_63 = arith.constant 640 : i32
      %mul3A_64 = arith.muli %arg1, %mul3A_63 : i32
      %mul3A_65 = arith.constant 16 : i32
      %mul3A_66 = arith.muli %scan3A_62, %mul3A_65 : i32
      %add3A_67 = arith.addi %mul3A_64, %mul3A_66 : i32
      %dma_wait3A_68 = arith.constant 0 : i32
      %dma_wait3A_69 = tpu.memref_slice %arg13[%add3A_67, %dma_wait3A_68] : memref<10240x128xf32, #tpu.memory_space<vmem_shared>> -> memref<16x128xf32, #tpu.memory_space<vmem_shared>>
      %dma_wait3A_70 = arith.constant 0 : i32
      %dma_wait3A_71 = tpu.memref_slice %arg13[%add3A_67, %dma_wait3A_70] : memref<10240x128xf32, #tpu.memory_space<vmem_shared>> -> memref<16x128xf32, #tpu.memory_space<vmem_shared>>
      tpu.wait_dma2 semaphore(%arg18 : memref<!tpu.dma_semaphore, #tpu.memory_space<semaphore_mem>>) src(%arg12 : memref<16x128xf32, #tpu.memory_space<vmem>>) dst(%dma_wait3A_71 : memref<16x128xf32, #tpu.memory_space<vmem_shared>>)
    }
    %scan3A_35 = arith.constant 40 : i32
    %barrier3A = arith.constant 0 : index
    tpu.barrier barrier_id(%barrier3A)
    %dma_start3A_36 = arith.constant 0 : i32
    %dma_start3A_37 = arith.constant 0 : i32
    %dma_start3A_38 = tpu.memref_slice %arg7[%dma_start3A_36, %dma_start3A_37] : memref<80x125xi32, #tpu.memory_space<vmem>> -> memref<1x125xi32, #tpu.memory_space<vmem>>
    %dma_start3A_39 = tpu.memref_squeeze %dma_start3A_38 : memref<1x125xi32, #tpu.memory_space<vmem>> -> memref<125xi32, #tpu.memory_space<vmem>>
    %dma_start3A_40 = arith.constant 0 : i32
    %dma_start3A_41 = arith.constant 0 : i32
    %dma_start3A_42 = tpu.memref_slice %arg2[%dma_start3A_40, %dma_start3A_41] : memref<10240x128xf32, #tpu.memory_space<hbm>> -> memref<10240x128xf32, #tpu.memory_space<hbm>>
    tpu.enqueue_indirect_dma source(%dma_start3A_42 : memref<10240x128xf32, #tpu.memory_space<hbm>>) target(%arg8 : memref<125x128xf32, #tpu.memory_space<vmem>>) offsets(%dma_start3A_39 : memref<125xi32, #tpu.memory_space<vmem>>) semaphore(%arg14 : memref<!tpu.dma_semaphore, #tpu.memory_space<semaphore_mem>>)
    %scan3A_43 = arith.constant 0 : i32
    %scan3A_44 = arith.constant 0 : i32
    %scan3A_45 = arith.constant 40 : i32
    %scan3A_46 = arith.addi %scan3A_44, %scan3A_45 : i32
    %scan3A_47 = arith.constant 1 : i32
    scf.for %scan3A_62 = %scan3A_44 to %scan3A_46 step %scan3A_47  : i32 {
      %mul3A_63 = arith.constant 2 : i32
      %mul3A_64 = arith.muli %scan3A_62, %mul3A_63 : i32
      %add3A_65 = arith.constant 0 : i32
      %add3A_66 = arith.addi %mul3A_64, %add3A_65 : i32
      %ge3A = arith.constant 1 : i32
      %ge3A_67 = arith.cmpi sge, %add3A_66, %ge3A : i32
      %convert_element_type3A_68 = arith.extui %ge3A_67 : i1 to i32
      %cond3A_69 = arith.constant 0 : i32
      %cond3A_70 = arith.cmpi ne, %convert_element_type3A_68, %cond3A_69 : i32
      scf.if %cond3A_70 {
        %dma_wait3A_129 = arith.constant 0 : i32
        %dma_wait3A_130 = arith.constant 0 : i32
        %dma_wait3A_131 = tpu.memref_slice %arg13[%dma_wait3A_129, %dma_wait3A_130] : memref<10240x128xf32, #tpu.memory_space<vmem_shared>> -> memref<10240x128xf32, #tpu.memory_space<vmem_shared>>
        tpu.wait_indirect_dma semaphore(%arg19 : memref<!tpu.dma_semaphore, #tpu.memory_space<semaphore_mem>>) src(%arg9 : memref<125x128xf32, #tpu.memory_space<vmem>>) dst(%dma_wait3A_131 : memref<10240x128xf32, #tpu.memory_space<vmem_shared>>)
      } else {
      }
      %add3A_71 = arith.constant 1 : i32
      %add3A_72 = arith.addi %add3A_66, %add3A_71 : i32
      %lt3A = arith.constant 80 : i32
      %lt3A_73 = arith.cmpi slt, %add3A_72, %lt3A : i32
      %convert_element_type3A_74 = arith.extui %lt3A_73 : i1 to i32
      %cond3A_75 = arith.constant 0 : i32
      %cond3A_76 = arith.cmpi ne, %convert_element_type3A_74, %cond3A_75 : i32
      scf.if %cond3A_76 {
        %add3A_129 = arith.constant 1 : i32
        %add3A_130 = arith.addi %add3A_66, %add3A_129 : i32
        %dma_start3A_131 = arith.constant 0 : i32
        %dma_start3A_132 = tpu.memref_slice %arg7[%add3A_130, %dma_start3A_131] : memref<80x125xi32, #tpu.memory_space<vmem>> -> memref<1x125xi32, #tpu.memory_space<vmem>>
        %dma_start3A_133 = tpu.memref_squeeze %dma_start3A_132 : memref<1x125xi32, #tpu.memory_space<vmem>> -> memref<125xi32, #tpu.memory_space<vmem>>
        %dma_start3A_134 = arith.constant 0 : i32
        %dma_start3A_135 = arith.constant 0 : i32
        %dma_start3A_136 = tpu.memref_slice %arg2[%dma_start3A_134, %dma_start3A_135] : memref<10240x128xf32, #tpu.memory_space<hbm>> -> memref<10240x128xf32, #tpu.memory_space<hbm>>
        tpu.enqueue_indirect_dma source(%dma_start3A_136 : memref<10240x128xf32, #tpu.memory_space<hbm>>) target(%arg9 : memref<125x128xf32, #tpu.memory_space<vmem>>) offsets(%dma_start3A_133 : memref<125xi32, #tpu.memory_space<vmem>>) semaphore(%arg15 : memref<!tpu.dma_semaphore, #tpu.memory_space<semaphore_mem>>)
        %mul3A_137 = arith.constant 80 : i32
        %mul3A_138 = arith.muli %add3A, %mul3A_137 : i32
        %add3A_139 = arith.addi %mul3A_138, %add3A_66 : i32
        %add3A_140 = arith.constant 1 : i32
        %add3A_141 = arith.addi %add3A_139, %add3A_140 : i32
        %dma_start3A_142 = arith.constant 0 : i32
        %dma_start3A_143 = tpu.memref_slice %arg4[%add3A_141, %dma_start3A_142] : memref<2560x125xi32, #tpu.memory_space<hbm>> -> memref<1x125xi32, #tpu.memory_space<hbm>>
        %dma_start3A_144 = tpu.memref_squeeze %dma_start3A_143 : memref<1x125xi32, #tpu.memory_space<hbm>> -> memref<125xi32, #tpu.memory_space<hbm>>
        %dma_start3A_145 = arith.constant 0 : i32
        %dma_start3A_146 = tpu.memref_slice %arg4[%add3A_141, %dma_start3A_145] : memref<2560x125xi32, #tpu.memory_space<hbm>> -> memref<1x125xi32, #tpu.memory_space<hbm>>
        %dma_start3A_147 = tpu.memref_squeeze %dma_start3A_146 : memref<1x125xi32, #tpu.memory_space<hbm>> -> memref<125xi32, #tpu.memory_space<hbm>>
        tpu.enqueue_dma source(%dma_start3A_147 : memref<125xi32, #tpu.memory_space<hbm>>) target(%arg11 : memref<125xi32, #tpu.memory_space<vmem>>) target_semaphore(%arg17 : memref<!tpu.dma_semaphore, #tpu.memory_space<semaphore_mem>>)
      } else {
      }
      %dma_wait3A_77 = arith.constant 0 : i32
      %dma_wait3A_78 = tpu.memref_slice %arg7[%add3A_66, %dma_wait3A_77] : memref<80x125xi32, #tpu.memory_space<vmem>> -> memref<1x125xi32, #tpu.memory_space<vmem>>
      %dma_wait3A_79 = tpu.memref_squeeze %dma_wait3A_78 : memref<1x125xi32, #tpu.memory_space<vmem>> -> memref<125xi32, #tpu.memory_space<vmem>>
      %dma_wait3A_80 = arith.constant 0 : i32
      %dma_wait3A_81 = arith.constant 0 : i32
      %dma_wait3A_82 = tpu.memref_slice %arg2[%dma_wait3A_80, %dma_wait3A_81] : memref<10240x128xf32, #tpu.memory_space<hbm>> -> memref<10240x128xf32, #tpu.memory_space<hbm>>
      tpu.wait_indirect_dma semaphore(%arg14 : memref<!tpu.dma_semaphore, #tpu.memory_space<semaphore_mem>>) src(%dma_wait3A_82 : memref<10240x128xf32, #tpu.memory_space<hbm>>) dst(%arg8 : memref<125x128xf32, #tpu.memory_space<vmem>>)
      %mul3A_83 = arith.constant 80 : i32
      %mul3A_84 = arith.muli %add3A, %mul3A_83 : i32
      %add3A_85 = arith.addi %mul3A_84, %add3A_66 : i32
      %dma_wait3A_86 = arith.constant 0 : i32
      %dma_wait3A_87 = tpu.memref_slice %arg4[%add3A_85, %dma_wait3A_86] : memref<2560x125xi32, #tpu.memory_space<hbm>> -> memref<1x125xi32, #tpu.memory_space<hbm>>
      %dma_wait3A_88 = tpu.memref_squeeze %dma_wait3A_87 : memref<1x125xi32, #tpu.memory_space<hbm>> -> memref<125xi32, #tpu.memory_space<hbm>>
      %dma_wait3A_89 = arith.constant 0 : i32
      %dma_wait3A_90 = tpu.memref_slice %arg4[%add3A_85, %dma_wait3A_89] : memref<2560x125xi32, #tpu.memory_space<hbm>> -> memref<1x125xi32, #tpu.memory_space<hbm>>
      %dma_wait3A_91 = tpu.memref_squeeze %dma_wait3A_90 : memref<1x125xi32, #tpu.memory_space<hbm>> -> memref<125xi32, #tpu.memory_space<hbm>>
      tpu.wait_dma2 semaphore(%arg16 : memref<!tpu.dma_semaphore, #tpu.memory_space<semaphore_mem>>) src(%dma_wait3A_91 : memref<125xi32, #tpu.memory_space<hbm>>) dst(%arg10 : memref<125xi32, #tpu.memory_space<vmem>>)
      %dma_start3A_92 = arith.constant 0 : i32
      %dma_start3A_93 = arith.constant 0 : i32
      %dma_start3A_94 = tpu.memref_slice %arg13[%dma_start3A_92, %dma_start3A_93] : memref<10240x128xf32, #tpu.memory_space<vmem_shared>> -> memref<10240x128xf32, #tpu.memory_space<vmem_shared>>
      tpu.enqueue_indirect_dma source(%arg8 : memref<125x128xf32, #tpu.memory_space<vmem>>) target(%dma_start3A_94 : memref<10240x128xf32, #tpu.memory_space<vmem_shared>>) offsets(%arg10 : memref<125xi32, #tpu.memory_space<vmem>>) semaphore(%arg18 : memref<!tpu.dma_semaphore, #tpu.memory_space<semaphore_mem>>) {add = true}
      %mul3A_95 = arith.constant 2 : i32
      %mul3A_96 = arith.muli %scan3A_62, %mul3A_95 : i32
      %add3A_97 = arith.constant 1 : i32
      %add3A_98 = arith.addi %mul3A_96, %add3A_97 : i32
      %ge3A_99 = arith.constant 1 : i32
      %ge3A_100 = arith.cmpi sge, %add3A_98, %ge3A_99 : i32
      %convert_element_type3A_101 = arith.extui %ge3A_100 : i1 to i32
      %cond3A_102 = arith.constant 0 : i32
      %cond3A_103 = arith.cmpi ne, %convert_element_type3A_101, %cond3A_102 : i32
      scf.if %cond3A_103 {
        %dma_wait3A_129 = arith.constant 0 : i32
        %dma_wait3A_130 = arith.constant 0 : i32
        %dma_wait3A_131 = tpu.memref_slice %arg13[%dma_wait3A_129, %dma_wait3A_130] : memref<10240x128xf32, #tpu.memory_space<vmem_shared>> -> memref<10240x128xf32, #tpu.memory_space<vmem_shared>>
        tpu.wait_indirect_dma semaphore(%arg18 : memref<!tpu.dma_semaphore, #tpu.memory_space<semaphore_mem>>) src(%arg8 : memref<125x128xf32, #tpu.memory_space<vmem>>) dst(%dma_wait3A_131 : memref<10240x128xf32, #tpu.memory_space<vmem_shared>>)
      } else {
      }
      %add3A_104 = arith.constant 1 : i32
      %add3A_105 = arith.addi %add3A_98, %add3A_104 : i32
      %lt3A_106 = arith.constant 80 : i32
      %lt3A_107 = arith.cmpi slt, %add3A_105, %lt3A_106 : i32
      %convert_element_type3A_108 = arith.extui %lt3A_107 : i1 to i32
      %cond3A_109 = arith.constant 0 : i32
      %cond3A_110 = arith.cmpi ne, %convert_element_type3A_108, %cond3A_109 : i32
      scf.if %cond3A_110 {
        %add3A_129 = arith.constant 1 : i32
        %add3A_130 = arith.addi %add3A_98, %add3A_129 : i32
        %dma_start3A_131 = arith.constant 0 : i32
        %dma_start3A_132 = tpu.memref_slice %arg7[%add3A_130, %dma_start3A_131] : memref<80x125xi32, #tpu.memory_space<vmem>> -> memref<1x125xi32, #tpu.memory_space<vmem>>
        %dma_start3A_133 = tpu.memref_squeeze %dma_start3A_132 : memref<1x125xi32, #tpu.memory_space<vmem>> -> memref<125xi32, #tpu.memory_space<vmem>>
        %dma_start3A_134 = arith.constant 0 : i32
        %dma_start3A_135 = arith.constant 0 : i32
        %dma_start3A_136 = tpu.memref_slice %arg2[%dma_start3A_134, %dma_start3A_135] : memref<10240x128xf32, #tpu.memory_space<hbm>> -> memref<10240x128xf32, #tpu.memory_space<hbm>>
        tpu.enqueue_indirect_dma source(%dma_start3A_136 : memref<10240x128xf32, #tpu.memory_space<hbm>>) target(%arg8 : memref<125x128xf32, #tpu.memory_space<vmem>>) offsets(%dma_start3A_133 : memref<125xi32, #tpu.memory_space<vmem>>) semaphore(%arg14 : memref<!tpu.dma_semaphore, #tpu.memory_space<semaphore_mem>>)
        %mul3A_137 = arith.constant 80 : i32
        %mul3A_138 = arith.muli %add3A, %mul3A_137 : i32
        %add3A_139 = arith.addi %mul3A_138, %add3A_98 : i32
        %add3A_140 = arith.constant 1 : i32
        %add3A_141 = arith.addi %add3A_139, %add3A_140 : i32
        %dma_start3A_142 = arith.constant 0 : i32
        %dma_start3A_143 = tpu.memref_slice %arg4[%add3A_141, %dma_start3A_142] : memref<2560x125xi32, #tpu.memory_space<hbm>> -> memref<1x125xi32, #tpu.memory_space<hbm>>
        %dma_start3A_144 = tpu.memref_squeeze %dma_start3A_143 : memref<1x125xi32, #tpu.memory_space<hbm>> -> memref<125xi32, #tpu.memory_space<hbm>>
        %dma_start3A_145 = arith.constant 0 : i32
        %dma_start3A_146 = tpu.memref_slice %arg4[%add3A_141, %dma_start3A_145] : memref<2560x125xi32, #tpu.memory_space<hbm>> -> memref<1x125xi32, #tpu.memory_space<hbm>>
        %dma_start3A_147 = tpu.memref_squeeze %dma_start3A_146 : memref<1x125xi32, #tpu.memory_space<hbm>> -> memref<125xi32, #tpu.memory_space<hbm>>
        tpu.enqueue_dma source(%dma_start3A_147 : memref<125xi32, #tpu.memory_space<hbm>>) target(%arg10 : memref<125xi32, #tpu.memory_space<vmem>>) target_semaphore(%arg16 : memref<!tpu.dma_semaphore, #tpu.memory_space<semaphore_mem>>)
      } else {
      }
      %dma_wait3A_111 = arith.constant 0 : i32
      %dma_wait3A_112 = tpu.memref_slice %arg7[%add3A_98, %dma_wait3A_111] : memref<80x125xi32, #tpu.memory_space<vmem>> -> memref<1x125xi32, #tpu.memory_space<vmem>>
      %dma_wait3A_113 = tpu.memref_squeeze %dma_wait3A_112 : memref<1x125xi32, #tpu.memory_space<vmem>> -> memref<125xi32, #tpu.memory_space<vmem>>
      %dma_wait3A_114 = arith.constant 0 : i32
      %dma_wait3A_115 = arith.constant 0 : i32
      %dma_wait3A_116 = tpu.memref_slice %arg2[%dma_wait3A_114, %dma_wait3A_115] : memref<10240x128xf32, #tpu.memory_space<hbm>> -> memref<10240x128xf32, #tpu.memory_space<hbm>>
      tpu.wait_indirect_dma semaphore(%arg15 : memref<!tpu.dma_semaphore, #tpu.memory_space<semaphore_mem>>) src(%dma_wait3A_116 : memref<10240x128xf32, #tpu.memory_space<hbm>>) dst(%arg9 : memref<125x128xf32, #tpu.memory_space<vmem>>)
      %mul3A_117 = arith.constant 80 : i32
      %mul3A_118 = arith.muli %add3A, %mul3A_117 : i32
      %add3A_119 = arith.addi %mul3A_118, %add3A_98 : i32
      %dma_wait3A_120 = arith.constant 0 : i32
      %dma_wait3A_121 = tpu.memref_slice %arg4[%add3A_119, %dma_wait3A_120] : memref<2560x125xi32, #tpu.memory_space<hbm>> -> memref<1x125xi32, #tpu.memory_space<hbm>>
      %dma_wait3A_122 = tpu.memref_squeeze %dma_wait3A_121 : memref<1x125xi32, #tpu.memory_space<hbm>> -> memref<125xi32, #tpu.memory_space<hbm>>
      %dma_wait3A_123 = arith.constant 0 : i32
      %dma_wait3A_124 = tpu.memref_slice %arg4[%add3A_119, %dma_wait3A_123] : memref<2560x125xi32, #tpu.memory_space<hbm>> -> memref<1x125xi32, #tpu.memory_space<hbm>>
      %dma_wait3A_125 = tpu.memref_squeeze %dma_wait3A_124 : memref<1x125xi32, #tpu.memory_space<hbm>> -> memref<125xi32, #tpu.memory_space<hbm>>
      tpu.wait_dma2 semaphore(%arg17 : memref<!tpu.dma_semaphore, #tpu.memory_space<semaphore_mem>>) src(%dma_wait3A_125 : memref<125xi32, #tpu.memory_space<hbm>>) dst(%arg11 : memref<125xi32, #tpu.memory_space<vmem>>)
      %dma_start3A_126 = arith.constant 0 : i32
      %dma_start3A_127 = arith.constant 0 : i32
      %dma_start3A_128 = tpu.memref_slice %arg13[%dma_start3A_126, %dma_start3A_127] : memref<10240x128xf32, #tpu.memory_space<vmem_shared>> -> memref<10240x128xf32, #tpu.memory_space<vmem_shared>>
      tpu.enqueue_indirect_dma source(%arg9 : memref<125x128xf32, #tpu.memory_space<vmem>>) target(%dma_start3A_128 : memref<10240x128xf32, #tpu.memory_space<vmem_shared>>) offsets(%arg11 : memref<125xi32, #tpu.memory_space<vmem>>) semaphore(%arg19 : memref<!tpu.dma_semaphore, #tpu.memory_space<semaphore_mem>>) {add = true}
    }
    %scan3A_48 = arith.constant 40 : i32
    %dma_wait3A_49 = arith.constant 0 : i32
    %dma_wait3A_50 = arith.constant 0 : i32
    %dma_wait3A_51 = tpu.memref_slice %arg13[%dma_wait3A_49, %dma_wait3A_50] : memref<10240x128xf32, #tpu.memory_space<vmem_shared>> -> memref<10240x128xf32, #tpu.memory_space<vmem_shared>>
    tpu.wait_indirect_dma semaphore(%arg19 : memref<!tpu.dma_semaphore, #tpu.memory_space<semaphore_mem>>) src(%arg9 : memref<125x128xf32, #tpu.memory_space<vmem>>) dst(%dma_wait3A_51 : memref<10240x128xf32, #tpu.memory_space<vmem_shared>>)
    %barrier3A_52 = arith.constant 0 : index
    tpu.barrier barrier_id(%barrier3A_52)
    %mul3A_53 = arith.constant 640 : i32
    %mul3A_54 = arith.muli %arg1, %mul3A_53 : i32
    %eq3A = arith.constant 0 : i32
    %eq3A_55 = arith.cmpi eq, %arg0, %eq3A : i32
    %convert_element_type3A = arith.extui %eq3A_55 : i1 to i32
    %cond3A = arith.constant 0 : i32
    %cond3A_56 = arith.cmpi ne, %convert_element_type3A, %cond3A : i32
    scf.if %cond3A_56 {
      "tpu.region"() ({
        %run_scoped3A = tpu.sem_alloc : memref<!tpu.dma_semaphore, #tpu.memory_space<semaphore_mem>>
        %dma_start3A_62 = arith.constant 0 : i32
        %dma_start3A_63 = tpu.memref_slice %arg5[%mul3A_54, %dma_start3A_62] : memref<10240x128xf32, #tpu.memory_space<hbm>> -> memref<640x128xf32, #tpu.memory_space<hbm>>
        %dma_start3A_64 = arith.constant 0 : i32
        %dma_start3A_65 = tpu.memref_slice %arg13[%mul3A_54, %dma_start3A_64] : memref<10240x128xf32, #tpu.memory_space<vmem_shared>> -> memref<640x128xf32, #tpu.memory_space<vmem_shared>>
        tpu.enqueue_dma source(%dma_start3A_65 : memref<640x128xf32, #tpu.memory_space<vmem_shared>>) target(%dma_start3A_63 : memref<640x128xf32, #tpu.memory_space<hbm>>) target_semaphore(%run_scoped3A : memref<!tpu.dma_semaphore, #tpu.memory_space<semaphore_mem>>)
        %dma_wait3A_66 = arith.constant 0 : i32
        %dma_wait3A_67 = tpu.memref_slice %arg5[%mul3A_54, %dma_wait3A_66] : memref<10240x128xf32, #tpu.memory_space<hbm>> -> memref<640x128xf32, #tpu.memory_space<hbm>>
        %dma_wait3A_68 = arith.constant 0 : i32
        %dma_wait3A_69 = tpu.memref_slice %arg13[%mul3A_54, %dma_wait3A_68] : memref<10240x128xf32, #tpu.memory_space<vmem_shared>> -> memref<640x128xf32, #tpu.memory_space<vmem_shared>>
        tpu.wait_dma2 semaphore(%run_scoped3A : memref<!tpu.dma_semaphore, #tpu.memory_space<semaphore_mem>>) src(%dma_wait3A_69 : memref<640x128xf32, #tpu.memory_space<vmem_shared>>) dst(%dma_wait3A_67 : memref<640x128xf32, #tpu.memory_space<hbm>>)
        tpu.yield
      }) : () -> ()
    } else {
    }
    %eq3A_57 = arith.constant 1 : i32
    %eq3A_58 = arith.cmpi eq, %arg0, %eq3A_57 : i32
    %convert_element_type3A_59 = arith.extui %eq3A_58 : i1 to i32
    %cond3A_60 = arith.constant 0 : i32
    %cond3A_61 = arith.cmpi ne, %convert_element_type3A_59, %cond3A_60 : i32
    scf.if %cond3A_61 {
      "tpu.region"() ({
        %run_scoped3A = tpu.sem_alloc : memref<!tpu.dma_semaphore, #tpu.memory_space<semaphore_mem>>
        %dma_start3A_62 = arith.constant 0 : i32
        %dma_start3A_63 = tpu.memref_slice %arg6[%mul3A_54, %dma_start3A_62] : memref<10240x128xf32, #tpu.memory_space<hbm>> -> memref<640x128xf32, #tpu.memory_space<hbm>>
        %dma_start3A_64 = arith.constant 0 : i32
        %dma_start3A_65 = tpu.memref_slice %arg13[%mul3A_54, %dma_start3A_64] : memref<10240x128xf32, #tpu.memory_space<vmem_shared>> -> memref<640x128xf32, #tpu.memory_space<vmem_shared>>
        tpu.enqueue_dma source(%dma_start3A_65 : memref<640x128xf32, #tpu.memory_space<vmem_shared>>) target(%dma_start3A_63 : memref<640x128xf32, #tpu.memory_space<hbm>>) target_semaphore(%run_scoped3A : memref<!tpu.dma_semaphore, #tpu.memory_space<semaphore_mem>>)
        %dma_wait3A_66 = arith.constant 0 : i32
        %dma_wait3A_67 = tpu.memref_slice %arg6[%mul3A_54, %dma_wait3A_66] : memref<10240x128xf32, #tpu.memory_space<hbm>> -> memref<640x128xf32, #tpu.memory_space<hbm>>
        %dma_wait3A_68 = arith.constant 0 : i32
        %dma_wait3A_69 = tpu.memref_slice %arg13[%mul3A_54, %dma_wait3A_68] : memref<10240x128xf32, #tpu.memory_space<vmem_shared>> -> memref<640x128xf32, #tpu.memory_space<vmem_shared>>
        tpu.wait_dma2 semaphore(%run_scoped3A : memref<!tpu.dma_semaphore, #tpu.memory_space<semaphore_mem>>) src(%dma_wait3A_69 : memref<640x128xf32, #tpu.memory_space<vmem_shared>>) dst(%dma_wait3A_67 : memref<640x128xf32, #tpu.memory_space<hbm>>)
        tpu.yield
      }) : () -> ()
    } else {
    }
    return
  }
}

#map = affine_map<(d0, d1) -> (0, 0)>
module attributes {stable_mosaic.version = 14 : i64} {
  func.func @layer_kernel(%arg0: i32, %arg1: i32, %arg2: memref<10240x128xf32, #tpu.memory_space<hbm>>, %arg3: memref<2560x125xi32, #tpu.memory_space<hbm>>, %arg4: memref<2560x125xi32, #tpu.memory_space<hbm>>, %arg5: memref<10240x128xf32, #tpu.memory_space<hbm>>, %arg6: memref<10240x128xf32, #tpu.memory_space<hbm>>, %arg7: memref<80x125xi32, #tpu.memory_space<vmem>>, %arg8: memref<125x128xf32, #tpu.memory_space<vmem>>, %arg9: memref<125x128xf32, #tpu.memory_space<vmem>>, %arg10: memref<125xi32, #tpu.memory_space<vmem>>, %arg11: memref<125xi32, #tpu.memory_space<vmem>>, %arg12: memref<16x128xf32, #tpu.memory_space<vmem>>, %arg13: memref<10240x128xf32, #tpu.memory_space<vmem_shared>>, %arg14: memref<!tpu.dma_semaphore, #tpu.memory_space<semaphore_mem>>, %arg15: memref<!tpu.dma_semaphore, #tpu.memory_space<semaphore_mem>>, %arg16: memref<!tpu.dma_semaphore, #tpu.memory_space<semaphore_mem>>, %arg17: memref<!tpu.dma_semaphore, #tpu.memory_space<semaphore_mem>>, %arg18: memref<!tpu.dma_semaphore, #tpu.memory_space<semaphore_mem>>, %arg19: memref<!tpu.dma_semaphore, #tpu.memory_space<semaphore_mem>>) attributes {dimension_semantics = [#tpu.dimension_semantics<core_parallel>, #tpu.dimension_semantics<subcore_parallel>], iteration_bounds = array<i64: 2, 16>, scalar_prefetch = 0 : i64, scratch_operands = 13 : i64, tpu.core_type = #tpu.core_type<sc_vector_subcore>, window_params = [{transform_indices = #map}, {transform_indices = #map}, {transform_indices = #map}, {transform_indices = #map}, {transform_indices = #map}]} {
    %mul3A = arith.constant 2 : i32
    %mul3A_0 = arith.muli %arg1, %mul3A : i32
    %add3A = arith.addi %mul3A_0, %arg0 : i32
    %mul3A_1 = arith.constant 80 : i32
    %mul3A_2 = arith.muli %add3A, %mul3A_1 : i32
    %dma_start3A = arith.constant 0 : i32
    %dma_start3A_3 = tpu.memref_slice %arg3[%mul3A_2, %dma_start3A] : memref<2560x125xi32, #tpu.memory_space<hbm>> -> memref<80x125xi32, #tpu.memory_space<hbm>>
    %dma_start3A_4 = arith.constant 0 : i32
    %dma_start3A_5 = tpu.memref_slice %arg3[%mul3A_2, %dma_start3A_4] : memref<2560x125xi32, #tpu.memory_space<hbm>> -> memref<80x125xi32, #tpu.memory_space<hbm>>
    tpu.enqueue_dma source(%dma_start3A_5 : memref<80x125xi32, #tpu.memory_space<hbm>>) target(%arg7 : memref<80x125xi32, #tpu.memory_space<vmem>>) target_semaphore(%arg15 : memref<!tpu.dma_semaphore, #tpu.memory_space<semaphore_mem>>)
    %scan3A = arith.constant 0 : i32
    %scan3A_6 = arith.constant 0 : i32
    %scan3A_7 = arith.constant 16 : i32
    %scan3A_8 = arith.addi %scan3A_6, %scan3A_7 : i32
    %scan3A_9 = arith.constant 1 : i32
    scf.for %scan3A_62 = %scan3A_6 to %scan3A_8 step %scan3A_9  : i32 {
      %broadcast_in_dim3A = arith.constant 0.000000e+00 : f32
      %broadcast_in_dim3A_63 = vector.broadcast %broadcast_in_dim3A : f32 to vector<16xf32>
      %swap3A = arith.index_cast %scan3A_62 : i32 to index
      %swap3A_64 = arith.constant 0 : index
      %swap3A_65 = tpu.vector_load %arg12[%swap3A, %swap3A_64] {strides = array<i32>} : memref<16x128xf32, #tpu.memory_space<vmem>>, vector<1x16xf32>,
      %swap3A_66 = vector.shape_cast %swap3A_65 : vector<1x16xf32> to vector<16xf32>
      %swap3A_67 = vector.shape_cast %broadcast_in_dim3A_63 : vector<16xf32> to vector<1x16xf32>
      tpu.vector_store %arg12[%swap3A, %swap3A_64], %swap3A_67 {strides = array<i32>} : memref<16x128xf32, #tpu.memory_space<vmem>>, vector<1x16xf32>,
      %broadcast_in_dim3A_68 = arith.constant 0.000000e+00 : f32
      %broadcast_in_dim3A_69 = vector.broadcast %broadcast_in_dim3A_68 : f32 to vector<16xf32>
      %swap3A_70 = arith.index_cast %scan3A_62 : i32 to index
      %swap3A_71 = arith.constant 16 : index
      %swap3A_72 = tpu.vector_load %arg12[%swap3A_70, %swap3A_71] {strides = array<i32>} : memref<16x128xf32, #tpu.memory_space<vmem>>, vector<1x16xf32>,
      %swap3A_73 = vector.shape_cast %swap3A_72 : vector<1x16xf32> to vector<16xf32>
      %swap3A_74 = vector.shape_cast %broadcast_in_dim3A_69 : vector<16xf32> to vector<1x16xf32>
      tpu.vector_store %arg12[%swap3A_70, %swap3A_71], %swap3A_74 {strides = array<i32>} : memref<16x128xf32, #tpu.memory_space<vmem>>, vector<1x16xf32>,
      %broadcast_in_dim3A_75 = arith.constant 0.000000e+00 : f32
      %broadcast_in_dim3A_76 = vector.broadcast %broadcast_in_dim3A_75 : f32 to vector<16xf32>
      %swap3A_77 = arith.index_cast %scan3A_62 : i32 to index
      %swap3A_78 = arith.constant 32 : index
      %swap3A_79 = tpu.vector_load %arg12[%swap3A_77, %swap3A_78] {strides = array<i32>} : memref<16x128xf32, #tpu.memory_space<vmem>>, vector<1x16xf32>,
      %swap3A_80 = vector.shape_cast %swap3A_79 : vector<1x16xf32> to vector<16xf32>
      %swap3A_81 = vector.shape_cast %broadcast_in_dim3A_76 : vector<16xf32> to vector<1x16xf32>
      tpu.vector_store %arg12[%swap3A_77, %swap3A_78], %swap3A_81 {strides = array<i32>} : memref<16x128xf32, #tpu.memory_space<vmem>>, vector<1x16xf32>,
      %broadcast_in_dim3A_82 = arith.constant 0.000000e+00 : f32
      %broadcast_in_dim3A_83 = vector.broadcast %broadcast_in_dim3A_82 : f32 to vector<16xf32>
      %swap3A_84 = arith.index_cast %scan3A_62 : i32 to index
      %swap3A_85 = arith.constant 48 : index
      %swap3A_86 = tpu.vector_load %arg12[%swap3A_84, %swap3A_85] {strides = array<i32>} : memref<16x128xf32, #tpu.memory_space<vmem>>, vector<1x16xf32>,
      %swap3A_87 = vector.shape_cast %swap3A_86 : vector<1x16xf32> to vector<16xf32>
      %swap3A_88 = vector.shape_cast %broadcast_in_dim3A_83 : vector<16xf32> to vector<1x16xf32>
      tpu.vector_store %arg12[%swap3A_84, %swap3A_85], %swap3A_88 {strides = array<i32>} : memref<16x128xf32, #tpu.memory_space<vmem>>, vector<1x16xf32>,
      %broadcast_in_dim3A_89 = arith.constant 0.000000e+00 : f32
      %broadcast_in_dim3A_90 = vector.broadcast %broadcast_in_dim3A_89 : f32 to vector<16xf32>
      %swap3A_91 = arith.index_cast %scan3A_62 : i32 to index
      %swap3A_92 = arith.constant 64 : index
      %swap3A_93 = tpu.vector_load %arg12[%swap3A_91, %swap3A_92] {strides = array<i32>} : memref<16x128xf32, #tpu.memory_space<vmem>>, vector<1x16xf32>,
      %swap3A_94 = vector.shape_cast %swap3A_93 : vector<1x16xf32> to vector<16xf32>
      %swap3A_95 = vector.shape_cast %broadcast_in_dim3A_90 : vector<16xf32> to vector<1x16xf32>
      tpu.vector_store %arg12[%swap3A_91, %swap3A_92], %swap3A_95 {strides = array<i32>} : memref<16x128xf32, #tpu.memory_space<vmem>>, vector<1x16xf32>,
      %broadcast_in_dim3A_96 = arith.constant 0.000000e+00 : f32
      %broadcast_in_dim3A_97 = vector.broadcast %broadcast_in_dim3A_96 : f32 to vector<16xf32>
      %swap3A_98 = arith.index_cast %scan3A_62 : i32 to index
      %swap3A_99 = arith.constant 80 : index
      %swap3A_100 = tpu.vector_load %arg12[%swap3A_98, %swap3A_99] {strides = array<i32>} : memref<16x128xf32, #tpu.memory_space<vmem>>, vector<1x16xf32>,
      %swap3A_101 = vector.shape_cast %swap3A_100 : vector<1x16xf32> to vector<16xf32>
      %swap3A_102 = vector.shape_cast %broadcast_in_dim3A_97 : vector<16xf32> to vector<1x16xf32>
      tpu.vector_store %arg12[%swap3A_98, %swap3A_99], %swap3A_102 {strides = array<i32>} : memref<16x128xf32, #tpu.memory_space<vmem>>, vector<1x16xf32>,
      %broadcast_in_dim3A_103 = arith.constant 0.000000e+00 : f32
      %broadcast_in_dim3A_104 = vector.broadcast %broadcast_in_dim3A_103 : f32 to vector<16xf32>
      %swap3A_105 = arith.index_cast %scan3A_62 : i32 to index
      %swap3A_106 = arith.constant 96 : index
      %swap3A_107 = tpu.vector_load %arg12[%swap3A_105, %swap3A_106] {strides = array<i32>} : memref<16x128xf32, #tpu.memory_space<vmem>>, vector<1x16xf32>,
      %swap3A_108 = vector.shape_cast %swap3A_107 : vector<1x16xf32> to vector<16xf32>
      %swap3A_109 = vector.shape_cast %broadcast_in_dim3A_104 : vector<16xf32> to vector<1x16xf32>
      tpu.vector_store %arg12[%swap3A_105, %swap3A_106], %swap3A_109 {strides = array<i32>} : memref<16x128xf32, #tpu.memory_space<vmem>>, vector<1x16xf32>,
      %broadcast_in_dim3A_110 = arith.constant 0.000000e+00 : f32
      %broadcast_in_dim3A_111 = vector.broadcast %broadcast_in_dim3A_110 : f32 to vector<16xf32>
      %swap3A_112 = arith.index_cast %scan3A_62 : i32 to index
      %swap3A_113 = arith.constant 112 : index
      %swap3A_114 = tpu.vector_load %arg12[%swap3A_112, %swap3A_113] {strides = array<i32>} : memref<16x128xf32, #tpu.memory_space<vmem>>, vector<1x16xf32>,
      %swap3A_115 = vector.shape_cast %swap3A_114 : vector<1x16xf32> to vector<16xf32>
      %swap3A_116 = vector.shape_cast %broadcast_in_dim3A_111 : vector<16xf32> to vector<1x16xf32>
      tpu.vector_store %arg12[%swap3A_112, %swap3A_113], %swap3A_116 {strides = array<i32>} : memref<16x128xf32, #tpu.memory_space<vmem>>, vector<1x16xf32>,
    }
    %scan3A_10 = arith.constant 16 : i32
    %scan3A_11 = arith.constant 0 : i32
    %scan3A_12 = arith.constant 0 : i32
    %scan3A_13 = arith.constant 40 : i32
    %scan3A_14 = arith.addi %scan3A_12, %scan3A_13 : i32
    %scan3A_15 = arith.constant 1 : i32
    scf.for %scan3A_62 = %scan3A_12 to %scan3A_14 step %scan3A_15  : i32 {
      %mul3A_63 = arith.constant 640 : i32
      %mul3A_64 = arith.muli %arg1, %mul3A_63 : i32
      %mul3A_65 = arith.constant 16 : i32
      %mul3A_66 = arith.muli %scan3A_62, %mul3A_65 : i32
      %add3A_67 = arith.addi %mul3A_64, %mul3A_66 : i32
      %dma_start3A_68 = arith.constant 0 : i32
      %dma_start3A_69 = tpu.memref_slice %arg13[%add3A_67, %dma_start3A_68] : memref<10240x128xf32, #tpu.memory_space<vmem_shared>> -> memref<16x128xf32, #tpu.memory_space<vmem_shared>>
      %dma_start3A_70 = arith.constant 0 : i32
      %dma_start3A_71 = tpu.memref_slice %arg13[%add3A_67, %dma_start3A_70] : memref<10240x128xf32, #tpu.memory_space<vmem_shared>> -> memref<16x128xf32, #tpu.memory_space<vmem_shared>>
      tpu.enqueue_dma source(%arg12 : memref<16x128xf32, #tpu.memory_space<vmem>>) target(%dma_start3A_71 : memref<16x128xf32, #tpu.memory_space<vmem_shared>>) target_semaphore(%arg18 : memref<!tpu.dma_semaphore, #tpu.memory_space<semaphore_mem>>)
    }
    %scan3A_16 = arith.constant 40 : i32
    %mul3A_17 = arith.constant 80 : i32
    %mul3A_18 = arith.muli %add3A, %mul3A_17 : i32
    %dma_wait3A = arith.constant 0 : i32
    %dma_wait3A_19 = tpu.memref_slice %arg3[%mul3A_18, %dma_wait3A] : memref<2560x125xi32, #tpu.memory_space<hbm>> -> memref<80x125xi32, #tpu.memory_space<hbm>>
    %dma_wait3A_20 = arith.constant 0 : i32
    %dma_wait3A_21 = tpu.memref_slice %arg3[%mul3A_18, %dma_wait3A_20] : memref<2560x125xi32, #tpu.memory_space<hbm>> -> memref<80x125xi32, #tpu.memory_space<hbm>>
    tpu.wait_dma2 semaphore(%arg15 : memref<!tpu.dma_semaphore, #tpu.memory_space<semaphore_mem>>) src(%dma_wait3A_21 : memref<80x125xi32, #tpu.memory_space<hbm>>) dst(%arg7 : memref<80x125xi32, #tpu.memory_space<vmem>>)
    %mul3A_22 = arith.constant 80 : i32
    %mul3A_23 = arith.muli %add3A, %mul3A_22 : i32
    %dma_start3A_24 = arith.constant 0 : i32
    %dma_start3A_25 = tpu.memref_slice %arg4[%mul3A_23, %dma_start3A_24] : memref<2560x125xi32, #tpu.memory_space<hbm>> -> memref<1x125xi32, #tpu.memory_space<hbm>>
    %dma_start3A_26 = tpu.memref_squeeze %dma_start3A_25 : memref<1x125xi32, #tpu.memory_space<hbm>> -> memref<125xi32, #tpu.memory_space<hbm>>
    %dma_start3A_27 = arith.constant 0 : i32
    %dma_start3A_28 = tpu.memref_slice %arg4[%mul3A_23, %dma_start3A_27] : memref<2560x125xi32, #tpu.memory_space<hbm>> -> memref<1x125xi32, #tpu.memory_space<hbm>>
    %dma_start3A_29 = tpu.memref_squeeze %dma_start3A_28 : memref<1x125xi32, #tpu.memory_space<hbm>> -> memref<125xi32, #tpu.memory_space<hbm>>
    tpu.enqueue_dma source(%dma_start3A_29 : memref<125xi32, #tpu.memory_space<hbm>>) target(%arg10 : memref<125xi32, #tpu.memory_space<vmem>>) target_semaphore(%arg16 : memref<!tpu.dma_semaphore, #tpu.memory_space<semaphore_mem>>)
    %scan3A_30 = arith.constant 0 : i32
    %scan3A_31 = arith.constant 0 : i32
    %scan3A_32 = arith.constant 40 : i32
    %scan3A_33 = arith.addi %scan3A_31, %scan3A_32 : i32
    %scan3A_34 = arith.constant 1 : i32
    scf.for %scan3A_62 = %scan3A_31 to %scan3A_33 step %scan3A_34  : i32 {
      %mul3A_63 = arith.constant 640 : i32
      %mul3A_64 = arith.muli %arg1, %mul3A_63 : i32
      %mul3A_65 = arith.constant 16 : i32
      %mul3A_66 = arith.muli %scan3A_62, %mul3A_65 : i32
      %add3A_67 = arith.addi %mul3A_64, %mul3A_66 : i32
      %dma_wait3A_68 = arith.constant 0 : i32
      %dma_wait3A_69 = tpu.memref_slice %arg13[%add3A_67, %dma_wait3A_68] : memref<10240x128xf32, #tpu.memory_space<vmem_shared>> -> memref<16x128xf32, #tpu.memory_space<vmem_shared>>
      %dma_wait3A_70 = arith.constant 0 : i32
      %dma_wait3A_71 = tpu.memref_slice %arg13[%add3A_67, %dma_wait3A_70] : memref<10240x128xf32, #tpu.memory_space<vmem_shared>> -> memref<16x128xf32, #tpu.memory_space<vmem_shared>>
      tpu.wait_dma2 semaphore(%arg18 : memref<!tpu.dma_semaphore, #tpu.memory_space<semaphore_mem>>) src(%arg12 : memref<16x128xf32, #tpu.memory_space<vmem>>) dst(%dma_wait3A_71 : memref<16x128xf32, #tpu.memory_space<vmem_shared>>)
    }
    %scan3A_35 = arith.constant 40 : i32
    %barrier3A = arith.constant 0 : index
    tpu.barrier barrier_id(%barrier3A)
    %dma_start3A_36 = arith.constant 0 : i32
    %dma_start3A_37 = arith.constant 0 : i32
    %dma_start3A_38 = tpu.memref_slice %arg7[%dma_start3A_36, %dma_start3A_37] : memref<80x125xi32, #tpu.memory_space<vmem>> -> memref<1x125xi32, #tpu.memory_space<vmem>>
    %dma_start3A_39 = tpu.memref_squeeze %dma_start3A_38 : memref<1x125xi32, #tpu.memory_space<vmem>> -> memref<125xi32, #tpu.memory_space<vmem>>
    %dma_start3A_40 = arith.constant 0 : i32
    %dma_start3A_41 = arith.constant 0 : i32
    %dma_start3A_42 = tpu.memref_slice %arg2[%dma_start3A_40, %dma_start3A_41] : memref<10240x128xf32, #tpu.memory_space<hbm>> -> memref<10240x128xf32, #tpu.memory_space<hbm>>
    tpu.enqueue_indirect_dma source(%dma_start3A_42 : memref<10240x128xf32, #tpu.memory_space<hbm>>) target(%arg8 : memref<125x128xf32, #tpu.memory_space<vmem>>) offsets(%dma_start3A_39 : memref<125xi32, #tpu.memory_space<vmem>>) semaphore(%arg14 : memref<!tpu.dma_semaphore, #tpu.memory_space<semaphore_mem>>)
    %scan3A_43 = arith.constant 0 : i32
    %scan3A_44 = arith.constant 0 : i32
    %scan3A_45 = arith.constant 40 : i32
    %scan3A_46 = arith.addi %scan3A_44, %scan3A_45 : i32
    %scan3A_47 = arith.constant 1 : i32
    scf.for %scan3A_62 = %scan3A_44 to %scan3A_46 step %scan3A_47  : i32 {
      %mul3A_63 = arith.constant 2 : i32
      %mul3A_64 = arith.muli %scan3A_62, %mul3A_63 : i32
      %add3A_65 = arith.constant 0 : i32
      %add3A_66 = arith.addi %mul3A_64, %add3A_65 : i32
      %ge3A = arith.constant 1 : i32
      %ge3A_67 = arith.cmpi sge, %add3A_66, %ge3A : i32
      %convert_element_type3A_68 = arith.extui %ge3A_67 : i1 to i32
      %cond3A_69 = arith.constant 0 : i32
      %cond3A_70 = arith.cmpi ne, %convert_element_type3A_68, %cond3A_69 : i32
      scf.if %cond3A_70 {
        %dma_wait3A_129 = arith.constant 0 : i32
        %dma_wait3A_130 = arith.constant 0 : i32
        %dma_wait3A_131 = tpu.memref_slice %arg13[%dma_wait3A_129, %dma_wait3A_130] : memref<10240x128xf32, #tpu.memory_space<vmem_shared>> -> memref<10240x128xf32, #tpu.memory_space<vmem_shared>>
        tpu.wait_indirect_dma semaphore(%arg19 : memref<!tpu.dma_semaphore, #tpu.memory_space<semaphore_mem>>) src(%arg9 : memref<125x128xf32, #tpu.memory_space<vmem>>) dst(%dma_wait3A_131 : memref<10240x128xf32, #tpu.memory_space<vmem_shared>>)
      } else {
      }
      %add3A_71 = arith.constant 1 : i32
      %add3A_72 = arith.addi %add3A_66, %add3A_71 : i32
      %lt3A = arith.constant 80 : i32
      %lt3A_73 = arith.cmpi slt, %add3A_72, %lt3A : i32
      %convert_element_type3A_74 = arith.extui %lt3A_73 : i1 to i32
      %cond3A_75 = arith.constant 0 : i32
      %cond3A_76 = arith.cmpi ne, %convert_element_type3A_74, %cond3A_75 : i32
      scf.if %cond3A_76 {
        %add3A_129 = arith.constant 1 : i32
        %add3A_130 = arith.addi %add3A_66, %add3A_129 : i32
        %dma_start3A_131 = arith.constant 0 : i32
        %dma_start3A_132 = tpu.memref_slice %arg7[%add3A_130, %dma_start3A_131] : memref<80x125xi32, #tpu.memory_space<vmem>> -> memref<1x125xi32, #tpu.memory_space<vmem>>
        %dma_start3A_133 = tpu.memref_squeeze %dma_start3A_132 : memref<1x125xi32, #tpu.memory_space<vmem>> -> memref<125xi32, #tpu.memory_space<vmem>>
        %dma_start3A_134 = arith.constant 0 : i32
        %dma_start3A_135 = arith.constant 0 : i32
        %dma_start3A_136 = tpu.memref_slice %arg2[%dma_start3A_134, %dma_start3A_135] : memref<10240x128xf32, #tpu.memory_space<hbm>> -> memref<10240x128xf32, #tpu.memory_space<hbm>>
        tpu.enqueue_indirect_dma source(%dma_start3A_136 : memref<10240x128xf32, #tpu.memory_space<hbm>>) target(%arg9 : memref<125x128xf32, #tpu.memory_space<vmem>>) offsets(%dma_start3A_133 : memref<125xi32, #tpu.memory_space<vmem>>) semaphore(%arg15 : memref<!tpu.dma_semaphore, #tpu.memory_space<semaphore_mem>>)
        %mul3A_137 = arith.constant 80 : i32
        %mul3A_138 = arith.muli %add3A, %mul3A_137 : i32
        %add3A_139 = arith.addi %mul3A_138, %add3A_66 : i32
        %add3A_140 = arith.constant 1 : i32
        %add3A_141 = arith.addi %add3A_139, %add3A_140 : i32
        %dma_start3A_142 = arith.constant 0 : i32
        %dma_start3A_143 = tpu.memref_slice %arg4[%add3A_141, %dma_start3A_142] : memref<2560x125xi32, #tpu.memory_space<hbm>> -> memref<1x125xi32, #tpu.memory_space<hbm>>
        %dma_start3A_144 = tpu.memref_squeeze %dma_start3A_143 : memref<1x125xi32, #tpu.memory_space<hbm>> -> memref<125xi32, #tpu.memory_space<hbm>>
        %dma_start3A_145 = arith.constant 0 : i32
        %dma_start3A_146 = tpu.memref_slice %arg4[%add3A_141, %dma_start3A_145] : memref<2560x125xi32, #tpu.memory_space<hbm>> -> memref<1x125xi32, #tpu.memory_space<hbm>>
        %dma_start3A_147 = tpu.memref_squeeze %dma_start3A_146 : memref<1x125xi32, #tpu.memory_space<hbm>> -> memref<125xi32, #tpu.memory_space<hbm>>
        tpu.enqueue_dma source(%dma_start3A_147 : memref<125xi32, #tpu.memory_space<hbm>>) target(%arg11 : memref<125xi32, #tpu.memory_space<vmem>>) target_semaphore(%arg17 : memref<!tpu.dma_semaphore, #tpu.memory_space<semaphore_mem>>)
      } else {
      }
      %dma_wait3A_77 = arith.constant 0 : i32
      %dma_wait3A_78 = tpu.memref_slice %arg7[%add3A_66, %dma_wait3A_77] : memref<80x125xi32, #tpu.memory_space<vmem>> -> memref<1x125xi32, #tpu.memory_space<vmem>>
      %dma_wait3A_79 = tpu.memref_squeeze %dma_wait3A_78 : memref<1x125xi32, #tpu.memory_space<vmem>> -> memref<125xi32, #tpu.memory_space<vmem>>
      %dma_wait3A_80 = arith.constant 0 : i32
      %dma_wait3A_81 = arith.constant 0 : i32
      %dma_wait3A_82 = tpu.memref_slice %arg2[%dma_wait3A_80, %dma_wait3A_81] : memref<10240x128xf32, #tpu.memory_space<hbm>> -> memref<10240x128xf32, #tpu.memory_space<hbm>>
      tpu.wait_indirect_dma semaphore(%arg14 : memref<!tpu.dma_semaphore, #tpu.memory_space<semaphore_mem>>) src(%dma_wait3A_82 : memref<10240x128xf32, #tpu.memory_space<hbm>>) dst(%arg8 : memref<125x128xf32, #tpu.memory_space<vmem>>)
      %mul3A_83 = arith.constant 80 : i32
      %mul3A_84 = arith.muli %add3A, %mul3A_83 : i32
      %add3A_85 = arith.addi %mul3A_84, %add3A_66 : i32
      %dma_wait3A_86 = arith.constant 0 : i32
      %dma_wait3A_87 = tpu.memref_slice %arg4[%add3A_85, %dma_wait3A_86] : memref<2560x125xi32, #tpu.memory_space<hbm>> -> memref<1x125xi32, #tpu.memory_space<hbm>>
      %dma_wait3A_88 = tpu.memref_squeeze %dma_wait3A_87 : memref<1x125xi32, #tpu.memory_space<hbm>> -> memref<125xi32, #tpu.memory_space<hbm>>
      %dma_wait3A_89 = arith.constant 0 : i32
      %dma_wait3A_90 = tpu.memref_slice %arg4[%add3A_85, %dma_wait3A_89] : memref<2560x125xi32, #tpu.memory_space<hbm>> -> memref<1x125xi32, #tpu.memory_space<hbm>>
      %dma_wait3A_91 = tpu.memref_squeeze %dma_wait3A_90 : memref<1x125xi32, #tpu.memory_space<hbm>> -> memref<125xi32, #tpu.memory_space<hbm>>
      tpu.wait_dma2 semaphore(%arg16 : memref<!tpu.dma_semaphore, #tpu.memory_space<semaphore_mem>>) src(%dma_wait3A_91 : memref<125xi32, #tpu.memory_space<hbm>>) dst(%arg10 : memref<125xi32, #tpu.memory_space<vmem>>)
      %dma_start3A_92 = arith.constant 0 : i32
      %dma_start3A_93 = arith.constant 0 : i32
      %dma_start3A_94 = tpu.memref_slice %arg13[%dma_start3A_92, %dma_start3A_93] : memref<10240x128xf32, #tpu.memory_space<vmem_shared>> -> memref<10240x128xf32, #tpu.memory_space<vmem_shared>>
      tpu.enqueue_indirect_dma source(%arg8 : memref<125x128xf32, #tpu.memory_space<vmem>>) target(%dma_start3A_94 : memref<10240x128xf32, #tpu.memory_space<vmem_shared>>) offsets(%arg10 : memref<125xi32, #tpu.memory_space<vmem>>) semaphore(%arg18 : memref<!tpu.dma_semaphore, #tpu.memory_space<semaphore_mem>>) {add = true}
      %mul3A_95 = arith.constant 2 : i32
      %mul3A_96 = arith.muli %scan3A_62, %mul3A_95 : i32
      %add3A_97 = arith.constant 1 : i32
      %add3A_98 = arith.addi %mul3A_96, %add3A_97 : i32
      %ge3A_99 = arith.constant 1 : i32
      %ge3A_100 = arith.cmpi sge, %add3A_98, %ge3A_99 : i32
      %convert_element_type3A_101 = arith.extui %ge3A_100 : i1 to i32
      %cond3A_102 = arith.constant 0 : i32
      %cond3A_103 = arith.cmpi ne, %convert_element_type3A_101, %cond3A_102 : i32
      scf.if %cond3A_103 {
        %dma_wait3A_129 = arith.constant 0 : i32
        %dma_wait3A_130 = arith.constant 0 : i32
        %dma_wait3A_131 = tpu.memref_slice %arg13[%dma_wait3A_129, %dma_wait3A_130] : memref<10240x128xf32, #tpu.memory_space<vmem_shared>> -> memref<10240x128xf32, #tpu.memory_space<vmem_shared>>
        tpu.wait_indirect_dma semaphore(%arg18 : memref<!tpu.dma_semaphore, #tpu.memory_space<semaphore_mem>>) src(%arg8 : memref<125x128xf32, #tpu.memory_space<vmem>>) dst(%dma_wait3A_131 : memref<10240x128xf32, #tpu.memory_space<vmem_shared>>)
      } else {
      }
      %add3A_104 = arith.constant 1 : i32
      %add3A_105 = arith.addi %add3A_98, %add3A_104 : i32
      %lt3A_106 = arith.constant 80 : i32
      %lt3A_107 = arith.cmpi slt, %add3A_105, %lt3A_106 : i32
      %convert_element_type3A_108 = arith.extui %lt3A_107 : i1 to i32
      %cond3A_109 = arith.constant 0 : i32
      %cond3A_110 = arith.cmpi ne, %convert_element_type3A_108, %cond3A_109 : i32
      scf.if %cond3A_110 {
        %add3A_129 = arith.constant 1 : i32
        %add3A_130 = arith.addi %add3A_98, %add3A_129 : i32
        %dma_start3A_131 = arith.constant 0 : i32
        %dma_start3A_132 = tpu.memref_slice %arg7[%add3A_130, %dma_start3A_131] : memref<80x125xi32, #tpu.memory_space<vmem>> -> memref<1x125xi32, #tpu.memory_space<vmem>>
        %dma_start3A_133 = tpu.memref_squeeze %dma_start3A_132 : memref<1x125xi32, #tpu.memory_space<vmem>> -> memref<125xi32, #tpu.memory_space<vmem>>
        %dma_start3A_134 = arith.constant 0 : i32
        %dma_start3A_135 = arith.constant 0 : i32
        %dma_start3A_136 = tpu.memref_slice %arg2[%dma_start3A_134, %dma_start3A_135] : memref<10240x128xf32, #tpu.memory_space<hbm>> -> memref<10240x128xf32, #tpu.memory_space<hbm>>
        tpu.enqueue_indirect_dma source(%dma_start3A_136 : memref<10240x128xf32, #tpu.memory_space<hbm>>) target(%arg8 : memref<125x128xf32, #tpu.memory_space<vmem>>) offsets(%dma_start3A_133 : memref<125xi32, #tpu.memory_space<vmem>>) semaphore(%arg14 : memref<!tpu.dma_semaphore, #tpu.memory_space<semaphore_mem>>)
        %mul3A_137 = arith.constant 80 : i32
        %mul3A_138 = arith.muli %add3A, %mul3A_137 : i32
        %add3A_139 = arith.addi %mul3A_138, %add3A_98 : i32
        %add3A_140 = arith.constant 1 : i32
        %add3A_141 = arith.addi %add3A_139, %add3A_140 : i32
        %dma_start3A_142 = arith.constant 0 : i32
        %dma_start3A_143 = tpu.memref_slice %arg4[%add3A_141, %dma_start3A_142] : memref<2560x125xi32, #tpu.memory_space<hbm>> -> memref<1x125xi32, #tpu.memory_space<hbm>>
        %dma_start3A_144 = tpu.memref_squeeze %dma_start3A_143 : memref<1x125xi32, #tpu.memory_space<hbm>> -> memref<125xi32, #tpu.memory_space<hbm>>
        %dma_start3A_145 = arith.constant 0 : i32
        %dma_start3A_146 = tpu.memref_slice %arg4[%add3A_141, %dma_start3A_145] : memref<2560x125xi32, #tpu.memory_space<hbm>> -> memref<1x125xi32, #tpu.memory_space<hbm>>
        %dma_start3A_147 = tpu.memref_squeeze %dma_start3A_146 : memref<1x125xi32, #tpu.memory_space<hbm>> -> memref<125xi32, #tpu.memory_space<hbm>>
        tpu.enqueue_dma source(%dma_start3A_147 : memref<125xi32, #tpu.memory_space<hbm>>) target(%arg10 : memref<125xi32, #tpu.memory_space<vmem>>) target_semaphore(%arg16 : memref<!tpu.dma_semaphore, #tpu.memory_space<semaphore_mem>>)
      } else {
      }
      %dma_wait3A_111 = arith.constant 0 : i32
      %dma_wait3A_112 = tpu.memref_slice %arg7[%add3A_98, %dma_wait3A_111] : memref<80x125xi32, #tpu.memory_space<vmem>> -> memref<1x125xi32, #tpu.memory_space<vmem>>
      %dma_wait3A_113 = tpu.memref_squeeze %dma_wait3A_112 : memref<1x125xi32, #tpu.memory_space<vmem>> -> memref<125xi32, #tpu.memory_space<vmem>>
      %dma_wait3A_114 = arith.constant 0 : i32
      %dma_wait3A_115 = arith.constant 0 : i32
      %dma_wait3A_116 = tpu.memref_slice %arg2[%dma_wait3A_114, %dma_wait3A_115] : memref<10240x128xf32, #tpu.memory_space<hbm>> -> memref<10240x128xf32, #tpu.memory_space<hbm>>
      tpu.wait_indirect_dma semaphore(%arg15 : memref<!tpu.dma_semaphore, #tpu.memory_space<semaphore_mem>>) src(%dma_wait3A_116 : memref<10240x128xf32, #tpu.memory_space<hbm>>) dst(%arg9 : memref<125x128xf32, #tpu.memory_space<vmem>>)
      %mul3A_117 = arith.constant 80 : i32
      %mul3A_118 = arith.muli %add3A, %mul3A_117 : i32
      %add3A_119 = arith.addi %mul3A_118, %add3A_98 : i32
      %dma_wait3A_120 = arith.constant 0 : i32
      %dma_wait3A_121 = tpu.memref_slice %arg4[%add3A_119, %dma_wait3A_120] : memref<2560x125xi32, #tpu.memory_space<hbm>> -> memref<1x125xi32, #tpu.memory_space<hbm>>
      %dma_wait3A_122 = tpu.memref_squeeze %dma_wait3A_121 : memref<1x125xi32, #tpu.memory_space<hbm>> -> memref<125xi32, #tpu.memory_space<hbm>>
      %dma_wait3A_123 = arith.constant 0 : i32
      %dma_wait3A_124 = tpu.memref_slice %arg4[%add3A_119, %dma_wait3A_123] : memref<2560x125xi32, #tpu.memory_space<hbm>> -> memref<1x125xi32, #tpu.memory_space<hbm>>
      %dma_wait3A_125 = tpu.memref_squeeze %dma_wait3A_124 : memref<1x125xi32, #tpu.memory_space<hbm>> -> memref<125xi32, #tpu.memory_space<hbm>>
      tpu.wait_dma2 semaphore(%arg17 : memref<!tpu.dma_semaphore, #tpu.memory_space<semaphore_mem>>) src(%dma_wait3A_125 : memref<125xi32, #tpu.memory_space<hbm>>) dst(%arg11 : memref<125xi32, #tpu.memory_space<vmem>>)
      %dma_start3A_126 = arith.constant 0 : i32
      %dma_start3A_127 = arith.constant 0 : i32
      %dma_start3A_128 = tpu.memref_slice %arg13[%dma_start3A_126, %dma_start3A_127] : memref<10240x128xf32, #tpu.memory_space<vmem_shared>> -> memref<10240x128xf32, #tpu.memory_space<vmem_shared>>
      tpu.enqueue_indirect_dma source(%arg9 : memref<125x128xf32, #tpu.memory_space<vmem>>) target(%dma_start3A_128 : memref<10240x128xf32, #tpu.memory_space<vmem_shared>>) offsets(%arg11 : memref<125xi32, #tpu.memory_space<vmem>>) semaphore(%arg19 : memref<!tpu.dma_semaphore, #tpu.memory_space<semaphore_mem>>) {add = true}
    }
    %scan3A_48 = arith.constant 40 : i32
    %dma_wait3A_49 = arith.constant 0 : i32
    %dma_wait3A_50 = arith.constant 0 : i32
    %dma_wait3A_51 = tpu.memref_slice %arg13[%dma_wait3A_49, %dma_wait3A_50] : memref<10240x128xf32, #tpu.memory_space<vmem_shared>> -> memref<10240x128xf32, #tpu.memory_space<vmem_shared>>
    tpu.wait_indirect_dma semaphore(%arg19 : memref<!tpu.dma_semaphore, #tpu.memory_space<semaphore_mem>>) src(%arg9 : memref<125x128xf32, #tpu.memory_space<vmem>>) dst(%dma_wait3A_51 : memref<10240x128xf32, #tpu.memory_space<vmem_shared>>)
    %barrier3A_52 = arith.constant 0 : index
    tpu.barrier barrier_id(%barrier3A_52)
    %mul3A_53 = arith.constant 640 : i32
    %mul3A_54 = arith.muli %arg1, %mul3A_53 : i32
    %eq3A = arith.constant 0 : i32
    %eq3A_55 = arith.cmpi eq, %arg0, %eq3A : i32
    %convert_element_type3A = arith.extui %eq3A_55 : i1 to i32
    %cond3A = arith.constant 0 : i32
    %cond3A_56 = arith.cmpi ne, %convert_element_type3A, %cond3A : i32
    scf.if %cond3A_56 {
      "tpu.region"() ({
        %run_scoped3A = tpu.sem_alloc : memref<!tpu.dma_semaphore, #tpu.memory_space<semaphore_mem>>
        %dma_start3A_62 = arith.constant 0 : i32
        %dma_start3A_63 = tpu.memref_slice %arg5[%mul3A_54, %dma_start3A_62] : memref<10240x128xf32, #tpu.memory_space<hbm>> -> memref<640x128xf32, #tpu.memory_space<hbm>>
        %dma_start3A_64 = arith.constant 0 : i32
        %dma_start3A_65 = tpu.memref_slice %arg13[%mul3A_54, %dma_start3A_64] : memref<10240x128xf32, #tpu.memory_space<vmem_shared>> -> memref<640x128xf32, #tpu.memory_space<vmem_shared>>
        tpu.enqueue_dma source(%dma_start3A_65 : memref<640x128xf32, #tpu.memory_space<vmem_shared>>) target(%dma_start3A_63 : memref<640x128xf32, #tpu.memory_space<hbm>>) target_semaphore(%run_scoped3A : memref<!tpu.dma_semaphore, #tpu.memory_space<semaphore_mem>>)
        %dma_wait3A_66 = arith.constant 0 : i32
        %dma_wait3A_67 = tpu.memref_slice %arg5[%mul3A_54, %dma_wait3A_66] : memref<10240x128xf32, #tpu.memory_space<hbm>> -> memref<640x128xf32, #tpu.memory_space<hbm>>
        %dma_wait3A_68 = arith.constant 0 : i32
        %dma_wait3A_69 = tpu.memref_slice %arg13[%mul3A_54, %dma_wait3A_68] : memref<10240x128xf32, #tpu.memory_space<vmem_shared>> -> memref<640x128xf32, #tpu.memory_space<vmem_shared>>
        tpu.wait_dma2 semaphore(%run_scoped3A : memref<!tpu.dma_semaphore, #tpu.memory_space<semaphore_mem>>) src(%dma_wait3A_69 : memref<640x128xf32, #tpu.memory_space<vmem_shared>>) dst(%dma_wait3A_67 : memref<640x128xf32, #tpu.memory_space<hbm>>)
        tpu.yield
      }) : () -> ()
    } else {
    }
    %eq3A_57 = arith.constant 1 : i32
    %eq3A_58 = arith.cmpi eq, %arg0, %eq3A_57 : i32
    %convert_element_type3A_59 = arith.extui %eq3A_58 : i1 to i32
    %cond3A_60 = arith.constant 0 : i32
    %cond3A_61 = arith.cmpi ne, %convert_element_type3A_59, %cond3A_60 : i32
    scf.if %cond3A_61 {
      "tpu.region"() ({
        %run_scoped3A = tpu.sem_alloc : memref<!tpu.dma_semaphore, #tpu.memory_space<semaphore_mem>>
        %dma_start3A_62 = arith.constant 0 : i32
        %dma_start3A_63 = tpu.memref_slice %arg6[%mul3A_54, %dma_start3A_62] : memref<10240x128xf32, #tpu.memory_space<hbm>> -> memref<640x128xf32, #tpu.memory_space<hbm>>
        %dma_start3A_64 = arith.constant 0 : i32
        %dma_start3A_65 = tpu.memref_slice %arg13[%mul3A_54, %dma_start3A_64] : memref<10240x128xf32, #tpu.memory_space<vmem_shared>> -> memref<640x128xf32, #tpu.memory_space<vmem_shared>>
        tpu.enqueue_dma source(%dma_start3A_65 : memref<640x128xf32, #tpu.memory_space<vmem_shared>>) target(%dma_start3A_63 : memref<640x128xf32, #tpu.memory_space<hbm>>) target_semaphore(%run_scoped3A : memref<!tpu.dma_semaphore, #tpu.memory_space<semaphore_mem>>)
        %dma_wait3A_66 = arith.constant 0 : i32
        %dma_wait3A_67 = tpu.memref_slice %arg6[%mul3A_54, %dma_wait3A_66] : memref<10240x128xf32, #tpu.memory_space<hbm>> -> memref<640x128xf32, #tpu.memory_space<hbm>>
        %dma_wait3A_68 = arith.constant 0 : i32
        %dma_wait3A_69 = tpu.memref_slice %arg13[%mul3A_54, %dma_wait3A_68] : memref<10240x128xf32, #tpu.memory_space<vmem_shared>> -> memref<640x128xf32, #tpu.memory_space<vmem_shared>>
        tpu.wait_dma2 semaphore(%run_scoped3A : memref<!tpu.dma_semaphore, #tpu.memory_space<semaphore_mem>>) src(%dma_wait3A_69 : memref<640x128xf32, #tpu.memory_space<vmem_shared>>) dst(%dma_wait3A_67 : memref<640x128xf32, #tpu.memory_space<hbm>>)
        tpu.yield
      }) : () -> ()
    } else {
    }
    return
  }
}

#map = affine_map<(d0, d1) -> (0, 0)>
#map1 = affine_map<(d0, d1) -> (0)>
module attributes {stable_mosaic.version = 14 : i64} {
  func.func @deg_kernel(%arg0: i32, %arg1: i32, %arg2: memref<2560x125xi32, #tpu.memory_space<hbm>>, %arg3: memref<10240xf32, #tpu.memory_space<hbm>>, %arg4: memref<10240xf32, #tpu.memory_space<hbm>>, %arg5: memref<80x125xi32, #tpu.memory_space<vmem>>, %arg6: memref<128xf32, #tpu.memory_space<vmem>>, %arg7: memref<640xf32, #tpu.memory_space<vmem>>, %arg8: memref<10240xf32, #tpu.memory_space<vmem_shared>>) attributes {dimension_semantics = [#tpu.dimension_semantics<core_parallel>, #tpu.dimension_semantics<subcore_parallel>], iteration_bounds = array<i64: 2, 16>, scalar_prefetch = 0 : i64, scratch_operands = 4 : i64, tpu.core_type = #tpu.core_type<sc_vector_subcore>, window_params = [{transform_indices = #map}, {transform_indices = #map1}, {transform_indices = #map1}]} {
    %mul3A = arith.constant 2 : i32
    %mul3A_0 = arith.muli %arg1, %mul3A : i32
    %add3A = arith.addi %mul3A_0, %arg0 : i32
    %mul3A_1 = arith.constant 80 : i32
    %mul3A_2 = arith.muli %add3A, %mul3A_1 : i32
    "tpu.region"() ({
      %run_scoped3A = tpu.sem_alloc : memref<!tpu.dma_semaphore, #tpu.memory_space<semaphore_mem>>
      %dma_start3A = arith.constant 0 : i32
      %dma_start3A_72 = tpu.memref_slice %arg2[%mul3A_2, %dma_start3A] : memref<2560x125xi32, #tpu.memory_space<hbm>> -> memref<80x125xi32, #tpu.memory_space<hbm>>
      %dma_start3A_73 = arith.constant 0 : i32
      %dma_start3A_74 = tpu.memref_slice %arg2[%mul3A_2, %dma_start3A_73] : memref<2560x125xi32, #tpu.memory_space<hbm>> -> memref<80x125xi32, #tpu.memory_space<hbm>>
      tpu.enqueue_dma source(%dma_start3A_74 : memref<80x125xi32, #tpu.memory_space<hbm>>) target(%arg5 : memref<80x125xi32, #tpu.memory_space<vmem>>) target_semaphore(%run_scoped3A : memref<!tpu.dma_semaphore, #tpu.memory_space<semaphore_mem>>)
      %dma_wait3A = arith.constant 0 : i32
      %dma_wait3A_75 = tpu.memref_slice %arg2[%mul3A_2, %dma_wait3A] : memref<2560x125xi32, #tpu.memory_space<hbm>> -> memref<80x125xi32, #tpu.memory_space<hbm>>
      %dma_wait3A_76 = arith.constant 0 : i32
      %dma_wait3A_77 = tpu.memref_slice %arg2[%mul3A_2, %dma_wait3A_76] : memref<2560x125xi32, #tpu.memory_space<hbm>> -> memref<80x125xi32, #tpu.memory_space<hbm>>
      tpu.wait_dma2 semaphore(%run_scoped3A : memref<!tpu.dma_semaphore, #tpu.memory_space<semaphore_mem>>) src(%dma_wait3A_77 : memref<80x125xi32, #tpu.memory_space<hbm>>) dst(%arg5 : memref<80x125xi32, #tpu.memory_space<vmem>>)
      tpu.yield
    }) : () -> ()
    %broadcast_in_dim3A = arith.constant 1.000000e+00 : f32
    %broadcast_in_dim3A_3 = vector.broadcast %broadcast_in_dim3A : f32 to vector<16xf32>
    %swap3A = arith.constant 0 : index
    %swap3A_4 = tpu.vector_load %arg6[%swap3A] {strides = array<i32>} : memref<128xf32, #tpu.memory_space<vmem>>, vector<16xf32>,
    %swap3A_5 = vector.shape_cast %swap3A_4 : vector<16xf32> to vector<16xf32>
    %swap3A_6 = vector.shape_cast %broadcast_in_dim3A_3 : vector<16xf32> to vector<16xf32>
    tpu.vector_store %arg6[%swap3A], %swap3A_6 {strides = array<i32>} : memref<128xf32, #tpu.memory_space<vmem>>, vector<16xf32>,
    %broadcast_in_dim3A_7 = arith.constant 1.000000e+00 : f32
    %broadcast_in_dim3A_8 = vector.broadcast %broadcast_in_dim3A_7 : f32 to vector<16xf32>
    %swap3A_9 = arith.constant 16 : index
    %swap3A_10 = tpu.vector_load %arg6[%swap3A_9] {strides = array<i32>} : memref<128xf32, #tpu.memory_space<vmem>>, vector<16xf32>,
    %swap3A_11 = vector.shape_cast %swap3A_10 : vector<16xf32> to vector<16xf32>
    %swap3A_12 = vector.shape_cast %broadcast_in_dim3A_8 : vector<16xf32> to vector<16xf32>
    tpu.vector_store %arg6[%swap3A_9], %swap3A_12 {strides = array<i32>} : memref<128xf32, #tpu.memory_space<vmem>>, vector<16xf32>,
    %broadcast_in_dim3A_13 = arith.constant 1.000000e+00 : f32
    %broadcast_in_dim3A_14 = vector.broadcast %broadcast_in_dim3A_13 : f32 to vector<16xf32>
    %swap3A_15 = arith.constant 32 : index
    %swap3A_16 = tpu.vector_load %arg6[%swap3A_15] {strides = array<i32>} : memref<128xf32, #tpu.memory_space<vmem>>, vector<16xf32>,
    %swap3A_17 = vector.shape_cast %swap3A_16 : vector<16xf32> to vector<16xf32>
    %swap3A_18 = vector.shape_cast %broadcast_in_dim3A_14 : vector<16xf32> to vector<16xf32>
    tpu.vector_store %arg6[%swap3A_15], %swap3A_18 {strides = array<i32>} : memref<128xf32, #tpu.memory_space<vmem>>, vector<16xf32>,
    %broadcast_in_dim3A_19 = arith.constant 1.000000e+00 : f32
    %broadcast_in_dim3A_20 = vector.broadcast %broadcast_in_dim3A_19 : f32 to vector<16xf32>
    %swap3A_21 = arith.constant 48 : index
    %swap3A_22 = tpu.vector_load %arg6[%swap3A_21] {strides = array<i32>} : memref<128xf32, #tpu.memory_space<vmem>>, vector<16xf32>,
    %swap3A_23 = vector.shape_cast %swap3A_22 : vector<16xf32> to vector<16xf32>
    %swap3A_24 = vector.shape_cast %broadcast_in_dim3A_20 : vector<16xf32> to vector<16xf32>
    tpu.vector_store %arg6[%swap3A_21], %swap3A_24 {strides = array<i32>} : memref<128xf32, #tpu.memory_space<vmem>>, vector<16xf32>,
    %broadcast_in_dim3A_25 = arith.constant 1.000000e+00 : f32
    %broadcast_in_dim3A_26 = vector.broadcast %broadcast_in_dim3A_25 : f32 to vector<16xf32>
    %swap3A_27 = arith.constant 64 : index
    %swap3A_28 = tpu.vector_load %arg6[%swap3A_27] {strides = array<i32>} : memref<128xf32, #tpu.memory_space<vmem>>, vector<16xf32>,
    %swap3A_29 = vector.shape_cast %swap3A_28 : vector<16xf32> to vector<16xf32>
    %swap3A_30 = vector.shape_cast %broadcast_in_dim3A_26 : vector<16xf32> to vector<16xf32>
    tpu.vector_store %arg6[%swap3A_27], %swap3A_30 {strides = array<i32>} : memref<128xf32, #tpu.memory_space<vmem>>, vector<16xf32>,
    %broadcast_in_dim3A_31 = arith.constant 1.000000e+00 : f32
    %broadcast_in_dim3A_32 = vector.broadcast %broadcast_in_dim3A_31 : f32 to vector<16xf32>
    %swap3A_33 = arith.constant 80 : index
    %swap3A_34 = tpu.vector_load %arg6[%swap3A_33] {strides = array<i32>} : memref<128xf32, #tpu.memory_space<vmem>>, vector<16xf32>,
    %swap3A_35 = vector.shape_cast %swap3A_34 : vector<16xf32> to vector<16xf32>
    %swap3A_36 = vector.shape_cast %broadcast_in_dim3A_32 : vector<16xf32> to vector<16xf32>
    tpu.vector_store %arg6[%swap3A_33], %swap3A_36 {strides = array<i32>} : memref<128xf32, #tpu.memory_space<vmem>>, vector<16xf32>,
    %broadcast_in_dim3A_37 = arith.constant 1.000000e+00 : f32
    %broadcast_in_dim3A_38 = vector.broadcast %broadcast_in_dim3A_37 : f32 to vector<16xf32>
    %swap3A_39 = arith.constant 96 : index
    %swap3A_40 = tpu.vector_load %arg6[%swap3A_39] {strides = array<i32>} : memref<128xf32, #tpu.memory_space<vmem>>, vector<16xf32>,
    %swap3A_41 = vector.shape_cast %swap3A_40 : vector<16xf32> to vector<16xf32>
    %swap3A_42 = vector.shape_cast %broadcast_in_dim3A_38 : vector<16xf32> to vector<16xf32>
    tpu.vector_store %arg6[%swap3A_39], %swap3A_42 {strides = array<i32>} : memref<128xf32, #tpu.memory_space<vmem>>, vector<16xf32>,
    %broadcast_in_dim3A_43 = arith.constant 1.000000e+00 : f32
    %broadcast_in_dim3A_44 = vector.broadcast %broadcast_in_dim3A_43 : f32 to vector<16xf32>
    %swap3A_45 = arith.constant 112 : index
    %swap3A_46 = tpu.vector_load %arg6[%swap3A_45] {strides = array<i32>} : memref<128xf32, #tpu.memory_space<vmem>>, vector<16xf32>,
    %swap3A_47 = vector.shape_cast %swap3A_46 : vector<16xf32> to vector<16xf32>
    %swap3A_48 = vector.shape_cast %broadcast_in_dim3A_44 : vector<16xf32> to vector<16xf32>
    tpu.vector_store %arg6[%swap3A_45], %swap3A_48 {strides = array<i32>} : memref<128xf32, #tpu.memory_space<vmem>>, vector<16xf32>,
    %scan3A = arith.constant 0 : i32
    %scan3A_49 = arith.constant 0 : i32
    %scan3A_50 = arith.constant 40 : i32
    %scan3A_51 = arith.addi %scan3A_49, %scan3A_50 : i32
    %scan3A_52 = arith.constant 1 : i32
    scf.for %scan3A_72 = %scan3A_49 to %scan3A_51 step %scan3A_52  : i32 {
      %broadcast_in_dim3A_73 = arith.constant 0.000000e+00 : f32
      %broadcast_in_dim3A_74 = vector.broadcast %broadcast_in_dim3A_73 : f32 to vector<16xf32>
      %mul3A_75 = arith.constant 16 : i32
      %mul3A_76 = arith.muli %scan3A_72, %mul3A_75 : i32
      %swap3A_77 = arith.index_cast %mul3A_76 : i32 to index
      %swap3A_78 = tpu.vector_load %arg7[%swap3A_77] {strides = array<i32>} : memref<640xf32, #tpu.memory_space<vmem>>, vector<16xf32>,
      %swap3A_79 = vector.shape_cast %swap3A_78 : vector<16xf32> to vector<16xf32>
      %swap3A_80 = vector.shape_cast %broadcast_in_dim3A_74 : vector<16xf32> to vector<16xf32>
      tpu.vector_store %arg7[%swap3A_77], %swap3A_80 {strides = array<i32>} : memref<640xf32, #tpu.memory_space<vmem>>, vector<16xf32>,
    }
    %scan3A_53 = arith.constant 40 : i32
    %mul3A_54 = arith.constant 640 : i32
    %mul3A_55 = arith.muli %arg1, %mul3A_54 : i32
    "tpu.region"() ({
      %run_scoped3A = tpu.sem_alloc : memref<!tpu.dma_semaphore, #tpu.memory_space<semaphore_mem>>
      %dma_start3A = tpu.memref_slice %arg8[%mul3A_55] : memref<10240xf32, #tpu.memory_space<vmem_shared>> -> memref<640xf32, #tpu.memory_space<vmem_shared>>
      %dma_start3A_72 = tpu.memref_slice %arg8[%mul3A_55] : memref<10240xf32, #tpu.memory_space<vmem_shared>> -> memref<640xf32, #tpu.memory_space<vmem_shared>>
      tpu.enqueue_dma source(%arg7 : memref<640xf32, #tpu.memory_space<vmem>>) target(%dma_start3A_72 : memref<640xf32, #tpu.memory_space<vmem_shared>>) target_semaphore(%run_scoped3A : memref<!tpu.dma_semaphore, #tpu.memory_space<semaphore_mem>>)
      %dma_wait3A = tpu.memref_slice %arg8[%mul3A_55] : memref<10240xf32, #tpu.memory_space<vmem_shared>> -> memref<640xf32, #tpu.memory_space<vmem_shared>>
      %dma_wait3A_73 = tpu.memref_slice %arg8[%mul3A_55] : memref<10240xf32, #tpu.memory_space<vmem_shared>> -> memref<640xf32, #tpu.memory_space<vmem_shared>>
      tpu.wait_dma2 semaphore(%run_scoped3A : memref<!tpu.dma_semaphore, #tpu.memory_space<semaphore_mem>>) src(%arg7 : memref<640xf32, #tpu.memory_space<vmem>>) dst(%dma_wait3A_73 : memref<640xf32, #tpu.memory_space<vmem_shared>>)
      tpu.yield
    }) : () -> ()
    %barrier3A = arith.constant 0 : index
    tpu.barrier barrier_id(%barrier3A)
    %scan3A_56 = arith.constant 0 : i32
    %scan3A_57 = arith.constant 0 : i32
    %scan3A_58 = arith.constant 80 : i32
    %scan3A_59 = arith.addi %scan3A_57, %scan3A_58 : i32
    %scan3A_60 = arith.constant 1 : i32
    scf.for %scan3A_72 = %scan3A_57 to %scan3A_59 step %scan3A_60  : i32 {
      "tpu.region"() ({
        %run_scoped3A = tpu.sem_alloc : memref<!tpu.dma_semaphore, #tpu.memory_space<semaphore_mem>>
        %dma_start3A = arith.constant 0 : i32
        %dma_start3A_73 = tpu.memref_slice %arg6[%dma_start3A] : memref<128xf32, #tpu.memory_space<vmem>> -> memref<125xf32, #tpu.memory_space<vmem>>
        %dma_start3A_74 = arith.constant 0 : i32
        %dma_start3A_75 = tpu.memref_slice %arg5[%scan3A_72, %dma_start3A_74] : memref<80x125xi32, #tpu.memory_space<vmem>> -> memref<1x125xi32, #tpu.memory_space<vmem>>
        %dma_start3A_76 = tpu.memref_squeeze %dma_start3A_75 : memref<1x125xi32, #tpu.memory_space<vmem>> -> memref<125xi32, #tpu.memory_space<vmem>>
        %dma_start3A_77 = arith.constant 0 : i32
        %dma_start3A_78 = tpu.memref_slice %arg8[%dma_start3A_77] : memref<10240xf32, #tpu.memory_space<vmem_shared>> -> memref<10240xf32, #tpu.memory_space<vmem_shared>>
        tpu.enqueue_indirect_dma source(%dma_start3A_73 : memref<125xf32, #tpu.memory_space<vmem>>) target(%dma_start3A_78 : memref<10240xf32, #tpu.memory_space<vmem_shared>>) offsets(%dma_start3A_76 : memref<125xi32, #tpu.memory_space<vmem>>) semaphore(%run_scoped3A : memref<!tpu.dma_semaphore, #tpu.memory_space<semaphore_mem>>) {add = true}
        %dma_wait3A = arith.constant 0 : i32
        %dma_wait3A_79 = tpu.memref_slice %arg6[%dma_wait3A] : memref<128xf32, #tpu.memory_space<vmem>> -> memref<125xf32, #tpu.memory_space<vmem>>
        %dma_wait3A_80 = arith.constant 0 : i32
        %dma_wait3A_81 = tpu.memref_slice %arg5[%scan3A_72, %dma_wait3A_80] : memref<80x125xi32, #tpu.memory_space<vmem>> -> memref<1x125xi32, #tpu.memory_space<vmem>>
        %dma_wait3A_82 = tpu.memref_squeeze %dma_wait3A_81 : memref<1x125xi32, #tpu.memory_space<vmem>> -> memref<125xi32, #tpu.memory_space<vmem>>
        %dma_wait3A_83 = arith.constant 0 : i32
        %dma_wait3A_84 = tpu.memref_slice %arg8[%dma_wait3A_83] : memref<10240xf32, #tpu.memory_space<vmem_shared>> -> memref<10240xf32, #tpu.memory_space<vmem_shared>>
        tpu.wait_indirect_dma semaphore(%run_scoped3A : memref<!tpu.dma_semaphore, #tpu.memory_space<semaphore_mem>>) src(%dma_wait3A_79 : memref<125xf32, #tpu.memory_space<vmem>>) dst(%dma_wait3A_84 : memref<10240xf32, #tpu.memory_space<vmem_shared>>)
        tpu.yield
      }) : () -> ()
    }
    %scan3A_61 = arith.constant 80 : i32
    %barrier3A_62 = arith.constant 0 : index
    tpu.barrier barrier_id(%barrier3A_62)
    %mul3A_63 = arith.constant 640 : i32
    %mul3A_64 = arith.muli %arg1, %mul3A_63 : i32
    %eq3A = arith.constant 0 : i32
    %eq3A_65 = arith.cmpi eq, %arg0, %eq3A : i32
    %convert_element_type3A = arith.extui %eq3A_65 : i1 to i32
    %cond3A = arith.constant 0 : i32
    %cond3A_66 = arith.cmpi ne, %convert_element_type3A, %cond3A : i32
    scf.if %cond3A_66 {
      "tpu.region"() ({
        %run_scoped3A = tpu.sem_alloc : memref<!tpu.dma_semaphore, #tpu.memory_space<semaphore_mem>>
        %dma_start3A = tpu.memref_slice %arg3[%mul3A_64] : memref<10240xf32, #tpu.memory_space<hbm>> -> memref<640xf32, #tpu.memory_space<hbm>>
        %dma_start3A_72 = tpu.memref_slice %arg8[%mul3A_64] : memref<10240xf32, #tpu.memory_space<vmem_shared>> -> memref<640xf32, #tpu.memory_space<vmem_shared>>
        tpu.enqueue_dma source(%dma_start3A_72 : memref<640xf32, #tpu.memory_space<vmem_shared>>) target(%dma_start3A : memref<640xf32, #tpu.memory_space<hbm>>) target_semaphore(%run_scoped3A : memref<!tpu.dma_semaphore, #tpu.memory_space<semaphore_mem>>)
        %dma_wait3A = tpu.memref_slice %arg3[%mul3A_64] : memref<10240xf32, #tpu.memory_space<hbm>> -> memref<640xf32, #tpu.memory_space<hbm>>
        %dma_wait3A_73 = tpu.memref_slice %arg8[%mul3A_64] : memref<10240xf32, #tpu.memory_space<vmem_shared>> -> memref<640xf32, #tpu.memory_space<vmem_shared>>
        tpu.wait_dma2 semaphore(%run_scoped3A : memref<!tpu.dma_semaphore, #tpu.memory_space<semaphore_mem>>) src(%dma_wait3A_73 : memref<640xf32, #tpu.memory_space<vmem_shared>>) dst(%dma_wait3A : memref<640xf32, #tpu.memory_space<hbm>>)
        tpu.yield
      }) : () -> ()
    } else {
    }
    %eq3A_67 = arith.constant 1 : i32
    %eq3A_68 = arith.cmpi eq, %arg0, %eq3A_67 : i32
    %convert_element_type3A_69 = arith.extui %eq3A_68 : i1 to i32
    %cond3A_70 = arith.constant 0 : i32
    %cond3A_71 = arith.cmpi ne, %convert_element_type3A_69, %cond3A_70 : i32
    scf.if %cond3A_71 {
      "tpu.region"() ({
        %run_scoped3A = tpu.sem_alloc : memref<!tpu.dma_semaphore, #tpu.memory_space<semaphore_mem>>
        %dma_start3A = tpu.memref_slice %arg4[%mul3A_64] : memref<10240xf32, #tpu.memory_space<hbm>> -> memref<640xf32, #tpu.memory_space<hbm>>
        %dma_start3A_72 = tpu.memref_slice %arg8[%mul3A_64] : memref<10240xf32, #tpu.memory_space<vmem_shared>> -> memref<640xf32, #tpu.memory_space<vmem_shared>>
        tpu.enqueue_dma source(%dma_start3A_72 : memref<640xf32, #tpu.memory_space<vmem_shared>>) target(%dma_start3A : memref<640xf32, #tpu.memory_space<hbm>>) target_semaphore(%run_scoped3A : memref<!tpu.dma_semaphore, #tpu.memory_space<semaphore_mem>>)
        %dma_wait3A = tpu.memref_slice %arg4[%mul3A_64] : memref<10240xf32, #tpu.memory_space<hbm>> -> memref<640xf32, #tpu.memory_space<hbm>>
        %dma_wait3A_73 = tpu.memref_slice %arg8[%mul3A_64] : memref<10240xf32, #tpu.memory_space<vmem_shared>> -> memref<640xf32, #tpu.memory_space<vmem_shared>>
        tpu.wait_dma2 semaphore(%run_scoped3A : memref<!tpu.dma_semaphore, #tpu.memory_space<semaphore_mem>>) src(%dma_wait3A_73 : memref<640xf32, #tpu.memory_space<vmem_shared>>) dst(%dma_wait3A : memref<640xf32, #tpu.memory_space<hbm>>)
        tpu.yield
      }) : () -> ()
    } else {
    }
    return
  }
}

#map = affine_map<(d0, d1) -> (0, 0)>
module attributes {stable_mosaic.version = 14 : i64} {
  func.func @layer_kernel(%arg0: i32, %arg1: i32, %arg2: memref<10240x128xf32, #tpu.memory_space<hbm>>, %arg3: memref<2560x125xi32, #tpu.memory_space<hbm>>, %arg4: memref<2560x125xi32, #tpu.memory_space<hbm>>, %arg5: memref<10240x128xf32, #tpu.memory_space<hbm>>, %arg6: memref<10240x128xf32, #tpu.memory_space<hbm>>, %arg7: memref<80x125xi32, #tpu.memory_space<vmem>>, %arg8: memref<125x128xf32, #tpu.memory_space<vmem>>, %arg9: memref<125x128xf32, #tpu.memory_space<vmem>>, %arg10: memref<125xi32, #tpu.memory_space<vmem>>, %arg11: memref<125xi32, #tpu.memory_space<vmem>>, %arg12: memref<16x128xf32, #tpu.memory_space<vmem>>, %arg13: memref<10240x128xf32, #tpu.memory_space<vmem_shared>>, %arg14: memref<!tpu.dma_semaphore, #tpu.memory_space<semaphore_mem>>, %arg15: memref<!tpu.dma_semaphore, #tpu.memory_space<semaphore_mem>>, %arg16: memref<!tpu.dma_semaphore, #tpu.memory_space<semaphore_mem>>, %arg17: memref<!tpu.dma_semaphore, #tpu.memory_space<semaphore_mem>>, %arg18: memref<!tpu.dma_semaphore, #tpu.memory_space<semaphore_mem>>, %arg19: memref<!tpu.dma_semaphore, #tpu.memory_space<semaphore_mem>>) attributes {dimension_semantics = [#tpu.dimension_semantics<core_parallel>, #tpu.dimension_semantics<subcore_parallel>], iteration_bounds = array<i64: 2, 16>, scalar_prefetch = 0 : i64, scratch_operands = 13 : i64, tpu.core_type = #tpu.core_type<sc_vector_subcore>, window_params = [{transform_indices = #map}, {transform_indices = #map}, {transform_indices = #map}, {transform_indices = #map}, {transform_indices = #map}]} {
    %mul3A = arith.constant 2 : i32
    %mul3A_0 = arith.muli %arg1, %mul3A : i32
    %add3A = arith.addi %mul3A_0, %arg0 : i32
    %mul3A_1 = arith.constant 80 : i32
    %mul3A_2 = arith.muli %add3A, %mul3A_1 : i32
    %dma_start3A = arith.constant 0 : i32
    %dma_start3A_3 = tpu.memref_slice %arg3[%mul3A_2, %dma_start3A] : memref<2560x125xi32, #tpu.memory_space<hbm>> -> memref<80x125xi32, #tpu.memory_space<hbm>>
    %dma_start3A_4 = arith.constant 0 : i32
    %dma_start3A_5 = tpu.memref_slice %arg3[%mul3A_2, %dma_start3A_4] : memref<2560x125xi32, #tpu.memory_space<hbm>> -> memref<80x125xi32, #tpu.memory_space<hbm>>
    tpu.enqueue_dma source(%dma_start3A_5 : memref<80x125xi32, #tpu.memory_space<hbm>>) target(%arg7 : memref<80x125xi32, #tpu.memory_space<vmem>>) target_semaphore(%arg15 : memref<!tpu.dma_semaphore, #tpu.memory_space<semaphore_mem>>)
    %scan3A = arith.constant 0 : i32
    %scan3A_6 = arith.constant 0 : i32
    %scan3A_7 = arith.constant 16 : i32
    %scan3A_8 = arith.addi %scan3A_6, %scan3A_7 : i32
    %scan3A_9 = arith.constant 1 : i32
    scf.for %scan3A_62 = %scan3A_6 to %scan3A_8 step %scan3A_9  : i32 {
      %broadcast_in_dim3A = arith.constant 0.000000e+00 : f32
      %broadcast_in_dim3A_63 = vector.broadcast %broadcast_in_dim3A : f32 to vector<16xf32>
      %swap3A = arith.index_cast %scan3A_62 : i32 to index
      %swap3A_64 = arith.constant 0 : index
      %swap3A_65 = tpu.vector_load %arg12[%swap3A, %swap3A_64] {strides = array<i32>} : memref<16x128xf32, #tpu.memory_space<vmem>>, vector<1x16xf32>,
      %swap3A_66 = vector.shape_cast %swap3A_65 : vector<1x16xf32> to vector<16xf32>
      %swap3A_67 = vector.shape_cast %broadcast_in_dim3A_63 : vector<16xf32> to vector<1x16xf32>
      tpu.vector_store %arg12[%swap3A, %swap3A_64], %swap3A_67 {strides = array<i32>} : memref<16x128xf32, #tpu.memory_space<vmem>>, vector<1x16xf32>,
      %broadcast_in_dim3A_68 = arith.constant 0.000000e+00 : f32
      %broadcast_in_dim3A_69 = vector.broadcast %broadcast_in_dim3A_68 : f32 to vector<16xf32>
      %swap3A_70 = arith.index_cast %scan3A_62 : i32 to index
      %swap3A_71 = arith.constant 16 : index
      %swap3A_72 = tpu.vector_load %arg12[%swap3A_70, %swap3A_71] {strides = array<i32>} : memref<16x128xf32, #tpu.memory_space<vmem>>, vector<1x16xf32>,
      %swap3A_73 = vector.shape_cast %swap3A_72 : vector<1x16xf32> to vector<16xf32>
      %swap3A_74 = vector.shape_cast %broadcast_in_dim3A_69 : vector<16xf32> to vector<1x16xf32>
      tpu.vector_store %arg12[%swap3A_70, %swap3A_71], %swap3A_74 {strides = array<i32>} : memref<16x128xf32, #tpu.memory_space<vmem>>, vector<1x16xf32>,
      %broadcast_in_dim3A_75 = arith.constant 0.000000e+00 : f32
      %broadcast_in_dim3A_76 = vector.broadcast %broadcast_in_dim3A_75 : f32 to vector<16xf32>
      %swap3A_77 = arith.index_cast %scan3A_62 : i32 to index
      %swap3A_78 = arith.constant 32 : index
      %swap3A_79 = tpu.vector_load %arg12[%swap3A_77, %swap3A_78] {strides = array<i32>} : memref<16x128xf32, #tpu.memory_space<vmem>>, vector<1x16xf32>,
      %swap3A_80 = vector.shape_cast %swap3A_79 : vector<1x16xf32> to vector<16xf32>
      %swap3A_81 = vector.shape_cast %broadcast_in_dim3A_76 : vector<16xf32> to vector<1x16xf32>
      tpu.vector_store %arg12[%swap3A_77, %swap3A_78], %swap3A_81 {strides = array<i32>} : memref<16x128xf32, #tpu.memory_space<vmem>>, vector<1x16xf32>,
      %broadcast_in_dim3A_82 = arith.constant 0.000000e+00 : f32
      %broadcast_in_dim3A_83 = vector.broadcast %broadcast_in_dim3A_82 : f32 to vector<16xf32>
      %swap3A_84 = arith.index_cast %scan3A_62 : i32 to index
      %swap3A_85 = arith.constant 48 : index
      %swap3A_86 = tpu.vector_load %arg12[%swap3A_84, %swap3A_85] {strides = array<i32>} : memref<16x128xf32, #tpu.memory_space<vmem>>, vector<1x16xf32>,
      %swap3A_87 = vector.shape_cast %swap3A_86 : vector<1x16xf32> to vector<16xf32>
      %swap3A_88 = vector.shape_cast %broadcast_in_dim3A_83 : vector<16xf32> to vector<1x16xf32>
      tpu.vector_store %arg12[%swap3A_84, %swap3A_85], %swap3A_88 {strides = array<i32>} : memref<16x128xf32, #tpu.memory_space<vmem>>, vector<1x16xf32>,
      %broadcast_in_dim3A_89 = arith.constant 0.000000e+00 : f32
      %broadcast_in_dim3A_90 = vector.broadcast %broadcast_in_dim3A_89 : f32 to vector<16xf32>
      %swap3A_91 = arith.index_cast %scan3A_62 : i32 to index
      %swap3A_92 = arith.constant 64 : index
      %swap3A_93 = tpu.vector_load %arg12[%swap3A_91, %swap3A_92] {strides = array<i32>} : memref<16x128xf32, #tpu.memory_space<vmem>>, vector<1x16xf32>,
      %swap3A_94 = vector.shape_cast %swap3A_93 : vector<1x16xf32> to vector<16xf32>
      %swap3A_95 = vector.shape_cast %broadcast_in_dim3A_90 : vector<16xf32> to vector<1x16xf32>
      tpu.vector_store %arg12[%swap3A_91, %swap3A_92], %swap3A_95 {strides = array<i32>} : memref<16x128xf32, #tpu.memory_space<vmem>>, vector<1x16xf32>,
      %broadcast_in_dim3A_96 = arith.constant 0.000000e+00 : f32
      %broadcast_in_dim3A_97 = vector.broadcast %broadcast_in_dim3A_96 : f32 to vector<16xf32>
      %swap3A_98 = arith.index_cast %scan3A_62 : i32 to index
      %swap3A_99 = arith.constant 80 : index
      %swap3A_100 = tpu.vector_load %arg12[%swap3A_98, %swap3A_99] {strides = array<i32>} : memref<16x128xf32, #tpu.memory_space<vmem>>, vector<1x16xf32>,
      %swap3A_101 = vector.shape_cast %swap3A_100 : vector<1x16xf32> to vector<16xf32>
      %swap3A_102 = vector.shape_cast %broadcast_in_dim3A_97 : vector<16xf32> to vector<1x16xf32>
      tpu.vector_store %arg12[%swap3A_98, %swap3A_99], %swap3A_102 {strides = array<i32>} : memref<16x128xf32, #tpu.memory_space<vmem>>, vector<1x16xf32>,
      %broadcast_in_dim3A_103 = arith.constant 0.000000e+00 : f32
      %broadcast_in_dim3A_104 = vector.broadcast %broadcast_in_dim3A_103 : f32 to vector<16xf32>
      %swap3A_105 = arith.index_cast %scan3A_62 : i32 to index
      %swap3A_106 = arith.constant 96 : index
      %swap3A_107 = tpu.vector_load %arg12[%swap3A_105, %swap3A_106] {strides = array<i32>} : memref<16x128xf32, #tpu.memory_space<vmem>>, vector<1x16xf32>,
      %swap3A_108 = vector.shape_cast %swap3A_107 : vector<1x16xf32> to vector<16xf32>
      %swap3A_109 = vector.shape_cast %broadcast_in_dim3A_104 : vector<16xf32> to vector<1x16xf32>
      tpu.vector_store %arg12[%swap3A_105, %swap3A_106], %swap3A_109 {strides = array<i32>} : memref<16x128xf32, #tpu.memory_space<vmem>>, vector<1x16xf32>,
      %broadcast_in_dim3A_110 = arith.constant 0.000000e+00 : f32
      %broadcast_in_dim3A_111 = vector.broadcast %broadcast_in_dim3A_110 : f32 to vector<16xf32>
      %swap3A_112 = arith.index_cast %scan3A_62 : i32 to index
      %swap3A_113 = arith.constant 112 : index
      %swap3A_114 = tpu.vector_load %arg12[%swap3A_112, %swap3A_113] {strides = array<i32>} : memref<16x128xf32, #tpu.memory_space<vmem>>, vector<1x16xf32>,
      %swap3A_115 = vector.shape_cast %swap3A_114 : vector<1x16xf32> to vector<16xf32>
      %swap3A_116 = vector.shape_cast %broadcast_in_dim3A_111 : vector<16xf32> to vector<1x16xf32>
      tpu.vector_store %arg12[%swap3A_112, %swap3A_113], %swap3A_116 {strides = array<i32>} : memref<16x128xf32, #tpu.memory_space<vmem>>, vector<1x16xf32>,
    }
    %scan3A_10 = arith.constant 16 : i32
    %scan3A_11 = arith.constant 0 : i32
    %scan3A_12 = arith.constant 0 : i32
    %scan3A_13 = arith.constant 40 : i32
    %scan3A_14 = arith.addi %scan3A_12, %scan3A_13 : i32
    %scan3A_15 = arith.constant 1 : i32
    scf.for %scan3A_62 = %scan3A_12 to %scan3A_14 step %scan3A_15  : i32 {
      %mul3A_63 = arith.constant 640 : i32
      %mul3A_64 = arith.muli %arg1, %mul3A_63 : i32
      %mul3A_65 = arith.constant 16 : i32
      %mul3A_66 = arith.muli %scan3A_62, %mul3A_65 : i32
      %add3A_67 = arith.addi %mul3A_64, %mul3A_66 : i32
      %dma_start3A_68 = arith.constant 0 : i32
      %dma_start3A_69 = tpu.memref_slice %arg13[%add3A_67, %dma_start3A_68] : memref<10240x128xf32, #tpu.memory_space<vmem_shared>> -> memref<16x128xf32, #tpu.memory_space<vmem_shared>>
      %dma_start3A_70 = arith.constant 0 : i32
      %dma_start3A_71 = tpu.memref_slice %arg13[%add3A_67, %dma_start3A_70] : memref<10240x128xf32, #tpu.memory_space<vmem_shared>> -> memref<16x128xf32, #tpu.memory_space<vmem_shared>>
      tpu.enqueue_dma source(%arg12 : memref<16x128xf32, #tpu.memory_space<vmem>>) target(%dma_start3A_71 : memref<16x128xf32, #tpu.memory_space<vmem_shared>>) target_semaphore(%arg18 : memref<!tpu.dma_semaphore, #tpu.memory_space<semaphore_mem>>)
    }
    %scan3A_16 = arith.constant 40 : i32
    %mul3A_17 = arith.constant 80 : i32
    %mul3A_18 = arith.muli %add3A, %mul3A_17 : i32
    %dma_wait3A = arith.constant 0 : i32
    %dma_wait3A_19 = tpu.memref_slice %arg3[%mul3A_18, %dma_wait3A] : memref<2560x125xi32, #tpu.memory_space<hbm>> -> memref<80x125xi32, #tpu.memory_space<hbm>>
    %dma_wait3A_20 = arith.constant 0 : i32
    %dma_wait3A_21 = tpu.memref_slice %arg3[%mul3A_18, %dma_wait3A_20] : memref<2560x125xi32, #tpu.memory_space<hbm>> -> memref<80x125xi32, #tpu.memory_space<hbm>>
    tpu.wait_dma2 semaphore(%arg15 : memref<!tpu.dma_semaphore, #tpu.memory_space<semaphore_mem>>) src(%dma_wait3A_21 : memref<80x125xi32, #tpu.memory_space<hbm>>) dst(%arg7 : memref<80x125xi32, #tpu.memory_space<vmem>>)
    %mul3A_22 = arith.constant 80 : i32
    %mul3A_23 = arith.muli %add3A, %mul3A_22 : i32
    %dma_start3A_24 = arith.constant 0 : i32
    %dma_start3A_25 = tpu.memref_slice %arg4[%mul3A_23, %dma_start3A_24] : memref<2560x125xi32, #tpu.memory_space<hbm>> -> memref<1x125xi32, #tpu.memory_space<hbm>>
    %dma_start3A_26 = tpu.memref_squeeze %dma_start3A_25 : memref<1x125xi32, #tpu.memory_space<hbm>> -> memref<125xi32, #tpu.memory_space<hbm>>
    %dma_start3A_27 = arith.constant 0 : i32
    %dma_start3A_28 = tpu.memref_slice %arg4[%mul3A_23, %dma_start3A_27] : memref<2560x125xi32, #tpu.memory_space<hbm>> -> memref<1x125xi32, #tpu.memory_space<hbm>>
    %dma_start3A_29 = tpu.memref_squeeze %dma_start3A_28 : memref<1x125xi32, #tpu.memory_space<hbm>> -> memref<125xi32, #tpu.memory_space<hbm>>
    tpu.enqueue_dma source(%dma_start3A_29 : memref<125xi32, #tpu.memory_space<hbm>>) target(%arg10 : memref<125xi32, #tpu.memory_space<vmem>>) target_semaphore(%arg16 : memref<!tpu.dma_semaphore, #tpu.memory_space<semaphore_mem>>)
    %scan3A_30 = arith.constant 0 : i32
    %scan3A_31 = arith.constant 0 : i32
    %scan3A_32 = arith.constant 40 : i32
    %scan3A_33 = arith.addi %scan3A_31, %scan3A_32 : i32
    %scan3A_34 = arith.constant 1 : i32
    scf.for %scan3A_62 = %scan3A_31 to %scan3A_33 step %scan3A_34  : i32 {
      %mul3A_63 = arith.constant 640 : i32
      %mul3A_64 = arith.muli %arg1, %mul3A_63 : i32
      %mul3A_65 = arith.constant 16 : i32
      %mul3A_66 = arith.muli %scan3A_62, %mul3A_65 : i32
      %add3A_67 = arith.addi %mul3A_64, %mul3A_66 : i32
      %dma_wait3A_68 = arith.constant 0 : i32
      %dma_wait3A_69 = tpu.memref_slice %arg13[%add3A_67, %dma_wait3A_68] : memref<10240x128xf32, #tpu.memory_space<vmem_shared>> -> memref<16x128xf32, #tpu.memory_space<vmem_shared>>
      %dma_wait3A_70 = arith.constant 0 : i32
      %dma_wait3A_71 = tpu.memref_slice %arg13[%add3A_67, %dma_wait3A_70] : memref<10240x128xf32, #tpu.memory_space<vmem_shared>> -> memref<16x128xf32, #tpu.memory_space<vmem_shared>>
      tpu.wait_dma2 semaphore(%arg18 : memref<!tpu.dma_semaphore, #tpu.memory_space<semaphore_mem>>) src(%arg12 : memref<16x128xf32, #tpu.memory_space<vmem>>) dst(%dma_wait3A_71 : memref<16x128xf32, #tpu.memory_space<vmem_shared>>)
    }
    %scan3A_35 = arith.constant 40 : i32
    %barrier3A = arith.constant 0 : index
    tpu.barrier barrier_id(%barrier3A)
    %dma_start3A_36 = arith.constant 0 : i32
    %dma_start3A_37 = arith.constant 0 : i32
    %dma_start3A_38 = tpu.memref_slice %arg7[%dma_start3A_36, %dma_start3A_37] : memref<80x125xi32, #tpu.memory_space<vmem>> -> memref<1x125xi32, #tpu.memory_space<vmem>>
    %dma_start3A_39 = tpu.memref_squeeze %dma_start3A_38 : memref<1x125xi32, #tpu.memory_space<vmem>> -> memref<125xi32, #tpu.memory_space<vmem>>
    %dma_start3A_40 = arith.constant 0 : i32
    %dma_start3A_41 = arith.constant 0 : i32
    %dma_start3A_42 = tpu.memref_slice %arg2[%dma_start3A_40, %dma_start3A_41] : memref<10240x128xf32, #tpu.memory_space<hbm>> -> memref<10240x128xf32, #tpu.memory_space<hbm>>
    tpu.enqueue_indirect_dma source(%dma_start3A_42 : memref<10240x128xf32, #tpu.memory_space<hbm>>) target(%arg8 : memref<125x128xf32, #tpu.memory_space<vmem>>) offsets(%dma_start3A_39 : memref<125xi32, #tpu.memory_space<vmem>>) semaphore(%arg14 : memref<!tpu.dma_semaphore, #tpu.memory_space<semaphore_mem>>)
    %scan3A_43 = arith.constant 0 : i32
    %scan3A_44 = arith.constant 0 : i32
    %scan3A_45 = arith.constant 40 : i32
    %scan3A_46 = arith.addi %scan3A_44, %scan3A_45 : i32
    %scan3A_47 = arith.constant 1 : i32
    scf.for %scan3A_62 = %scan3A_44 to %scan3A_46 step %scan3A_47  : i32 {
      %mul3A_63 = arith.constant 2 : i32
      %mul3A_64 = arith.muli %scan3A_62, %mul3A_63 : i32
      %add3A_65 = arith.constant 0 : i32
      %add3A_66 = arith.addi %mul3A_64, %add3A_65 : i32
      %ge3A = arith.constant 1 : i32
      %ge3A_67 = arith.cmpi sge, %add3A_66, %ge3A : i32
      %convert_element_type3A_68 = arith.extui %ge3A_67 : i1 to i32
      %cond3A_69 = arith.constant 0 : i32
      %cond3A_70 = arith.cmpi ne, %convert_element_type3A_68, %cond3A_69 : i32
      scf.if %cond3A_70 {
        %dma_wait3A_129 = arith.constant 0 : i32
        %dma_wait3A_130 = arith.constant 0 : i32
        %dma_wait3A_131 = tpu.memref_slice %arg13[%dma_wait3A_129, %dma_wait3A_130] : memref<10240x128xf32, #tpu.memory_space<vmem_shared>> -> memref<10240x128xf32, #tpu.memory_space<vmem_shared>>
        tpu.wait_indirect_dma semaphore(%arg19 : memref<!tpu.dma_semaphore, #tpu.memory_space<semaphore_mem>>) src(%arg9 : memref<125x128xf32, #tpu.memory_space<vmem>>) dst(%dma_wait3A_131 : memref<10240x128xf32, #tpu.memory_space<vmem_shared>>)
      } else {
      }
      %add3A_71 = arith.constant 1 : i32
      %add3A_72 = arith.addi %add3A_66, %add3A_71 : i32
      %lt3A = arith.constant 80 : i32
      %lt3A_73 = arith.cmpi slt, %add3A_72, %lt3A : i32
      %convert_element_type3A_74 = arith.extui %lt3A_73 : i1 to i32
      %cond3A_75 = arith.constant 0 : i32
      %cond3A_76 = arith.cmpi ne, %convert_element_type3A_74, %cond3A_75 : i32
      scf.if %cond3A_76 {
        %add3A_129 = arith.constant 1 : i32
        %add3A_130 = arith.addi %add3A_66, %add3A_129 : i32
        %dma_start3A_131 = arith.constant 0 : i32
        %dma_start3A_132 = tpu.memref_slice %arg7[%add3A_130, %dma_start3A_131] : memref<80x125xi32, #tpu.memory_space<vmem>> -> memref<1x125xi32, #tpu.memory_space<vmem>>
        %dma_start3A_133 = tpu.memref_squeeze %dma_start3A_132 : memref<1x125xi32, #tpu.memory_space<vmem>> -> memref<125xi32, #tpu.memory_space<vmem>>
        %dma_start3A_134 = arith.constant 0 : i32
        %dma_start3A_135 = arith.constant 0 : i32
        %dma_start3A_136 = tpu.memref_slice %arg2[%dma_start3A_134, %dma_start3A_135] : memref<10240x128xf32, #tpu.memory_space<hbm>> -> memref<10240x128xf32, #tpu.memory_space<hbm>>
        tpu.enqueue_indirect_dma source(%dma_start3A_136 : memref<10240x128xf32, #tpu.memory_space<hbm>>) target(%arg9 : memref<125x128xf32, #tpu.memory_space<vmem>>) offsets(%dma_start3A_133 : memref<125xi32, #tpu.memory_space<vmem>>) semaphore(%arg15 : memref<!tpu.dma_semaphore, #tpu.memory_space<semaphore_mem>>)
        %mul3A_137 = arith.constant 80 : i32
        %mul3A_138 = arith.muli %add3A, %mul3A_137 : i32
        %add3A_139 = arith.addi %mul3A_138, %add3A_66 : i32
        %add3A_140 = arith.constant 1 : i32
        %add3A_141 = arith.addi %add3A_139, %add3A_140 : i32
        %dma_start3A_142 = arith.constant 0 : i32
        %dma_start3A_143 = tpu.memref_slice %arg4[%add3A_141, %dma_start3A_142] : memref<2560x125xi32, #tpu.memory_space<hbm>> -> memref<1x125xi32, #tpu.memory_space<hbm>>
        %dma_start3A_144 = tpu.memref_squeeze %dma_start3A_143 : memref<1x125xi32, #tpu.memory_space<hbm>> -> memref<125xi32, #tpu.memory_space<hbm>>
        %dma_start3A_145 = arith.constant 0 : i32
        %dma_start3A_146 = tpu.memref_slice %arg4[%add3A_141, %dma_start3A_145] : memref<2560x125xi32, #tpu.memory_space<hbm>> -> memref<1x125xi32, #tpu.memory_space<hbm>>
        %dma_start3A_147 = tpu.memref_squeeze %dma_start3A_146 : memref<1x125xi32, #tpu.memory_space<hbm>> -> memref<125xi32, #tpu.memory_space<hbm>>
        tpu.enqueue_dma source(%dma_start3A_147 : memref<125xi32, #tpu.memory_space<hbm>>) target(%arg11 : memref<125xi32, #tpu.memory_space<vmem>>) target_semaphore(%arg17 : memref<!tpu.dma_semaphore, #tpu.memory_space<semaphore_mem>>)
      } else {
      }
      %dma_wait3A_77 = arith.constant 0 : i32
      %dma_wait3A_78 = tpu.memref_slice %arg7[%add3A_66, %dma_wait3A_77] : memref<80x125xi32, #tpu.memory_space<vmem>> -> memref<1x125xi32, #tpu.memory_space<vmem>>
      %dma_wait3A_79 = tpu.memref_squeeze %dma_wait3A_78 : memref<1x125xi32, #tpu.memory_space<vmem>> -> memref<125xi32, #tpu.memory_space<vmem>>
      %dma_wait3A_80 = arith.constant 0 : i32
      %dma_wait3A_81 = arith.constant 0 : i32
      %dma_wait3A_82 = tpu.memref_slice %arg2[%dma_wait3A_80, %dma_wait3A_81] : memref<10240x128xf32, #tpu.memory_space<hbm>> -> memref<10240x128xf32, #tpu.memory_space<hbm>>
      tpu.wait_indirect_dma semaphore(%arg14 : memref<!tpu.dma_semaphore, #tpu.memory_space<semaphore_mem>>) src(%dma_wait3A_82 : memref<10240x128xf32, #tpu.memory_space<hbm>>) dst(%arg8 : memref<125x128xf32, #tpu.memory_space<vmem>>)
      %mul3A_83 = arith.constant 80 : i32
      %mul3A_84 = arith.muli %add3A, %mul3A_83 : i32
      %add3A_85 = arith.addi %mul3A_84, %add3A_66 : i32
      %dma_wait3A_86 = arith.constant 0 : i32
      %dma_wait3A_87 = tpu.memref_slice %arg4[%add3A_85, %dma_wait3A_86] : memref<2560x125xi32, #tpu.memory_space<hbm>> -> memref<1x125xi32, #tpu.memory_space<hbm>>
      %dma_wait3A_88 = tpu.memref_squeeze %dma_wait3A_87 : memref<1x125xi32, #tpu.memory_space<hbm>> -> memref<125xi32, #tpu.memory_space<hbm>>
      %dma_wait3A_89 = arith.constant 0 : i32
      %dma_wait3A_90 = tpu.memref_slice %arg4[%add3A_85, %dma_wait3A_89] : memref<2560x125xi32, #tpu.memory_space<hbm>> -> memref<1x125xi32, #tpu.memory_space<hbm>>
      %dma_wait3A_91 = tpu.memref_squeeze %dma_wait3A_90 : memref<1x125xi32, #tpu.memory_space<hbm>> -> memref<125xi32, #tpu.memory_space<hbm>>
      tpu.wait_dma2 semaphore(%arg16 : memref<!tpu.dma_semaphore, #tpu.memory_space<semaphore_mem>>) src(%dma_wait3A_91 : memref<125xi32, #tpu.memory_space<hbm>>) dst(%arg10 : memref<125xi32, #tpu.memory_space<vmem>>)
      %dma_start3A_92 = arith.constant 0 : i32
      %dma_start3A_93 = arith.constant 0 : i32
      %dma_start3A_94 = tpu.memref_slice %arg13[%dma_start3A_92, %dma_start3A_93] : memref<10240x128xf32, #tpu.memory_space<vmem_shared>> -> memref<10240x128xf32, #tpu.memory_space<vmem_shared>>
      tpu.enqueue_indirect_dma source(%arg8 : memref<125x128xf32, #tpu.memory_space<vmem>>) target(%dma_start3A_94 : memref<10240x128xf32, #tpu.memory_space<vmem_shared>>) offsets(%arg10 : memref<125xi32, #tpu.memory_space<vmem>>) semaphore(%arg18 : memref<!tpu.dma_semaphore, #tpu.memory_space<semaphore_mem>>) {add = true}
      %mul3A_95 = arith.constant 2 : i32
      %mul3A_96 = arith.muli %scan3A_62, %mul3A_95 : i32
      %add3A_97 = arith.constant 1 : i32
      %add3A_98 = arith.addi %mul3A_96, %add3A_97 : i32
      %ge3A_99 = arith.constant 1 : i32
      %ge3A_100 = arith.cmpi sge, %add3A_98, %ge3A_99 : i32
      %convert_element_type3A_101 = arith.extui %ge3A_100 : i1 to i32
      %cond3A_102 = arith.constant 0 : i32
      %cond3A_103 = arith.cmpi ne, %convert_element_type3A_101, %cond3A_102 : i32
      scf.if %cond3A_103 {
        %dma_wait3A_129 = arith.constant 0 : i32
        %dma_wait3A_130 = arith.constant 0 : i32
        %dma_wait3A_131 = tpu.memref_slice %arg13[%dma_wait3A_129, %dma_wait3A_130] : memref<10240x128xf32, #tpu.memory_space<vmem_shared>> -> memref<10240x128xf32, #tpu.memory_space<vmem_shared>>
        tpu.wait_indirect_dma semaphore(%arg18 : memref<!tpu.dma_semaphore, #tpu.memory_space<semaphore_mem>>) src(%arg8 : memref<125x128xf32, #tpu.memory_space<vmem>>) dst(%dma_wait3A_131 : memref<10240x128xf32, #tpu.memory_space<vmem_shared>>)
      } else {
      }
      %add3A_104 = arith.constant 1 : i32
      %add3A_105 = arith.addi %add3A_98, %add3A_104 : i32
      %lt3A_106 = arith.constant 80 : i32
      %lt3A_107 = arith.cmpi slt, %add3A_105, %lt3A_106 : i32
      %convert_element_type3A_108 = arith.extui %lt3A_107 : i1 to i32
      %cond3A_109 = arith.constant 0 : i32
      %cond3A_110 = arith.cmpi ne, %convert_element_type3A_108, %cond3A_109 : i32
      scf.if %cond3A_110 {
        %add3A_129 = arith.constant 1 : i32
        %add3A_130 = arith.addi %add3A_98, %add3A_129 : i32
        %dma_start3A_131 = arith.constant 0 : i32
        %dma_start3A_132 = tpu.memref_slice %arg7[%add3A_130, %dma_start3A_131] : memref<80x125xi32, #tpu.memory_space<vmem>> -> memref<1x125xi32, #tpu.memory_space<vmem>>
        %dma_start3A_133 = tpu.memref_squeeze %dma_start3A_132 : memref<1x125xi32, #tpu.memory_space<vmem>> -> memref<125xi32, #tpu.memory_space<vmem>>
        %dma_start3A_134 = arith.constant 0 : i32
        %dma_start3A_135 = arith.constant 0 : i32
        %dma_start3A_136 = tpu.memref_slice %arg2[%dma_start3A_134, %dma_start3A_135] : memref<10240x128xf32, #tpu.memory_space<hbm>> -> memref<10240x128xf32, #tpu.memory_space<hbm>>
        tpu.enqueue_indirect_dma source(%dma_start3A_136 : memref<10240x128xf32, #tpu.memory_space<hbm>>) target(%arg8 : memref<125x128xf32, #tpu.memory_space<vmem>>) offsets(%dma_start3A_133 : memref<125xi32, #tpu.memory_space<vmem>>) semaphore(%arg14 : memref<!tpu.dma_semaphore, #tpu.memory_space<semaphore_mem>>)
        %mul3A_137 = arith.constant 80 : i32
        %mul3A_138 = arith.muli %add3A, %mul3A_137 : i32
        %add3A_139 = arith.addi %mul3A_138, %add3A_98 : i32
        %add3A_140 = arith.constant 1 : i32
        %add3A_141 = arith.addi %add3A_139, %add3A_140 : i32
        %dma_start3A_142 = arith.constant 0 : i32
        %dma_start3A_143 = tpu.memref_slice %arg4[%add3A_141, %dma_start3A_142] : memref<2560x125xi32, #tpu.memory_space<hbm>> -> memref<1x125xi32, #tpu.memory_space<hbm>>
        %dma_start3A_144 = tpu.memref_squeeze %dma_start3A_143 : memref<1x125xi32, #tpu.memory_space<hbm>> -> memref<125xi32, #tpu.memory_space<hbm>>
        %dma_start3A_145 = arith.constant 0 : i32
        %dma_start3A_146 = tpu.memref_slice %arg4[%add3A_141, %dma_start3A_145] : memref<2560x125xi32, #tpu.memory_space<hbm>> -> memref<1x125xi32, #tpu.memory_space<hbm>>
        %dma_start3A_147 = tpu.memref_squeeze %dma_start3A_146 : memref<1x125xi32, #tpu.memory_space<hbm>> -> memref<125xi32, #tpu.memory_space<hbm>>
        tpu.enqueue_dma source(%dma_start3A_147 : memref<125xi32, #tpu.memory_space<hbm>>) target(%arg10 : memref<125xi32, #tpu.memory_space<vmem>>) target_semaphore(%arg16 : memref<!tpu.dma_semaphore, #tpu.memory_space<semaphore_mem>>)
      } else {
      }
      %dma_wait3A_111 = arith.constant 0 : i32
      %dma_wait3A_112 = tpu.memref_slice %arg7[%add3A_98, %dma_wait3A_111] : memref<80x125xi32, #tpu.memory_space<vmem>> -> memref<1x125xi32, #tpu.memory_space<vmem>>
      %dma_wait3A_113 = tpu.memref_squeeze %dma_wait3A_112 : memref<1x125xi32, #tpu.memory_space<vmem>> -> memref<125xi32, #tpu.memory_space<vmem>>
      %dma_wait3A_114 = arith.constant 0 : i32
      %dma_wait3A_115 = arith.constant 0 : i32
      %dma_wait3A_116 = tpu.memref_slice %arg2[%dma_wait3A_114, %dma_wait3A_115] : memref<10240x128xf32, #tpu.memory_space<hbm>> -> memref<10240x128xf32, #tpu.memory_space<hbm>>
      tpu.wait_indirect_dma semaphore(%arg15 : memref<!tpu.dma_semaphore, #tpu.memory_space<semaphore_mem>>) src(%dma_wait3A_116 : memref<10240x128xf32, #tpu.memory_space<hbm>>) dst(%arg9 : memref<125x128xf32, #tpu.memory_space<vmem>>)
      %mul3A_117 = arith.constant 80 : i32
      %mul3A_118 = arith.muli %add3A, %mul3A_117 : i32
      %add3A_119 = arith.addi %mul3A_118, %add3A_98 : i32
      %dma_wait3A_120 = arith.constant 0 : i32
      %dma_wait3A_121 = tpu.memref_slice %arg4[%add3A_119, %dma_wait3A_120] : memref<2560x125xi32, #tpu.memory_space<hbm>> -> memref<1x125xi32, #tpu.memory_space<hbm>>
      %dma_wait3A_122 = tpu.memref_squeeze %dma_wait3A_121 : memref<1x125xi32, #tpu.memory_space<hbm>> -> memref<125xi32, #tpu.memory_space<hbm>>
      %dma_wait3A_123 = arith.constant 0 : i32
      %dma_wait3A_124 = tpu.memref_slice %arg4[%add3A_119, %dma_wait3A_123] : memref<2560x125xi32, #tpu.memory_space<hbm>> -> memref<1x125xi32, #tpu.memory_space<hbm>>
      %dma_wait3A_125 = tpu.memref_squeeze %dma_wait3A_124 : memref<1x125xi32, #tpu.memory_space<hbm>> -> memref<125xi32, #tpu.memory_space<hbm>>
      tpu.wait_dma2 semaphore(%arg17 : memref<!tpu.dma_semaphore, #tpu.memory_space<semaphore_mem>>) src(%dma_wait3A_125 : memref<125xi32, #tpu.memory_space<hbm>>) dst(%arg11 : memref<125xi32, #tpu.memory_space<vmem>>)
      %dma_start3A_126 = arith.constant 0 : i32
      %dma_start3A_127 = arith.constant 0 : i32
      %dma_start3A_128 = tpu.memref_slice %arg13[%dma_start3A_126, %dma_start3A_127] : memref<10240x128xf32, #tpu.memory_space<vmem_shared>> -> memref<10240x128xf32, #tpu.memory_space<vmem_shared>>
      tpu.enqueue_indirect_dma source(%arg9 : memref<125x128xf32, #tpu.memory_space<vmem>>) target(%dma_start3A_128 : memref<10240x128xf32, #tpu.memory_space<vmem_shared>>) offsets(%arg11 : memref<125xi32, #tpu.memory_space<vmem>>) semaphore(%arg19 : memref<!tpu.dma_semaphore, #tpu.memory_space<semaphore_mem>>) {add = true}
    }
    %scan3A_48 = arith.constant 40 : i32
    %dma_wait3A_49 = arith.constant 0 : i32
    %dma_wait3A_50 = arith.constant 0 : i32
    %dma_wait3A_51 = tpu.memref_slice %arg13[%dma_wait3A_49, %dma_wait3A_50] : memref<10240x128xf32, #tpu.memory_space<vmem_shared>> -> memref<10240x128xf32, #tpu.memory_space<vmem_shared>>
    tpu.wait_indirect_dma semaphore(%arg19 : memref<!tpu.dma_semaphore, #tpu.memory_space<semaphore_mem>>) src(%arg9 : memref<125x128xf32, #tpu.memory_space<vmem>>) dst(%dma_wait3A_51 : memref<10240x128xf32, #tpu.memory_space<vmem_shared>>)
    %barrier3A_52 = arith.constant 0 : index
    tpu.barrier barrier_id(%barrier3A_52)
    %mul3A_53 = arith.constant 640 : i32
    %mul3A_54 = arith.muli %arg1, %mul3A_53 : i32
    %eq3A = arith.constant 0 : i32
    %eq3A_55 = arith.cmpi eq, %arg0, %eq3A : i32
    %convert_element_type3A = arith.extui %eq3A_55 : i1 to i32
    %cond3A = arith.constant 0 : i32
    %cond3A_56 = arith.cmpi ne, %convert_element_type3A, %cond3A : i32
    scf.if %cond3A_56 {
      "tpu.region"() ({
        %run_scoped3A = tpu.sem_alloc : memref<!tpu.dma_semaphore, #tpu.memory_space<semaphore_mem>>
        %dma_start3A_62 = arith.constant 0 : i32
        %dma_start3A_63 = tpu.memref_slice %arg5[%mul3A_54, %dma_start3A_62] : memref<10240x128xf32, #tpu.memory_space<hbm>> -> memref<640x128xf32, #tpu.memory_space<hbm>>
        %dma_start3A_64 = arith.constant 0 : i32
        %dma_start3A_65 = tpu.memref_slice %arg13[%mul3A_54, %dma_start3A_64] : memref<10240x128xf32, #tpu.memory_space<vmem_shared>> -> memref<640x128xf32, #tpu.memory_space<vmem_shared>>
        tpu.enqueue_dma source(%dma_start3A_65 : memref<640x128xf32, #tpu.memory_space<vmem_shared>>) target(%dma_start3A_63 : memref<640x128xf32, #tpu.memory_space<hbm>>) target_semaphore(%run_scoped3A : memref<!tpu.dma_semaphore, #tpu.memory_space<semaphore_mem>>)
        %dma_wait3A_66 = arith.constant 0 : i32
        %dma_wait3A_67 = tpu.memref_slice %arg5[%mul3A_54, %dma_wait3A_66] : memref<10240x128xf32, #tpu.memory_space<hbm>> -> memref<640x128xf32, #tpu.memory_space<hbm>>
        %dma_wait3A_68 = arith.constant 0 : i32
        %dma_wait3A_69 = tpu.memref_slice %arg13[%mul3A_54, %dma_wait3A_68] : memref<10240x128xf32, #tpu.memory_space<vmem_shared>> -> memref<640x128xf32, #tpu.memory_space<vmem_shared>>
        tpu.wait_dma2 semaphore(%run_scoped3A : memref<!tpu.dma_semaphore, #tpu.memory_space<semaphore_mem>>) src(%dma_wait3A_69 : memref<640x128xf32, #tpu.memory_space<vmem_shared>>) dst(%dma_wait3A_67 : memref<640x128xf32, #tpu.memory_space<hbm>>)
        tpu.yield
      }) : () -> ()
    } else {
    }
    %eq3A_57 = arith.constant 1 : i32
    %eq3A_58 = arith.cmpi eq, %arg0, %eq3A_57 : i32
    %convert_element_type3A_59 = arith.extui %eq3A_58 : i1 to i32
    %cond3A_60 = arith.constant 0 : i32
    %cond3A_61 = arith.cmpi ne, %convert_element_type3A_59, %cond3A_60 : i32
    scf.if %cond3A_61 {
      "tpu.region"() ({
        %run_scoped3A = tpu.sem_alloc : memref<!tpu.dma_semaphore, #tpu.memory_space<semaphore_mem>>
        %dma_start3A_62 = arith.constant 0 : i32
        %dma_start3A_63 = tpu.memref_slice %arg6[%mul3A_54, %dma_start3A_62] : memref<10240x128xf32, #tpu.memory_space<hbm>> -> memref<640x128xf32, #tpu.memory_space<hbm>>
        %dma_start3A_64 = arith.constant 0 : i32
        %dma_start3A_65 = tpu.memref_slice %arg13[%mul3A_54, %dma_start3A_64] : memref<10240x128xf32, #tpu.memory_space<vmem_shared>> -> memref<640x128xf32, #tpu.memory_space<vmem_shared>>
        tpu.enqueue_dma source(%dma_start3A_65 : memref<640x128xf32, #tpu.memory_space<vmem_shared>>) target(%dma_start3A_63 : memref<640x128xf32, #tpu.memory_space<hbm>>) target_semaphore(%run_scoped3A : memref<!tpu.dma_semaphore, #tpu.memory_space<semaphore_mem>>)
        %dma_wait3A_66 = arith.constant 0 : i32
        %dma_wait3A_67 = tpu.memref_slice %arg6[%mul3A_54, %dma_wait3A_66] : memref<10240x128xf32, #tpu.memory_space<hbm>> -> memref<640x128xf32, #tpu.memory_space<hbm>>
        %dma_wait3A_68 = arith.constant 0 : i32
        %dma_wait3A_69 = tpu.memref_slice %arg13[%mul3A_54, %dma_wait3A_68] : memref<10240x128xf32, #tpu.memory_space<vmem_shared>> -> memref<640x128xf32, #tpu.memory_space<vmem_shared>>
        tpu.wait_dma2 semaphore(%run_scoped3A : memref<!tpu.dma_semaphore, #tpu.memory_space<semaphore_mem>>) src(%dma_wait3A_69 : memref<640x128xf32, #tpu.memory_space<vmem_shared>>) dst(%dma_wait3A_67 : memref<640x128xf32, #tpu.memory_space<hbm>>)
        tpu.yield
      }) : () -> ()
    } else {
    }
    return
  }
}

module attributes {stable_mosaic.version = 14 : i64} {
  func.func @_pre_tc_body(%arg0: i32, %arg1: memref<1000x1xf32, #tpu.memory_space<vmem>>, %arg2: memref<1000x1xf32, #tpu.memory_space<vmem>>, %arg3: memref<1000x128xf32, #tpu.memory_space<vmem>>, %arg4: memref<1000x128xf32, #tpu.memory_space<vmem>>, %arg5: memref<1000x1xf32, #tpu.memory_space<vmem>>, %arg6: memref<1000x128xf32, #tpu.memory_space<vmem>>) attributes {dimension_semantics = [#tpu.dimension_semantics<arbitrary>], iteration_bounds = array<i64: 10>, scalar_prefetch = 0 : i64, scratch_operands = 0 : i64, tpu.core_type = #tpu.core_type<tc>, window_params = [{transform_indices = @transform_0, window_bounds = array<i64: 1000, 1>}, {transform_indices = @transform_1, window_bounds = array<i64: 1000, 1>}, {transform_indices = @transform_2, window_bounds = array<i64: 1000, 128>}, {transform_indices = @transform_3, window_bounds = array<i64: 1000, 128>}, {transform_indices = @transform_4, window_bounds = array<i64: 1000, 1>}, {transform_indices = @transform_5, window_bounds = array<i64: 1000, 128>}]} {
    %get3A = arith.constant 0 : index
    %get3A_0 = arith.constant 0 : index
    %get3A_1 = vector.load %arg1[%get3A, %get3A_0] : memref<1000x1xf32, #tpu.memory_space<vmem>>, vector<1000x1xf32>
    %get3A_2 = arith.constant 0 : index
    %get3A_3 = arith.constant 0 : index
    %get3A_4 = vector.load %arg2[%get3A_2, %get3A_3] : memref<1000x1xf32, #tpu.memory_space<vmem>>, vector<1000x1xf32>
    %add3A = arith.addf %get3A_1, %get3A_4 : vector<1000x1xf32>
    %gt3A = arith.constant 5.000000e-01 : f32
    %gt3A_5 = vector.broadcast %gt3A : f32 to vector<1000x1xf32>
    %gt3A_6 = arith.cmpf ogt, %add3A, %gt3A_5 : vector<1000x1xf32>
    %rsqrt3A = math.rsqrt %add3A : vector<1000x1xf32>
    %jit3A = arith.constant 0.000000e+00 : f32
    %broadcast_in_dim3A = vector.broadcast %jit3A : f32 to vector<1000x1xf32>
    %select_n3A = arith.select %gt3A_6, %rsqrt3A, %broadcast_in_dim3A : vector<1000x1xi1>, vector<1000x1xf32>
    %swap3A = arith.constant 0 : index
    %swap3A_7 = arith.constant 0 : index
    %swap3A_8 = vector.load %arg5[%swap3A, %swap3A_7] : memref<1000x1xf32, #tpu.memory_space<vmem>>, vector<1000x1xf32>
    tpu.vector_store %arg5[%swap3A, %swap3A_7], %select_n3A {strides = array<i32>} : memref<1000x1xf32, #tpu.memory_space<vmem>>, vector<1000x1xf32>,
    %lt3A = arith.constant 5 : i32
    %lt3A_9 = arith.cmpi slt, %arg0, %lt3A : i32
    %get3A_10 = arith.constant 0 : index
    %get3A_11 = arith.constant 0 : index
    %get3A_12 = vector.load %arg3[%get3A_10, %get3A_11] : memref<1000x128xf32, #tpu.memory_space<vmem>>, vector<1000x128xf32>
    %get3A_13 = arith.constant 0 : index
    %get3A_14 = arith.constant 0 : index
    %get3A_15 = vector.load %arg4[%get3A_13, %get3A_14] : memref<1000x128xf32, #tpu.memory_space<vmem>>, vector<1000x128xf32>
    %select_n3A_16 = arith.select %lt3A_9, %get3A_12, %get3A_15 : vector<1000x128xf32>
    %mul3A = vector.broadcast %select_n3A : vector<1000x1xf32> to vector<1000x128xf32>
    %mul3A_17 = arith.mulf %select_n3A_16, %mul3A : vector<1000x128xf32>
    %swap3A_18 = arith.constant 0 : index
    %swap3A_19 = arith.constant 0 : index
    %swap3A_20 = vector.load %arg6[%swap3A_18, %swap3A_19] : memref<1000x128xf32, #tpu.memory_space<vmem>>, vector<1000x128xf32>
    tpu.vector_store %arg6[%swap3A_18, %swap3A_19], %mul3A_17 {strides = array<i32>} : memref<1000x128xf32, #tpu.memory_space<vmem>>, vector<1000x128xf32>,
    return
  }
  func.func @transform_0(%arg0: i32) -> (i32, i32) {
    %add3A = arith.constant 0 : i32
    %add3A_0 = arith.addi %arg0, %add3A : i32
    %c0_i32 = arith.constant 0 : i32
    %c0_i32_1 = arith.constant 0 : i32
    return %add3A_0, %c0_i32 : i32, i32
  }
  func.func @transform_1(%arg0: i32) -> (i32, i32) {
    %add3A = arith.constant 0 : i32
    %add3A_0 = arith.addi %arg0, %add3A : i32
    %c0_i32 = arith.constant 0 : i32
    %c0_i32_1 = arith.constant 0 : i32
    return %add3A_0, %c0_i32 : i32, i32
  }
  func.func @transform_2(%arg0: i32) -> (i32, i32) {
    %min3A = arith.constant 4 : i32
    %min3A_0 = arith.minsi %arg0, %min3A : i32
    %c0_i32 = arith.constant 0 : i32
    %c0_i32_1 = arith.constant 0 : i32
    return %min3A_0, %c0_i32 : i32, i32
  }
  func.func @transform_3(%arg0: i32) -> (i32, i32) {
    %sub3A = arith.constant 5 : i32
    %sub3A_0 = arith.subi %arg0, %sub3A : i32
    %max3A = arith.constant 0 : i32
    %max3A_1 = arith.maxsi %sub3A_0, %max3A : i32
    %c0_i32 = arith.constant 0 : i32
    %c0_i32_2 = arith.constant 0 : i32
    return %max3A_1, %c0_i32 : i32, i32
  }
  func.func @transform_4(%arg0: i32) -> (i32, i32) {
    %add3A = arith.constant 0 : i32
    %add3A_0 = arith.addi %arg0, %add3A : i32
    %c0_i32 = arith.constant 0 : i32
    %c0_i32_1 = arith.constant 0 : i32
    return %add3A_0, %c0_i32 : i32, i32
  }
  func.func @transform_5(%arg0: i32) -> (i32, i32) {
    %add3A = arith.constant 0 : i32
    %add3A_0 = arith.addi %arg0, %add3A : i32
    %c0_i32 = arith.constant 0 : i32
    %c0_i32_1 = arith.constant 0 : i32
    return %add3A_0, %c0_i32 : i32, i32
  }
}

module attributes {stable_mosaic.version = 14 : i64} {
  func.func @_comb_first_tc_body(%arg0: i32, %arg1: memref<1000x128xf32, #tpu.memory_space<vmem>>, %arg2: memref<1000x128xf32, #tpu.memory_space<vmem>>, %arg3: memref<1000x1xf32, #tpu.memory_space<vmem>>, %arg4: memref<1000x128xf32, #tpu.memory_space<vmem>>, %arg5: memref<1000x128xf32, #tpu.memory_space<vmem>>, %arg6: memref<1000x128xf32, #tpu.memory_space<vmem>>, %arg7: memref<1000x128xf32, #tpu.memory_space<vmem>>) attributes {dimension_semantics = [#tpu.dimension_semantics<arbitrary>], iteration_bounds = array<i64: 10>, scalar_prefetch = 0 : i64, scratch_operands = 0 : i64, tpu.core_type = #tpu.core_type<tc>, window_params = [{transform_indices = @transform_0, window_bounds = array<i64: 1000, 128>}, {transform_indices = @transform_1, window_bounds = array<i64: 1000, 128>}, {transform_indices = @transform_2, window_bounds = array<i64: 1000, 1>}, {transform_indices = @transform_3, window_bounds = array<i64: 1000, 128>}, {transform_indices = @transform_4, window_bounds = array<i64: 1000, 128>}, {transform_indices = @transform_5, window_bounds = array<i64: 1000, 128>}, {transform_indices = @transform_6, window_bounds = array<i64: 1000, 128>}]} {
    %get3A = arith.constant 0 : index
    %get3A_0 = arith.constant 0 : index
    %get3A_1 = vector.load %arg3[%get3A, %get3A_0] : memref<1000x1xf32, #tpu.memory_space<vmem>>, vector<1000x1xf32>
    %get3A_2 = arith.constant 0 : index
    %get3A_3 = arith.constant 0 : index
    %get3A_4 = vector.load %arg1[%get3A_2, %get3A_3] : memref<1000x128xf32, #tpu.memory_space<vmem>>, vector<1000x128xf32>
    %get3A_5 = arith.constant 0 : index
    %get3A_6 = arith.constant 0 : index
    %get3A_7 = vector.load %arg2[%get3A_5, %get3A_6] : memref<1000x128xf32, #tpu.memory_space<vmem>>, vector<1000x128xf32>
    %add3A = arith.addf %get3A_4, %get3A_7 : vector<1000x128xf32>
    %mul3A = vector.broadcast %get3A_1 : vector<1000x1xf32> to vector<1000x128xf32>
    %mul3A_8 = arith.mulf %add3A, %mul3A : vector<1000x128xf32>
    %mul3A_9 = vector.broadcast %get3A_1 : vector<1000x1xf32> to vector<1000x128xf32>
    %mul3A_10 = arith.mulf %mul3A_8, %mul3A_9 : vector<1000x128xf32>
    %swap3A = arith.constant 0 : index
    %swap3A_11 = arith.constant 0 : index
    %swap3A_12 = vector.load %arg6[%swap3A, %swap3A_11] : memref<1000x128xf32, #tpu.memory_space<vmem>>, vector<1000x128xf32>
    tpu.vector_store %arg6[%swap3A, %swap3A_11], %mul3A_10 {strides = array<i32>} : memref<1000x128xf32, #tpu.memory_space<vmem>>, vector<1000x128xf32>,
    %lt3A = arith.constant 5 : i32
    %lt3A_13 = arith.cmpi slt, %arg0, %lt3A : i32
    %get3A_14 = arith.constant 0 : index
    %get3A_15 = arith.constant 0 : index
    %get3A_16 = vector.load %arg4[%get3A_14, %get3A_15] : memref<1000x128xf32, #tpu.memory_space<vmem>>, vector<1000x128xf32>
    %get3A_17 = arith.constant 0 : index
    %get3A_18 = arith.constant 0 : index
    %get3A_19 = vector.load %arg5[%get3A_17, %get3A_18] : memref<1000x128xf32, #tpu.memory_space<vmem>>, vector<1000x128xf32>
    %select_n3A = arith.select %lt3A_13, %get3A_16, %get3A_19 : vector<1000x128xf32>
    %add3A_20 = arith.addf %select_n3A, %mul3A_8 : vector<1000x128xf32>
    %mul3A_21 = arith.constant 2.500000e-01 : f32
    %mul3A_22 = vector.broadcast %mul3A_21 : f32 to vector<1000x128xf32>
    %mul3A_23 = arith.mulf %add3A_20, %mul3A_22 : vector<1000x128xf32>
    %swap3A_24 = arith.constant 0 : index
    %swap3A_25 = arith.constant 0 : index
    %swap3A_26 = vector.load %arg7[%swap3A_24, %swap3A_25] : memref<1000x128xf32, #tpu.memory_space<vmem>>, vector<1000x128xf32>
    tpu.vector_store %arg7[%swap3A_24, %swap3A_25], %mul3A_23 {strides = array<i32>} : memref<1000x128xf32, #tpu.memory_space<vmem>>, vector<1000x128xf32>,
    return
  }
  func.func @transform_0(%arg0: i32) -> (i32, i32) {
    %add3A = arith.constant 0 : i32
    %add3A_0 = arith.addi %arg0, %add3A : i32
    %c0_i32 = arith.constant 0 : i32
    %c0_i32_1 = arith.constant 0 : i32
    return %add3A_0, %c0_i32 : i32, i32
  }
  func.func @transform_1(%arg0: i32) -> (i32, i32) {
    %add3A = arith.constant 0 : i32
    %add3A_0 = arith.addi %arg0, %add3A : i32
    %c0_i32 = arith.constant 0 : i32
    %c0_i32_1 = arith.constant 0 : i32
    return %add3A_0, %c0_i32 : i32, i32
  }
  func.func @transform_2(%arg0: i32) -> (i32, i32) {
    %add3A = arith.constant 0 : i32
    %add3A_0 = arith.addi %arg0, %add3A : i32
    %c0_i32 = arith.constant 0 : i32
    %c0_i32_1 = arith.constant 0 : i32
    return %add3A_0, %c0_i32 : i32, i32
  }
  func.func @transform_3(%arg0: i32) -> (i32, i32) {
    %min3A = arith.constant 4 : i32
    %min3A_0 = arith.minsi %arg0, %min3A : i32
    %c0_i32 = arith.constant 0 : i32
    %c0_i32_1 = arith.constant 0 : i32
    return %min3A_0, %c0_i32 : i32, i32
  }
  func.func @transform_4(%arg0: i32) -> (i32, i32) {
    %sub3A = arith.constant 5 : i32
    %sub3A_0 = arith.subi %arg0, %sub3A : i32
    %max3A = arith.constant 0 : i32
    %max3A_1 = arith.maxsi %sub3A_0, %max3A : i32
    %c0_i32 = arith.constant 0 : i32
    %c0_i32_2 = arith.constant 0 : i32
    return %max3A_1, %c0_i32 : i32, i32
  }
  func.func @transform_5(%arg0: i32) -> (i32, i32) {
    %add3A = arith.constant 0 : i32
    %add3A_0 = arith.addi %arg0, %add3A : i32
    %c0_i32 = arith.constant 0 : i32
    %c0_i32_1 = arith.constant 0 : i32
    return %add3A_0, %c0_i32 : i32, i32
  }
  func.func @transform_6(%arg0: i32) -> (i32, i32) {
    %add3A = arith.constant 0 : i32
    %add3A_0 = arith.addi %arg0, %add3A : i32
    %c0_i32 = arith.constant 0 : i32
    %c0_i32_1 = arith.constant 0 : i32
    return %add3A_0, %c0_i32 : i32, i32
  }
}

module attributes {stable_mosaic.version = 14 : i64} {
  func.func @_comb_mid_tc_body(%arg0: i32, %arg1: memref<1000x128xf32, #tpu.memory_space<vmem>>, %arg2: memref<1000x128xf32, #tpu.memory_space<vmem>>, %arg3: memref<1000x1xf32, #tpu.memory_space<vmem>>, %arg4: memref<1000x128xf32, #tpu.memory_space<vmem>>, %arg5: memref<1000x128xf32, #tpu.memory_space<vmem>>, %arg6: memref<1000x128xf32, #tpu.memory_space<vmem>>) attributes {dimension_semantics = [#tpu.dimension_semantics<arbitrary>], iteration_bounds = array<i64: 10>, scalar_prefetch = 0 : i64, scratch_operands = 0 : i64, tpu.core_type = #tpu.core_type<tc>, window_params = [{transform_indices = @transform_0, window_bounds = array<i64: 1000, 128>}, {transform_indices = @transform_1, window_bounds = array<i64: 1000, 128>}, {transform_indices = @transform_2, window_bounds = array<i64: 1000, 1>}, {transform_indices = @transform_3, window_bounds = array<i64: 1000, 128>}, {transform_indices = @transform_4, window_bounds = array<i64: 1000, 128>}, {transform_indices = @transform_5, window_bounds = array<i64: 1000, 128>}]} {
    %get3A = arith.constant 0 : index
    %get3A_0 = arith.constant 0 : index
    %get3A_1 = vector.load %arg3[%get3A, %get3A_0] : memref<1000x1xf32, #tpu.memory_space<vmem>>, vector<1000x1xf32>
    %get3A_2 = arith.constant 0 : index
    %get3A_3 = arith.constant 0 : index
    %get3A_4 = vector.load %arg1[%get3A_2, %get3A_3] : memref<1000x128xf32, #tpu.memory_space<vmem>>, vector<1000x128xf32>
    %get3A_5 = arith.constant 0 : index
    %get3A_6 = arith.constant 0 : index
    %get3A_7 = vector.load %arg2[%get3A_5, %get3A_6] : memref<1000x128xf32, #tpu.memory_space<vmem>>, vector<1000x128xf32>
    %add3A = arith.addf %get3A_4, %get3A_7 : vector<1000x128xf32>
    %mul3A = vector.broadcast %get3A_1 : vector<1000x1xf32> to vector<1000x128xf32>
    %mul3A_8 = arith.mulf %add3A, %mul3A : vector<1000x128xf32>
    %mul3A_9 = vector.broadcast %get3A_1 : vector<1000x1xf32> to vector<1000x128xf32>
    %mul3A_10 = arith.mulf %mul3A_8, %mul3A_9 : vector<1000x128xf32>
    %swap3A = arith.constant 0 : index
    %swap3A_11 = arith.constant 0 : index
    %swap3A_12 = vector.load %arg5[%swap3A, %swap3A_11] : memref<1000x128xf32, #tpu.memory_space<vmem>>, vector<1000x128xf32>
    tpu.vector_store %arg5[%swap3A, %swap3A_11], %mul3A_10 {strides = array<i32>} : memref<1000x128xf32, #tpu.memory_space<vmem>>, vector<1000x128xf32>,
    %get3A_13 = arith.constant 0 : index
    %get3A_14 = arith.constant 0 : index
    %get3A_15 = vector.load %arg4[%get3A_13, %get3A_14] : memref<1000x128xf32, #tpu.memory_space<vmem>>, vector<1000x128xf32>
    %mul3A_16 = arith.constant 2.500000e-01 : f32
    %mul3A_17 = vector.broadcast %mul3A_16 : f32 to vector<1000x128xf32>
    %mul3A_18 = arith.mulf %mul3A_8, %mul3A_17 : vector<1000x128xf32>
    %add3A_19 = arith.addf %get3A_15, %mul3A_18 : vector<1000x128xf32>
    %swap3A_20 = arith.constant 0 : index
    %swap3A_21 = arith.constant 0 : index
    %swap3A_22 = vector.load %arg6[%swap3A_20, %swap3A_21] : memref<1000x128xf32, #tpu.memory_space<vmem>>, vector<1000x128xf32>
    tpu.vector_store %arg6[%swap3A_20, %swap3A_21], %add3A_19 {strides = array<i32>} : memref<1000x128xf32, #tpu.memory_space<vmem>>, vector<1000x128xf32>,
    return
  }
  func.func @transform_0(%arg0: i32) -> (i32, i32) {
    %add3A = arith.constant 0 : i32
    %add3A_0 = arith.addi %arg0, %add3A : i32
    %c0_i32 = arith.constant 0 : i32
    %c0_i32_1 = arith.constant 0 : i32
    return %add3A_0, %c0_i32 : i32, i32
  }
  func.func @transform_1(%arg0: i32) -> (i32, i32) {
    %add3A = arith.constant 0 : i32
    %add3A_0 = arith.addi %arg0, %add3A : i32
    %c0_i32 = arith.constant 0 : i32
    %c0_i32_1 = arith.constant 0 : i32
    return %add3A_0, %c0_i32 : i32, i32
  }
  func.func @transform_2(%arg0: i32) -> (i32, i32) {
    %add3A = arith.constant 0 : i32
    %add3A_0 = arith.addi %arg0, %add3A : i32
    %c0_i32 = arith.constant 0 : i32
    %c0_i32_1 = arith.constant 0 : i32
    return %add3A_0, %c0_i32 : i32, i32
  }
  func.func @transform_3(%arg0: i32) -> (i32, i32) {
    %add3A = arith.constant 0 : i32
    %add3A_0 = arith.addi %arg0, %add3A : i32
    %c0_i32 = arith.constant 0 : i32
    %c0_i32_1 = arith.constant 0 : i32
    return %add3A_0, %c0_i32 : i32, i32
  }
  func.func @transform_4(%arg0: i32) -> (i32, i32) {
    %add3A = arith.constant 0 : i32
    %add3A_0 = arith.addi %arg0, %add3A : i32
    %c0_i32 = arith.constant 0 : i32
    %c0_i32_1 = arith.constant 0 : i32
    return %add3A_0, %c0_i32 : i32, i32
  }
  func.func @transform_5(%arg0: i32) -> (i32, i32) {
    %add3A = arith.constant 0 : i32
    %add3A_0 = arith.addi %arg0, %add3A : i32
    %c0_i32 = arith.constant 0 : i32
    %c0_i32_1 = arith.constant 0 : i32
    return %add3A_0, %c0_i32 : i32, i32
  }
}

module attributes {stable_mosaic.version = 14 : i64} {
  func.func @_comb_last_tc_body(%arg0: i32, %arg1: memref<1000x128xf32, #tpu.memory_space<vmem>>, %arg2: memref<1000x128xf32, #tpu.memory_space<vmem>>, %arg3: memref<1000x1xf32, #tpu.memory_space<vmem>>, %arg4: memref<1000x128xf32, #tpu.memory_space<vmem>>, %arg5: memref<1000x128xf32, #tpu.memory_space<vmem>>) attributes {dimension_semantics = [#tpu.dimension_semantics<arbitrary>], iteration_bounds = array<i64: 5>, scalar_prefetch = 0 : i64, scratch_operands = 0 : i64, tpu.core_type = #tpu.core_type<tc>, window_params = [{transform_indices = @transform_0, window_bounds = array<i64: 1000, 128>}, {transform_indices = @transform_1, window_bounds = array<i64: 1000, 128>}, {transform_indices = @transform_2, window_bounds = array<i64: 1000, 1>}, {transform_indices = @transform_3, window_bounds = array<i64: 1000, 128>}, {transform_indices = @transform_4, window_bounds = array<i64: 1000, 128>}]} {
    %get3A = arith.constant 0 : index
    %get3A_0 = arith.constant 0 : index
    %get3A_1 = vector.load %arg3[%get3A, %get3A_0] : memref<1000x1xf32, #tpu.memory_space<vmem>>, vector<1000x1xf32>
    %get3A_2 = arith.constant 0 : index
    %get3A_3 = arith.constant 0 : index
    %get3A_4 = vector.load %arg1[%get3A_2, %get3A_3] : memref<1000x128xf32, #tpu.memory_space<vmem>>, vector<1000x128xf32>
    %get3A_5 = arith.constant 0 : index
    %get3A_6 = arith.constant 0 : index
    %get3A_7 = vector.load %arg2[%get3A_5, %get3A_6] : memref<1000x128xf32, #tpu.memory_space<vmem>>, vector<1000x128xf32>
    %add3A = arith.addf %get3A_4, %get3A_7 : vector<1000x128xf32>
    %mul3A = vector.broadcast %get3A_1 : vector<1000x1xf32> to vector<1000x128xf32>
    %mul3A_8 = arith.mulf %add3A, %mul3A : vector<1000x128xf32>
    %get3A_9 = arith.constant 0 : index
    %get3A_10 = arith.constant 0 : index
    %get3A_11 = vector.load %arg4[%get3A_9, %get3A_10] : memref<1000x128xf32, #tpu.memory_space<vmem>>, vector<1000x128xf32>
    %mul3A_12 = arith.constant 2.500000e-01 : f32
    %mul3A_13 = vector.broadcast %mul3A_12 : f32 to vector<1000x128xf32>
    %mul3A_14 = arith.mulf %mul3A_8, %mul3A_13 : vector<1000x128xf32>
    %add3A_15 = arith.addf %get3A_11, %mul3A_14 : vector<1000x128xf32>
    %swap3A = arith.constant 0 : index
    %swap3A_16 = arith.constant 0 : index
    %swap3A_17 = vector.load %arg5[%swap3A, %swap3A_16] : memref<1000x128xf32, #tpu.memory_space<vmem>>, vector<1000x128xf32>
    tpu.vector_store %arg5[%swap3A, %swap3A_16], %add3A_15 {strides = array<i32>} : memref<1000x128xf32, #tpu.memory_space<vmem>>, vector<1000x128xf32>,
    return
  }
  func.func @transform_0(%arg0: i32) -> (i32, i32) {
    %add3A = arith.constant 5 : i32
    %add3A_0 = arith.addi %arg0, %add3A : i32
    %c0_i32 = arith.constant 0 : i32
    %c0_i32_1 = arith.constant 0 : i32
    return %add3A_0, %c0_i32 : i32, i32
  }
  func.func @transform_1(%arg0: i32) -> (i32, i32) {
    %add3A = arith.constant 5 : i32
    %add3A_0 = arith.addi %arg0, %add3A : i32
    %c0_i32 = arith.constant 0 : i32
    %c0_i32_1 = arith.constant 0 : i32
    return %add3A_0, %c0_i32 : i32, i32
  }
  func.func @transform_2(%arg0: i32) -> (i32, i32) {
    %add3A = arith.constant 5 : i32
    %add3A_0 = arith.addi %arg0, %add3A : i32
    %c0_i32 = arith.constant 0 : i32
    %c0_i32_1 = arith.constant 0 : i32
    return %add3A_0, %c0_i32 : i32, i32
  }
  func.func @transform_3(%arg0: i32) -> (i32, i32) {
    %add3A = arith.constant 5 : i32
    %add3A_0 = arith.addi %arg0, %add3A : i32
    %c0_i32 = arith.constant 0 : i32
    %c0_i32_1 = arith.constant 0 : i32
    return %add3A_0, %c0_i32 : i32, i32
  }
  func.func @transform_4(%arg0: i32) -> (i32, i32) {
    %add3A = arith.constant 0 : i32
    %add3A_0 = arith.addi %arg0, %add3A : i32
    %c0_i32 = arith.constant 0 : i32
    %c0_i32_1 = arith.constant 0 : i32
    return %add3A_0, %c0_i32 : i32, i32
  }
}

module attributes {stable_mosaic.version = 14 : i64} {
  func.func @_comb_last_tc_body(%arg0: i32, %arg1: memref<1000x128xf32, #tpu.memory_space<vmem>>, %arg2: memref<1000x128xf32, #tpu.memory_space<vmem>>, %arg3: memref<1000x1xf32, #tpu.memory_space<vmem>>, %arg4: memref<1000x128xf32, #tpu.memory_space<vmem>>, %arg5: memref<1000x128xf32, #tpu.memory_space<vmem>>) attributes {dimension_semantics = [#tpu.dimension_semantics<arbitrary>], iteration_bounds = array<i64: 5>, scalar_prefetch = 0 : i64, scratch_operands = 0 : i64, tpu.core_type = #tpu.core_type<tc>, window_params = [{transform_indices = @transform_0, window_bounds = array<i64: 1000, 128>}, {transform_indices = @transform_1, window_bounds = array<i64: 1000, 128>}, {transform_indices = @transform_2, window_bounds = array<i64: 1000, 1>}, {transform_indices = @transform_3, window_bounds = array<i64: 1000, 128>}, {transform_indices = @transform_4, window_bounds = array<i64: 1000, 128>}]} {
    %get3A = arith.constant 0 : index
    %get3A_0 = arith.constant 0 : index
    %get3A_1 = vector.load %arg3[%get3A, %get3A_0] : memref<1000x1xf32, #tpu.memory_space<vmem>>, vector<1000x1xf32>
    %get3A_2 = arith.constant 0 : index
    %get3A_3 = arith.constant 0 : index
    %get3A_4 = vector.load %arg1[%get3A_2, %get3A_3] : memref<1000x128xf32, #tpu.memory_space<vmem>>, vector<1000x128xf32>
    %get3A_5 = arith.constant 0 : index
    %get3A_6 = arith.constant 0 : index
    %get3A_7 = vector.load %arg2[%get3A_5, %get3A_6] : memref<1000x128xf32, #tpu.memory_space<vmem>>, vector<1000x128xf32>
    %add3A = arith.addf %get3A_4, %get3A_7 : vector<1000x128xf32>
    %mul3A = vector.broadcast %get3A_1 : vector<1000x1xf32> to vector<1000x128xf32>
    %mul3A_8 = arith.mulf %add3A, %mul3A : vector<1000x128xf32>
    %get3A_9 = arith.constant 0 : index
    %get3A_10 = arith.constant 0 : index
    %get3A_11 = vector.load %arg4[%get3A_9, %get3A_10] : memref<1000x128xf32, #tpu.memory_space<vmem>>, vector<1000x128xf32>
    %mul3A_12 = arith.constant 2.500000e-01 : f32
    %mul3A_13 = vector.broadcast %mul3A_12 : f32 to vector<1000x128xf32>
    %mul3A_14 = arith.mulf %mul3A_8, %mul3A_13 : vector<1000x128xf32>
    %add3A_15 = arith.addf %get3A_11, %mul3A_14 : vector<1000x128xf32>
    %swap3A = arith.constant 0 : index
    %swap3A_16 = arith.constant 0 : index
    %swap3A_17 = vector.load %arg5[%swap3A, %swap3A_16] : memref<1000x128xf32, #tpu.memory_space<vmem>>, vector<1000x128xf32>
    tpu.vector_store %arg5[%swap3A, %swap3A_16], %add3A_15 {strides = array<i32>} : memref<1000x128xf32, #tpu.memory_space<vmem>>, vector<1000x128xf32>,
    return
  }
  func.func @transform_0(%arg0: i32) -> (i32, i32) {
    %add3A = arith.constant 0 : i32
    %add3A_0 = arith.addi %arg0, %add3A : i32
    %c0_i32 = arith.constant 0 : i32
    %c0_i32_1 = arith.constant 0 : i32
    return %add3A_0, %c0_i32 : i32, i32
  }
  func.func @transform_1(%arg0: i32) -> (i32, i32) {
    %add3A = arith.constant 0 : i32
    %add3A_0 = arith.addi %arg0, %add3A : i32
    %c0_i32 = arith.constant 0 : i32
    %c0_i32_1 = arith.constant 0 : i32
    return %add3A_0, %c0_i32 : i32, i32
  }
  func.func @transform_2(%arg0: i32) -> (i32, i32) {
    %add3A = arith.constant 0 : i32
    %add3A_0 = arith.addi %arg0, %add3A : i32
    %c0_i32 = arith.constant 0 : i32
    %c0_i32_1 = arith.constant 0 : i32
    return %add3A_0, %c0_i32 : i32, i32
  }
  func.func @transform_3(%arg0: i32) -> (i32, i32) {
    %add3A = arith.constant 0 : i32
    %add3A_0 = arith.addi %arg0, %add3A : i32
    %c0_i32 = arith.constant 0 : i32
    %c0_i32_1 = arith.constant 0 : i32
    return %add3A_0, %c0_i32 : i32, i32
  }
  func.func @transform_4(%arg0: i32) -> (i32, i32) {
    %add3A = arith.constant 0 : i32
    %add3A_0 = arith.addi %arg0, %add3A : i32
    %c0_i32 = arith.constant 0 : i32
    %c0_i32_1 = arith.constant 0 : i32
    return %add3A_0, %c0_i32 : i32, i32
  }
}

</mosaic_0001>

<sc_bundles>
// kernel: kernel.11.cloned.1.call-start
scs
__scs_entry_jumppad:
0x0: {  	(pc) =	sbr.rel $0x88, $3  }
0x1: {  	(tag) =	ssettag $0x0;
	lr =	simm.s32 $0x1  }
0x2: {  	[smem:$0x3F9E] =	sst lr;
	_ =	strace $0xD0000000  }
0x3: {  	_ = 	snop  }
0x4: {  	_ = 	snop  }
0x5: {  	_ = 	snop  }
0x6: {  	_ = 	snop  }
0x7: {  	_ = 	snop  }
__scs_overlays_trampoline_lowered:
0x8: {  	[smem:$0x3FAD] =	sst s0  }
0x9: {  	[smem:$0x3FAE] =	sst s1  }
0xa: {  	[smem:$0x3FAF] =	sst s2  }
0xb: {  	[smem:$0x3FB0] =	sst s3  }
0xc: {  	[smem:$0x3FB1] =	sst s4  }
0xd: {  	[smem:$0x3FB2] =	sst s5  }
0xe: {  	[smem:$0x3FB3] =	sst s6  }
0xf: {  	[smem:$0x3FB4] =	sst s7  }
0x10: {  	[smem:$0x3FB5] =	sst s8  }
0x11: {  	[smem:$0x3FB6] =	sst s9;
	s0 =	simm.s32 @!p0 $0x0  }
0x12: {  	s1 =	sld [smem:$0x3F9C];
	s0 =	simm.s32 @p0 $0x1  }
0x13: {  	[smem:$0x3FB7] =	sst s0;
	s0 =	simm.s32 @!p1 $0x0  }
0x14: {  	s2 =	sld [smem:$0x3F9B];
	s0 =	simm.s32 @p1 $0x1  }
0x15: {  	[smem:$0x3FB8] =	sst s0;
	s0 =	simm.s32 @!p2 $0x0  }
0x16: {  	s3 =	sld [smem:$0x3FDB];
	s0 =	simm.s32 @p2 $0x1  }
0x17: {  	s4 =	simm.s32 $0x1BF5;
	[smem:$0x3FBA] =	sst s0  }
0x18: {  	s0 =	sld [smem:$0x3F9D];
	_ =	swait.ge [sflag:s4], $0x0  }
0x19: {  	s7 =	sld [smem:$0x3F9E]  }
0x1a: {  	s8 =	sadd.s32 $0xFFFFE003, lr  }
0x1b: {  	s9 =	sadd.s32 $0xFFFFFEF7, lr;
	s5 =	simm.s32 $0xFFFFFFFF;
	p2 =	slt.u32 s8, $0xFFFFF086  }
0x1c: {  	p1 =	slt.u32 s9, $0xF7A;
	s5 =	simm.s32 @!p2 $0x0  }
0x1d: {  	s5 =	simm.s32 @p1 $0x1;
	p0 =	seq.s32 s7, s2  }
0x1e: {  	s7 =	smul.u32 @!p0 $0xF7A, s2;
	p2 =	seq.s32 @!p0 s5, $0x0  }
0x1f: {  	s9 =	smul.u32 $0xF7A, s1;
	s8 =	simm.s32 @!p0 $0x1BF5;
	p2 =	por !p2, p0  }
0x20: {  	[sflag:s8] =	ssyncset.s32 @!p0 $0xFFFFF086;
	s6 =	sadd.s32 @!p0 s3, s7;
	s7 =	simm.s32 @!p0 $0x108  }
0x21: {  	s3 =	sadd.s32 s3, s9;
	s6 =	sadd.s32 @!p0 $0x88, s6;
	s7 =	simm.s32 @p2 $0x1082  }
0x22: {  	[simem:s7], [sflag:s8] =	dma.local @!p0 [hbm:s6], $0xF7A  }
0x23: {  	s9 =	sor.u32 $0xD0000000, s2;
	s6 =	simm.s32 $0x108;
	_ =	swait.ge @!p0 [sflag:s8], $0x0  }
0x24: {  	s3 =	sadd.s32 $0x88, s3;
	s6 =	simm.s32 @!p1 $0x1082;
	[sflag:s4] =	ssyncset.s32 $0xFFFFF086  }
0x25: {  	[simem:s6], [sflag:s4] =	dma.local [hbm:s3], $0xF7A  }
0x26: {  	[smem:$0x3F9E] =	sst s1;
	(tag) =	ssettag s2;
	_ =	strace s9  }
0x27: {  	s1 =	sld [smem:$0x3FAE]  }
0x28: {  	s2 =	sld [smem:$0x3FAF]  }
0x29: {  	s4 =	sld [smem:$0x3FB1]  }
0x2a: {  	p0 =	seq.s32 s5, $0x0;
	s5 =	sld [smem:$0x3FB2]  }
0x2b: {  	s6 =	sld [smem:$0x3FB3]  }
0x2c: {  	s7 =	sld [smem:$0x3FB4]  }
0x2d: {  	s3 =	simm.s32 $0x108;
	s8 =	sld [smem:$0x3FB5]  }
0x2e: {  	s3 =	simm.s32 @!p0 $0x1082;
	s9 =	sld [smem:$0x3FB6]  }
0x2f: {  	lr =	sadd.s32 s0, s3;
	s0 =	sld [smem:$0x3FAD]  }
0x30: {  	s3 =	sld [smem:$0x3FB0]  }
0x31: {  	[smem:$0x3FB9] =	sst s10  }
0x32: {  	s10 =	sld [smem:$0x3FB7];
	_ =	sdelay $0x3  }
0x33: {  	p0 =	seq.s32 s10, $0x1;
	s10 =	sld [smem:$0x3FB9];
	_ =	sdelay $0x3  }
0x34: {  	[smem:$0x3FB9] =	sst s10  }
0x35: {  	s10 =	sld [smem:$0x3FB8];
	_ =	sdelay $0x3  }
0x36: {  	p1 =	seq.s32 s10, $0x1;
	s10 =	sld [smem:$0x3FB9];
	_ =	sdelay $0x3  }
0x37: {  	[smem:$0x3FB9] =	sst s10  }
0x38: {  	s10 =	sld [smem:$0x3FBA]  }
0x39: {  	_ = 	snop;
	(pc) =	sbr.ind lr, $3  }
0x3a: {  	_ = 	snop  }
0x3b: {  	_ = 	snop  }
0x3c: {  	p2 =	seq.s32 s10, $0x1;
	s10 =	sld [smem:$0x3FB9]  }
0x3d: {  	_ =	shalt  }
0x3e: {  	_ =	shalt  }
0x3f: {  	_ =	shalt  }
0x40: {  	_ =	shalt  }
0x41: {  	_ =	shalt  }
0x42: {  	_ =	shalt  }
0x43: {  	_ =	shalt  }
0x44: {  	_ =	shalt  }
0x45: {  	_ =	shalt  }
0x46: {  	_ =	shalt  }
0x47: {  	_ =	shalt  }
0x48: {  	_ =	shalt  }
0x49: {  	_ =	shalt  }
0x4a: {  	_ =	shalt  }
0x4b: {  	_ =	shalt  }
0x4c: {  	_ =	shalt  }
0x4d: {  	_ =	shalt  }
0x4e: {  	_ =	shalt  }
0x4f: {  	_ =	shalt  }
0x50: {  	_ =	shalt  }
0x51: {  	_ =	shalt  }
0x52: {  	_ =	shalt  }
0x53: {  	_ =	shalt  }
0x54: {  	_ =	shalt  }
0x55: {  	_ =	shalt  }
0x56: {  	_ =	shalt  }
0x57: {  	_ =	shalt  }
0x58: {  	_ =	shalt  }
0x59: {  	_ =	shalt  }
0x5a: {  	_ =	shalt  }
0x5b: {  	_ =	shalt  }
0x5c: {  	_ =	shalt  }
0x5d: {  	_ =	shalt  }
0x5e: {  	_ =	shalt  }
0x5f: {  	_ =	shalt  }
0x60: {  	_ =	shalt  }
0x61: {  	_ =	shalt  }
0x62: {  	_ =	shalt  }
0x63: {  	_ =	shalt  }
0x64: {  	_ =	shalt  }
0x65: {  	_ =	shalt  }
0x66: {  	_ =	shalt  }
0x67: {  	_ =	shalt  }
0x68: {  	_ =	shalt  }
0x69: {  	_ =	shalt  }
0x6a: {  	_ =	shalt  }
0x6b: {  	_ =	shalt  }
0x6c: {  	_ =	shalt  }
0x6d: {  	_ =	shalt  }
0x6e: {  	_ =	shalt  }
0x6f: {  	_ =	shalt  }
0x70: {  	_ =	shalt  }
0x71: {  	_ =	shalt  }
0x72: {  	_ =	shalt  }
0x73: {  	_ =	shalt  }
0x74: {  	_ =	shalt  }
0x75: {  	_ =	shalt  }
0x76: {  	_ =	shalt  }
0x77: {  	_ =	shalt  }
0x78: {  	_ =	shalt  }
0x79: {  	_ =	shalt  }
0x7a: {  	_ =	shalt  }
0x7b: {  	_ =	shalt  }
0x7c: {  	_ =	shalt  }
0x7d: {  	_ =	shalt  }
0x7e: {  	_ =	shalt  }
0x7f: {  	_ =	shalt  }
0x80: {  	_ =	shalt  }
0x81: {  	_ =	shalt  }
0x82: {  	_ =	shalt  }
0x83: {  	_ =	shalt  }
0x84: {  	_ =	shalt  }
0x85: {  	_ =	shalt  }
0x86: {  	_ =	shalt  }
0x87: {  	_ =	shalt  }
.Lfunc_end0:
.L_simem_size_0:
called_computation_lowered:
.L_overlay_start_0:
0x88: {  	s2 =	sld [smem:$0x3FD9]  }
0x89: {  	s3 =	sld [smem:$0x3FFE];
	_ =	sdelay $0x1  }
0x8a: {  	s1 =	srdreg.scid  }
0x8b: {  	s0 =	sand.u32 $0x1, s1  }
0x8c: {  	s14 =	sshll.u32 s0, $0xA;
	s2 =	sadd.s32 s3, s2  }
0x8d: {  	s2 =	sadd.s32 s2, s14  }
0x8e: {  	[smem:$0x3FC5] =	sst s2  }
0x8f: {  	_ = 	snop  }
0x90: {  	s2 =	sld [smem:$0x3FD0];
	_ =	sdelay $0x2  }
0x91: {  	s15 =	simm.s32 $0xA;
	s4 =	simm.s32 $0x10  }
0x92: {  	[smem:s4], [sflag:s15] =	dma.local [hbm:s2], $0x1  }
0x93: {  	_ =	swait.eq [sflag:s15], $0x1  }
0x94: {  	[sflag:s15] =	ssyncset.done $0x0  }
0x95: {  	[sflag:s15] =	ssyncadd.s32 $0xFFFFFFFF  }
0x96: {  	s16 =	sld [smem:$0x11];
	(tm) =	ssettm $0x1  }
0x97: {  	s17 =	sld [smem:$0x3FFB];
	_ =	sdelay $0x3  }
0x98: {  	_ =	strace s17  }
0x99: {  	s3 =	sld [smem:$0x3FFC];
	_ =	sdelay $0x3  }
0x9a: {  	_ =	strace s3  }
0x9b: {  	s3 =	sld [smem:$0x3FFD];
	_ =	sdelay $0x3  }
0x9c: {  	_ =	strace s3  }
0x9d: {  	_ =	strace $0x8FFFFFFF  }
0x9e: {  	s18 =	sld [smem:$0x3FDB];
	_ =	sdelay $0x1  }
0x9f: {  	s19 =	simm.s32 $_scs_section_size  }
0xa0: {  	s5 =	simm.s32 $_size__tile_overlayer_lowered;
	s6 =	simm.s32 $_tile_overlayer_lowered  }
0xa1: {  	s22 =	simm.s32 $0x1BFF;
	s21 =	sshll.u32 s6, $0x1;
	s3 =	sadd.s32 s19, s18  }
0xa2: {  	s7 =	simm.s32 $0x0;
	s20 =	sshll.u32 s5, $0x1;
	s5 =	sadd.s32 s21, s3  }
0xa3: {  	[timem:s7], [sflag:s22] =	dma.local [hbm:s5], s20  }
0xa4: {  	_ =	swait.ge [sflag:s22], s20  }
0xa5: {  	s4 =	ssub.s32 $0x0, s20;
	[sflag:s22] =	ssyncset.done $0x0  }
0xa6: {  	[sflag:s22] =	ssyncadd.s32 s4;
	_ =	sdelay $0x1  }
0xa7: {  	s23 =	simm.s32 $0x1B8B  }
0xa8: {  	_ =	swait.ge [sflag:s23], $0x1  }
0xa9: {  	[sflag:s23] =	ssyncset.done $0x0  }
0xaa: {  	s25 =	simm.s32 $0x1B8E;
	s24 =	sld [smem:$0x3FFE];
	[sflag:s23] =	ssyncadd.s32 $0xFFFFFFFF  }
0xab: {  	s26 =	simm.s32 $execute0_lowered;
	[smem:$0x3FD2] =	sst s25  }
0xac: {  	s5 =	sshll.u32 s26, $0x1;
	_ =	strace $0x80000046;
	[dreg:$0x1] =	wrdreg $0xFFFFFFFF  }
0xad: {  	s28 =	simm.s32 $_size_execute0_lowered;
	s3 =	sadd.s32 s3, s5;
	[dreg:$0x0] =	wrdreg $0x0  }
0xae: {  	s5 =	sshll.u32 s28, $0x1;
	[dreg:$0x2] =	wrdreg s3  }
0xaf: {  	[dreg:$0x3] =	wrdreg s5  }
0xb0: {  	[dreg:$0x4] =	wrdreg $0xC0  }
0xb1: {  	_ =	task [dreg:s7], $0x5FFFF  }
0xb2: {  	[dreg:$0x1] =	wrdreg $0xFFFFFFFF  }
0xb3: {  	[dreg:$0x0] =	wrdreg $0x60  }
0xb4: {  	[dreg:$0x2] =	wrdreg s16  }
0xb5: {  	[dreg:$0x3] =	wrdreg s24  }
0xb6: {  	[dreg:$0x4] =	wrdreg $0x2B000  }
0xb7: {  	[dreg:$0x5] =	wrdreg $0x9  }
0xb8: {  	_ =	task.clear_ibuf [dreg:s7], $0x6FFFF;
	_ =	strace $0x90000046  }
0xb9: {  	s29 =	simm.s32 $0x9;
	_ =	strace $0x80000048  }
0xba: {  	_ =	swait.ge [sflag:s29], $0x1  }
0xbb: {  	[sflag:s29] =	ssyncadd.s32 $0xFFFFFFFF  }
0xbc: {  	_ =	strace $0x90000048  }
0xbd: {  	_ =	sfence  }
0xbe: {  	s30 =	sld [smem:$0x0];
	_ =	sdelay $0x2  }
0xbf: {  	s31 =	sshll.u32 s1, $0xD;
	s1 =	sshrl.u32 s1, $0x2  }
0xc0: {  	s3 =	sand.u32 $0x4000, s31;
	s1 =	sadd.s32 s1, s30  }
0xc1: {  	s0 =	sor.u32 s3, s0;
	s1 =	sshll.u32 s1, $0x11  }
0xc2: {  	s0 =	sor.u32 s1, s0  }
0xc3: {  	s0 =	sadd.s32 $0x8F2B, s0  }
0xc4: {  	[sflag:s0] =	ssyncadd.remote.s32 $0x1  }
0xc5: {  	_ =	sfence.sel $0xFFFF  }
0xc6: {  	[dreg:$0x0] =	wrdreg $0xFFFFFFFF;
	(pc) =	sbr.abs _section_cstart, $3  }
0xc7: {  	[dreg:$0x1] =	wrdreg $0xFFFFFFFF  }
0xc8: {  	_ =	task.clear_ibuf [dreg:s7], $0x2FFFF;
	_ =	strace $0x9FFFFFFF  }
0xc9: {  	(tm) =	ssettm $0x7FFFFFFF  }
tec
execute0_lowered:
.L_overlay_start_1:
0x0: {  	(tag) =	ssettag $0x1  }
0x1: {  	s4 =	rddreg [dreg:$0x0]  }
0x2: {  	s7 =	rddreg [dreg:$0x1]  }
0x3: {  	s1 =	srdreg.scid;
	s0 =	stileid.u32  }
0x4: {  	s2 =	rddreg [dreg:$0x2];
	s3 =	simm.s32 $0x0;
	s11 =	simm.s32 $0x2800  }
0x5: {  	s14 =	simm.s32 $0x0;
	s5 =	sand.u32 $0x1, s1;
	s1 =	rddreg [dreg:$0x3]  }
0x6: {  	s6 =	sshll.u32 s0, $0x1;
	[smem:$0x7FF] =	sst s3;
	s10 =	smul.u32 $0x280, s0  }
0x7: {  	s12 =	sshll.u32 s0, $0x6;
	s6 =	sor.u32 s5, s6;
	s8 =	ssub.s32 $0x2, s5  }
0x8: {  	_ =	strace $0x80000047;
	p0 =	seq.s32 s5, $0x1;
	s12 =	sor.u32 $0x1C01, s12  }
0x9: {  	s6 =	smul.u32 $0x500, s6;
	s9 =	sshrl.u32 s8, $0x1;
	s5 =	sadd.s32 s10, s2  }
0xa: {  	s10 =	sshrl.u32 s10, $0x3;
	s8 =	ssub.s32 s8, s9;
	s9 =	simm.s32 $0x4000  }
0xb: {  	s13 =	sshrl.u32 s5, $0x3;
	s4 =	sadd.s32 s4, s6;
	s9 =	simm.s32 @!p0 $0x4600  }
0xc: {  	s6 =	smax.u32 s8, $0x1;
	s8 =	simm.s32 $0x1;
	s7 =	sadd.s32 s9, s7  }
0xd: {  	v0 =	vimm.f32 $1.000000000e+00;
	v1 =	vimm.f32 $0.0e+00;
	s9 =	simm.s32 $0x2880;
	s7 =	sadd.s32 s7, s10;
	s10 =	simm.s32 $0x7D  }
.LBB2_1:
0xe: {  	[tilespmem:s3], [sflag:$0x1] =	stream.linear.gather [hbm4b:s4+s3], $0x2800, $0x38;
	[tilespmem:$0x2D80] =	vst v63  }
0xf: {  	_ =	swait.ge [sflag:s8], $0x2800  }
0x10: {  	[sflag:s8] =	ssyncset.done $0x0  }
0x11: {  	[sflag:s8] =	ssyncadd.s32 $0xFFFFD800  }
0x12: {  	[tilespmem:$0x2800] =	vst v0  }
0x13: {  	[tilespmem:$0x2810] =	vst v0  }
0x14: {  	[tilespmem:$0x2820] =	vst v0  }
0x15: {  	[tilespmem:$0x2830] =	vst v0  }
0x16: {  	[tilespmem:$0x2840] =	vst v0  }
0x17: {  	[tilespmem:$0x2850] =	vst v0  }
0x18: {  	[tilespmem:$0x2860] =	vst v0  }
0x19: {  	[tilespmem:$0x2870] =	vst v0  }
0x1a: {  	[tilespmem:$0x2880] =	vst v1  }
0x1b: {  	[tilespmem:$0x2890] =	vst v1  }
0x1c: {  	[tilespmem:$0x28A0] =	vst v1  }
0x1d: {  	[tilespmem:$0x28B0] =	vst v1  }
0x1e: {  	[tilespmem:$0x28C0] =	vst v1  }
0x1f: {  	[tilespmem:$0x28D0] =	vst v1  }
0x20: {  	[tilespmem:$0x28E0] =	vst v1  }
0x21: {  	[tilespmem:$0x28F0] =	vst v1  }
0x22: {  	[tilespmem:$0x2900] =	vst v1  }
0x23: {  	[tilespmem:$0x2910] =	vst v1  }
0x24: {  	[tilespmem:$0x2920] =	vst v1  }
0x25: {  	[tilespmem:$0x2930] =	vst v1  }
0x26: {  	[tilespmem:$0x2940] =	vst v1  }
0x27: {  	[tilespmem:$0x2950] =	vst v1  }
0x28: {  	[tilespmem:$0x2960] =	vst v1  }
0x29: {  	[tilespmem:$0x2970] =	vst v1  }
0x2a: {  	[tilespmem:$0x2980] =	vst v1  }
0x2b: {  	[tilespmem:$0x2990] =	vst v1  }
0x2c: {  	[tilespmem:$0x29A0] =	vst v1  }
0x2d: {  	[tilespmem:$0x29B0] =	vst v1  }
0x2e: {  	[tilespmem:$0x29C0] =	vst v1  }
0x2f: {  	[tilespmem:$0x29D0] =	vst v1  }
0x30: {  	[tilespmem:$0x29E0] =	vst v1  }
0x31: {  	[tilespmem:$0x29F0] =	vst v1  }
0x32: {  	[tilespmem:$0x2A00] =	vst v1  }
0x33: {  	[tilespmem:$0x2A10] =	vst v1  }
0x34: {  	[tilespmem:$0x2A20] =	vst v1  }
0x35: {  	[tilespmem:$0x2A30] =	vst v1  }
0x36: {  	[tilespmem:$0x2A40] =	vst v1  }
0x37: {  	[tilespmem:$0x2A50] =	vst v1  }
0x38: {  	[tilespmem:$0x2A60] =	vst v1  }
0x39: {  	[tilespmem:$0x2A70] =	vst v1  }
0x3a: {  	[tilespmem:$0x2A80] =	vst v1  }
0x3b: {  	[tilespmem:$0x2A90] =	vst v1  }
0x3c: {  	[tilespmem:$0x2AA0] =	vst v1  }
0x3d: {  	[tilespmem:$0x2AB0] =	vst v1  }
0x3e: {  	[tilespmem:$0x2AC0] =	vst v1  }
0x3f: {  	[tilespmem:$0x2AD0] =	vst v1  }
0x40: {  	[tilespmem:$0x2AE0] =	vst v1  }
0x41: {  	[tilespmem:$0x2AF0] =	vst v1  }
0x42: {  	[spmem:s5] =	stream.linear.scatter [tilespmem:s9], [sflag:$0x1], $0x280, $0x38;
	[tilespmem:$0x2D80] =	vst v63  }
0x43: {  	_ =	swait.ge [sflag:s8], $0x280  }
0x44: {  	[sflag:s8] =	ssyncset.done $0x0  }
0x45: {  	[sflag:s8] =	ssyncadd.s32 $0xFFFFFD80  }
0x46: {  	s15 =	simm.s32 $0x0;
	[bflag:$0x0] =	sbarrier.arrive $0xFFFF  }
0x47: {  	[spmem:s2] =	stream.indirect.scatter.add.f32 [tilespmem:s11], [sflag:$0x1], $0x1, s15, s10, $0xb8;
	[tilespmem:$0x2D80] =	vst v63  }
0x48: {  	_ =	swait.ge [sflag:s8], $0x7D  }
0x49: {  	s15 =	simm.s32 $0x200;
	[sflag:s8] =	ssyncset.done $0x0  }
.LBB2_2:
0x4a: {  	s16 =	sshra.s32 s15, $0x2;
	[sflag:s8] =	ssyncadd.s32 $0xFFFFFF83;
	p0 =	sne.s32 s15, $0x9E00  }
0x4b: {  	[spmem:s2] =	stream.indirect.scatter.add.f32 [tilespmem:s11], [sflag:$0x1], $0x1, s16, s10, $0xb8;
	[tilespmem:$0x2D80] =	vst v63  }
.Ltmp0:
0x4c: {  	_ = 	snop;
	(pc) =	sbr.rel @p0 .LBB2_2-.Ltmp0, $4  }
0x4d: {  	_ = 	snop  }
0x4e: {  	s15 =	sadd.s32 $0x200, s15  }
0x4f: {  	_ =	swait.ge [sflag:s8], $0x7D  }
0x50: {  	[sflag:s8] =	ssyncset.done $0x0  }
0x51: {  	s14 =	sadd.s32 $0x1, s14  }
0x52: {  	[sflag:s8] =	ssyncadd.s32 $0xFFFFFF83;
	p0 =	sne.s32 s14, s6  }
.Ltmp1:
0x53: {  	[bflag:$0x0] =	sbarrier.arrive $0xFFFF;
	(pc) =	sbr.rel @p0 .LBB2_1-.Ltmp1, $4  }
0x54: {  	[hbm:s7], [sflag:s12] =	dma.local [spmem:s13], $0x50  }
0x55: {  	_ =	swait.ge [sflag:s8], $0x50  }
0x56: {  	[sflag:s8] =	ssyncset.done $0x0  }
0x57: {  	[sflag:s8] =	ssyncadd.s32 $0xFFFFFFB0  }
0x58: {  	_ =	sfence.sel $0x180000  }
0x59: {  	[bflag:$0x0] =	sbarrier.arrive $0xFFFF  }
0x5a: {  	p0 =	sne.s32 s0, $0x0;
	_ =	strace $0x90000047  }
0x5b: {  	s0 =	sadd.s32 @!p0 $0x100000, s1;
	[bflag:$0x2] =	sbarrier.arrive $0xFFFF  }
0x5c: {  	[sflag:s0] =	ssyncadd.tile.s32 @!p0 $0x1;
	_ =	shalt  }
.Lfunc_end2:
_tile_overlayer_lowered:
.L_overlay_start_2:
0x5d: {  	(tag) =	ssettag $0x2  }
0x5e: {  	s0 =	rddreg [dreg:$0x0];
	s2 =	stileid.u32  }
0x5f: {  	s1 =	rddreg [dreg:$0x1];
	p0 =	sne.s32 s2, $0x0  }
0x60: {  	s3 =	rddreg [dreg:$0x2];
	[bflag:$0x3] =	sbarrier.arrive $0xFFFF;
	s2 =	simm.s32 @!p0 $0x1C01  }
0x61: {  	[timem:s3], [sflag:s2] =	dma.local @!p0 [hbm:s0], s1  }
0x62: {  	s0 =	simm.s32 @!p0 $0x1  }
0x63: {  	_ =	swait.ge @!p0 [sflag:s0], s1  }
0x64: {  	s1 =	ssub.s32 @!p0 $0x0, s1;
	[sflag:s0] =	ssyncset.done @!p0 $0x0  }
0x65: {  	[sflag:s0] =	ssyncadd.s32 @!p0 s1  }
0x66: {  	[bflag:$0x3] =	sbarrier.arrive $0xFFFF  }
0x67: {  	_ =	shalt  }

// kernel: kernel.14.cloned.1.call-start
scs
__scs_entry_jumppad:
0x0: {  	(pc) =	sbr.rel $0x88, $3  }
0x1: {  	(tag) =	ssettag $0x0;
	lr =	simm.s32 $0x1  }
0x2: {  	[smem:$0x3F9E] =	sst lr;
	_ =	strace $0xD0000000  }
0x3: {  	_ = 	snop  }
0x4: {  	_ = 	snop  }
0x5: {  	_ = 	snop  }
0x6: {  	_ = 	snop  }
0x7: {  	_ = 	snop  }
__scs_overlays_trampoline_lowered:
0x8: {  	[smem:$0x3FAD] =	sst s0  }
0x9: {  	[smem:$0x3FAE] =	sst s1  }
0xa: {  	[smem:$0x3FAF] =	sst s2  }
0xb: {  	[smem:$0x3FB0] =	sst s3  }
0xc: {  	[smem:$0x3FB1] =	sst s4  }
0xd: {  	[smem:$0x3FB2] =	sst s5  }
0xe: {  	[smem:$0x3FB3] =	sst s6  }
0xf: {  	[smem:$0x3FB4] =	sst s7  }
0x10: {  	[smem:$0x3FB5] =	sst s8  }
0x11: {  	[smem:$0x3FB6] =	sst s9;
	s0 =	simm.s32 @!p0 $0x0  }
0x12: {  	s1 =	sld [smem:$0x3F9C];
	s0 =	simm.s32 @p0 $0x1  }
0x13: {  	[smem:$0x3FB7] =	sst s0;
	s0 =	simm.s32 @!p1 $0x0  }
0x14: {  	s2 =	sld [smem:$0x3F9B];
	s0 =	simm.s32 @p1 $0x1  }
0x15: {  	[smem:$0x3FB8] =	sst s0;
	s0 =	simm.s32 @!p2 $0x0  }
0x16: {  	s3 =	sld [smem:$0x3FDB];
	s0 =	simm.s32 @p2 $0x1  }
0x17: {  	s4 =	simm.s32 $0x1BF5;
	[smem:$0x3FBA] =	sst s0  }
0x18: {  	s0 =	sld [smem:$0x3F9D];
	_ =	swait.ge [sflag:s4], $0x0  }
0x19: {  	s7 =	sld [smem:$0x3F9E]  }
0x1a: {  	s8 =	sadd.s32 $0xFFFFE003, lr  }
0x1b: {  	s9 =	sadd.s32 $0xFFFFFEF7, lr;
	s5 =	simm.s32 $0xFFFFFFFF;
	p2 =	slt.u32 s8, $0xFFFFF086  }
0x1c: {  	p1 =	slt.u32 s9, $0xF7A;
	s5 =	simm.s32 @!p2 $0x0  }
0x1d: {  	s5 =	simm.s32 @p1 $0x1;
	p0 =	seq.s32 s7, s2  }
0x1e: {  	s7 =	smul.u32 @!p0 $0xF7A, s2;
	p2 =	seq.s32 @!p0 s5, $0x0  }
0x1f: {  	s9 =	smul.u32 $0xF7A, s1;
	s8 =	simm.s32 @!p0 $0x1BF5;
	p2 =	por !p2, p0  }
0x20: {  	[sflag:s8] =	ssyncset.s32 @!p0 $0xFFFFF086;
	s6 =	sadd.s32 @!p0 s3, s7;
	s7 =	simm.s32 @!p0 $0x108  }
0x21: {  	s3 =	sadd.s32 s3, s9;
	s6 =	sadd.s32 @!p0 $0x88, s6;
	s7 =	simm.s32 @p2 $0x1082  }
0x22: {  	[simem:s7], [sflag:s8] =	dma.local @!p0 [hbm:s6], $0xF7A  }
0x23: {  	s9 =	sor.u32 $0xD0000000, s2;
	s6 =	simm.s32 $0x108;
	_ =	swait.ge @!p0 [sflag:s8], $0x0  }
0x24: {  	s3 =	sadd.s32 $0x88, s3;
	s6 =	simm.s32 @!p1 $0x1082;
	[sflag:s4] =	ssyncset.s32 $0xFFFFF086  }
0x25: {  	[simem:s6], [sflag:s4] =	dma.local [hbm:s3], $0xF7A  }
0x26: {  	[smem:$0x3F9E] =	sst s1;
	(tag) =	ssettag s2;
	_ =	strace s9  }
0x27: {  	s1 =	sld [smem:$0x3FAE]  }
0x28: {  	s2 =	sld [smem:$0x3FAF]  }
0x29: {  	s4 =	sld [smem:$0x3FB1]  }
0x2a: {  	p0 =	seq.s32 s5, $0x0;
	s5 =	sld [smem:$0x3FB2]  }
0x2b: {  	s6 =	sld [smem:$0x3FB3]  }
0x2c: {  	s7 =	sld [smem:$0x3FB4]  }
0x2d: {  	s3 =	simm.s32 $0x108;
	s8 =	sld [smem:$0x3FB5]  }
0x2e: {  	s3 =	simm.s32 @!p0 $0x1082;
	s9 =	sld [smem:$0x3FB6]  }
0x2f: {  	lr =	sadd.s32 s0, s3;
	s0 =	sld [smem:$0x3FAD]  }
0x30: {  	s3 =	sld [smem:$0x3FB0]  }
0x31: {  	[smem:$0x3FB9] =	sst s10  }
0x32: {  	s10 =	sld [smem:$0x3FB7];
	_ =	sdelay $0x3  }
0x33: {  	p0 =	seq.s32 s10, $0x1;
	s10 =	sld [smem:$0x3FB9];
	_ =	sdelay $0x3  }
0x34: {  	[smem:$0x3FB9] =	sst s10  }
0x35: {  	s10 =	sld [smem:$0x3FB8];
	_ =	sdelay $0x3  }
0x36: {  	p1 =	seq.s32 s10, $0x1;
	s10 =	sld [smem:$0x3FB9];
	_ =	sdelay $0x3  }
0x37: {  	[smem:$0x3FB9] =	sst s10  }
0x38: {  	s10 =	sld [smem:$0x3FBA]  }
0x39: {  	_ = 	snop;
	(pc) =	sbr.ind lr, $3  }
0x3a: {  	_ = 	snop  }
0x3b: {  	_ = 	snop  }
0x3c: {  	p2 =	seq.s32 s10, $0x1;
	s10 =	sld [smem:$0x3FB9]  }
0x3d: {  	_ =	shalt  }
0x3e: {  	_ =	shalt  }
0x3f: {  	_ =	shalt  }
0x40: {  	_ =	shalt  }
0x41: {  	_ =	shalt  }
0x42: {  	_ =	shalt  }
0x43: {  	_ =	shalt  }
0x44: {  	_ =	shalt  }
0x45: {  	_ =	shalt  }
0x46: {  	_ =	shalt  }
0x47: {  	_ =	shalt  }
0x48: {  	_ =	shalt  }
0x49: {  	_ =	shalt  }
0x4a: {  	_ =	shalt  }
0x4b: {  	_ =	shalt  }
0x4c: {  	_ =	shalt  }
0x4d: {  	_ =	shalt  }
0x4e: {  	_ =	shalt  }
0x4f: {  	_ =	shalt  }
0x50: {  	_ =	shalt  }
0x51: {  	_ =	shalt  }
0x52: {  	_ =	shalt  }
0x53: {  	_ =	shalt  }
0x54: {  	_ =	shalt  }
0x55: {  	_ =	shalt  }
0x56: {  	_ =	shalt  }
0x57: {  	_ =	shalt  }
0x58: {  	_ =	shalt  }
0x59: {  	_ =	shalt  }
0x5a: {  	_ =	shalt  }
0x5b: {  	_ =	shalt  }
0x5c: {  	_ =	shalt  }
0x5d: {  	_ =	shalt  }
0x5e: {  	_ =	shalt  }
0x5f: {  	_ =	shalt  }
0x60: {  	_ =	shalt  }
0x61: {  	_ =	shalt  }
0x62: {  	_ =	shalt  }
0x63: {  	_ =	shalt  }
0x64: {  	_ =	shalt  }
0x65: {  	_ =	shalt  }
0x66: {  	_ =	shalt  }
0x67: {  	_ =	shalt  }
0x68: {  	_ =	shalt  }
0x69: {  	_ =	shalt  }
0x6a: {  	_ =	shalt  }
0x6b: {  	_ =	shalt  }
0x6c: {  	_ =	shalt  }
0x6d: {  	_ =	shalt  }
0x6e: {  	_ =	shalt  }
0x6f: {  	_ =	shalt  }
0x70: {  	_ =	shalt  }
0x71: {  	_ =	shalt  }
0x72: {  	_ =	shalt  }
0x73: {  	_ =	shalt  }
0x74: {  	_ =	shalt  }
0x75: {  	_ =	shalt  }
0x76: {  	_ =	shalt  }
0x77: {  	_ =	shalt  }
0x78: {  	_ =	shalt  }
0x79: {  	_ =	shalt  }
0x7a: {  	_ =	shalt  }
0x7b: {  	_ =	shalt  }
0x7c: {  	_ =	shalt  }
0x7d: {  	_ =	shalt  }
0x7e: {  	_ =	shalt  }
0x7f: {  	_ =	shalt  }
0x80: {  	_ =	shalt  }
0x81: {  	_ =	shalt  }
0x82: {  	_ =	shalt  }
0x83: {  	_ =	shalt  }
0x84: {  	_ =	shalt  }
0x85: {  	_ =	shalt  }
0x86: {  	_ =	shalt  }
0x87: {  	_ =	shalt  }
.Lfunc_end0:
.L_simem_size_0:
called_computation.1_lowered:
.L_overlay_start_0:
0x88: {  	s2 =	sld [smem:$0x3FD9]  }
0x89: {  	s3 =	sld [smem:$0x3FFE];
	_ =	sdelay $0x1  }
0x8a: {  	s1 =	srdreg.scid  }
0x8b: {  	s0 =	sand.u32 $0x1, s1  }
0x8c: {  	s14 =	sshll.u32 s0, $0xA;
	s2 =	sadd.s32 s3, s2  }
0x8d: {  	s2 =	sadd.s32 s2, s14  }
0x8e: {  	[smem:$0x3FC5] =	sst s2  }
0x8f: {  	_ = 	snop  }
0x90: {  	s2 =	sld [smem:$0x3FD0];
	_ =	sdelay $0x2  }
0x91: {  	s15 =	simm.s32 $0xA;
	s4 =	simm.s32 $0x10  }
0x92: {  	[smem:s4], [sflag:s15] =	dma.local [hbm:s2], $0x1  }
0x93: {  	_ =	swait.eq [sflag:s15], $0x1  }
0x94: {  	[sflag:s15] =	ssyncset.done $0x0  }
0x95: {  	s16 =	sld [smem:$0x10];
	[sflag:s15] =	ssyncadd.s32 $0xFFFFFFFF  }
0x96: {  	s17 =	sld [smem:$0x11];
	(tm) =	ssettm $0x1  }
0x97: {  	s18 =	sld [smem:$0x3FFB];
	_ =	sdelay $0x3  }
0x98: {  	_ =	strace s18  }
0x99: {  	s4 =	sld [smem:$0x3FFC];
	_ =	sdelay $0x3  }
0x9a: {  	_ =	strace s4  }
0x9b: {  	s4 =	sld [smem:$0x3FFD];
	_ =	sdelay $0x3  }
0x9c: {  	_ =	strace s4  }
0x9d: {  	_ =	strace $0x8FFFFFFF  }
0x9e: {  	s19 =	sld [smem:$0x3FDB];
	_ =	sdelay $0x1  }
0x9f: {  	s5 =	simm.s32 $_scs_section_size  }
0xa0: {  	s6 =	simm.s32 $_size__tile_overlayer_lowered;
	s7 =	simm.s32 $_tile_overlayer_lowered  }
0xa1: {  	s22 =	simm.s32 $0x1BFF;
	s21 =	sshll.u32 s7, $0x1;
	s4 =	sadd.s32 s5, s19  }
0xa2: {  	s8 =	simm.s32 $0x0;
	s20 =	sshll.u32 s6, $0x1;
	s6 =	sadd.s32 s21, s4  }
0xa3: {  	[timem:s8], [sflag:s22] =	dma.local [hbm:s6], s20  }
0xa4: {  	_ =	swait.ge [sflag:s22], s20  }
0xa5: {  	s5 =	ssub.s32 $0x0, s20;
	[sflag:s22] =	ssyncset.done $0x0  }
0xa6: {  	[sflag:s22] =	ssyncadd.s32 s5;
	_ =	sdelay $0x1  }
0xa7: {  	s23 =	simm.s32 $0x1B8B  }
0xa8: {  	_ =	swait.ge [sflag:s23], $0x1  }
0xa9: {  	[sflag:s23] =	ssyncset.done $0x0  }
0xaa: {  	s25 =	simm.s32 $0x1B8E;
	s24 =	sld [smem:$0x3FFE];
	[sflag:s23] =	ssyncadd.s32 $0xFFFFFFFF  }
0xab: {  	s26 =	simm.s32 $execute0_lowered;
	[smem:$0x3FD2] =	sst s25  }
0xac: {  	s6 =	sshll.u32 s26, $0x1;
	_ =	strace $0x80000049;
	[dreg:$0x1] =	wrdreg $0xFFFFFFFF  }
0xad: {  	s28 =	simm.s32 $_size_execute0_lowered;
	s4 =	sadd.s32 s4, s6;
	[dreg:$0x0] =	wrdreg $0x0  }
0xae: {  	s6 =	sshll.u32 s28, $0x1;
	[dreg:$0x2] =	wrdreg s4  }
0xaf: {  	[dreg:$0x3] =	wrdreg s6  }
0xb0: {  	[dreg:$0x4] =	wrdreg $0xC0  }
0xb1: {  	_ =	task [dreg:s8], $0x5FFFF  }
0xb2: {  	[dreg:$0x1] =	wrdreg $0xFFFFFFFF  }
0xb3: {  	[dreg:$0x0] =	wrdreg $0x60  }
0xb4: {  	[dreg:$0x2] =	wrdreg s24  }
0xb5: {  	[dreg:$0x3] =	wrdreg s16  }
0xb6: {  	[dreg:$0x4] =	wrdreg s17  }
0xb7: {  	[dreg:$0x5] =	wrdreg $0xB1000  }
0xb8: {  	[dreg:$0x6] =	wrdreg $0x9  }
0xb9: {  	_ =	task.clear_ibuf [dreg:s8], $0x7FFFF;
	_ =	strace $0x90000049  }
0xba: {  	s29 =	simm.s32 $0x9;
	_ =	strace $0x8000004B  }
0xbb: {  	_ =	swait.ge [sflag:s29], $0x1  }
0xbc: {  	[sflag:s29] =	ssyncadd.s32 $0xFFFFFFFF  }
0xbd: {  	_ =	strace $0x9000004B  }
0xbe: {  	_ =	sfence  }
0xbf: {  	s30 =	sld [smem:$0x0];
	_ =	sdelay $0x2  }
0xc0: {  	s31 =	sshll.u32 s1, $0xD;
	s1 =	sshrl.u32 s1, $0x2  }
0xc1: {  	s3 =	sand.u32 $0x4000, s31;
	s1 =	sadd.s32 s1, s30  }
0xc2: {  	s0 =	sor.u32 s3, s0;
	s1 =	sshll.u32 s1, $0x11  }
0xc3: {  	s0 =	sor.u32 s1, s0  }
0xc4: {  	s0 =	sadd.s32 $0x8F2B, s0  }
0xc5: {  	[sflag:s0] =	ssyncadd.remote.s32 $0x1  }
0xc6: {  	_ =	sfence.sel $0xFFFF  }
0xc7: {  	[dreg:$0x0] =	wrdreg $0xFFFFFFFF;
	(pc) =	sbr.abs _section_cstart, $3  }
0xc8: {  	[dreg:$0x1] =	wrdreg $0xFFFFFFFF  }
0xc9: {  	_ =	task.clear_ibuf [dreg:s8], $0x2FFFF;
	_ =	strace $0x9FFFFFFF  }
0xca: {  	(tm) =	ssettm $0x7FFFFFFF  }
0xcb: {  	_ =	shalt  }
tec
execute0_lowered:
.L_overlay_start_1:
0x0: {  	(tag) =	ssettag $0x1  }
0x1: {  	s0 =	rddreg [dreg:$0x0]  }
0x2: {  	s1 =	rddreg [dreg:$0x1]  }
0x3: {  	s5 =	srdreg.scid;
	s11 =	stileid.u32  }
0x4: {  	s2 =	rddreg [dreg:$0x2];
	s6 =	sand.u32 $0x1, s5;
	s21 =	sshll.u32 s11, $0x1  }
0x5: {  	s4 =	simm.s32 $0x0;
	s7 =	smul.u32 $0x50000, s11;
	s5 =	sor.u32 s6, s21  }
0x6: {  	[smem:$0x7FF] =	sst s4;
	s8 =	ssub.s32 $0x2, s6;
	s9 =	smul.u32 $0x500, s5  }
0x7: {  	s3 =	rddreg [dreg:$0x3];
	_ =	strace $0x8000004A;
	s10 =	sshrl.u32 s8, $0x1  }
0x8: {  	s7 =	sshrl.u32 s7, $0x2;
	s8 =	ssub.s32 s8, s10;
	s1 =	sadd.s32 s1, s9  }
0x9: {  	s7 =	sadd.s32 s7, s3;
	s8 =	smax.u32 s8, $0x1;
	[dreg:$0x5] =	wrdreg s1  }
0xa: {  	s23 =	sadd.s32 $0x800, s7;
	[dreg:$0x6] =	wrdreg s8  }
0xb: {  	s24 =	sadd.s32 $0x1000, s7;
	[dreg:$0x7] =	wrdreg s23  }
0xc: {  	s25 =	sadd.s32 $0x1800, s7;
	[dreg:$0x8] =	wrdreg s24  }
0xd: {  	s26 =	sadd.s32 $0x2000, s7;
	[dreg:$0x9] =	wrdreg s25  }
0xe: {  	s28 =	sadd.s32 $0x2800, s7;
	[dreg:$0xa] =	wrdreg s26  }
0xf: {  	s29 =	sadd.s32 $0x3000, s7;
	[dreg:$0xb] =	wrdreg s28  }
0x10: {  	s10 =	sadd.s32 s2, s9;
	s9 =	sadd.s32 $0x3800, s7;
	[dreg:$0xc] =	wrdreg s29  }
0x11: {  	s13 =	sadd.s32 $0x4000, s7;
	[dreg:$0xd] =	wrdreg s9  }
0x12: {  	s14 =	sadd.s32 $0x4800, s7;
	[dreg:$0xe] =	wrdreg s13  }
0x13: {  	s15 =	sadd.s32 $0x5000, s7;
	[dreg:$0xf] =	wrdreg s14  }
0x14: {  	s12 =	smul.u32 $0xA00, s11;
	s16 =	sadd.s32 $0x5800, s7;
	[dreg:$0x10] =	wrdreg s15  }
0x15: {  	p0 =	seq.s32 s6, $0x1;
	s17 =	sadd.s32 $0x6000, s7;
	[dreg:$0x11] =	wrdreg s16  }
0x16: {  	s6 =	smul.u32 $0x500, s6;
	s19 =	sadd.s32 $0x6800, s7;
	[dreg:$0x12] =	wrdreg s17  }
0x17: {  	s20 =	sadd.s32 $0x7000, s7;
	[dreg:$0x14] =	wrdreg s19  }
0x18: {  	s21 =	sadd.s32 s6, s12;
	s6 =	sadd.s32 $0xB000, s7;
	[dreg:$0x15] =	wrdreg s20  }
0x19: {  	s22 =	smul.u32 $0x2800, s11;
	s11 =	sadd.s32 $0xC800, s7;
	[dreg:$0x1d] =	wrdreg s6  }
0x1a: {  	s12 =	sadd.s32 $0xD000, s7;
	[smem:$0x7EE] =	sst s11  }
0x1b: {  	s23 =	sadd.s32 $0x8000, s7;
	[smem:$0x7EF] =	sst s12  }
0x1c: {  	s24 =	sadd.s32 $0x8800, s7;
	[dreg:$0x17] =	wrdreg s23  }
0x1d: {  	s26 =	sadd.s32 $0x9000, s7;
	[dreg:$0x18] =	wrdreg s24  }
0x1e: {  	s28 =	sadd.s32 $0x9800, s7;
	[dreg:$0x19] =	wrdreg s26  }
0x1f: {  	s29 =	sadd.s32 $0xA000, s7;
	[dreg:$0x1a] =	wrdreg s28  }
0x20: {  	s1 =	sadd.s32 $0xA800, s7;
	[dreg:$0x1b] =	wrdreg s29  }
0x21: {  	s5 =	sadd.s32 $0x4000, s0;
	s8 =	sadd.s32 $0xB800, s7;
	[dreg:$0x1c] =	wrdreg s1  }
0x22: {  	s18 =	sadd.s32 s2, s21;
	s13 =	sadd.s32 $0xD800, s7;
	[dreg:$0x1e] =	wrdreg s8  }
0x23: {  	s9 =	simm.s32 $0x7C000;
	s14 =	sadd.s32 $0xE000, s7;
	[smem:$0x7F0] =	sst s13  }
0x24: {  	s25 =	sadd.s32 $0x40, s18;
	s15 =	sadd.s32 $0xE800, s7;
	[smem:$0x7F1] =	sst s14  }
0x25: {  	s16 =	sadd.s32 $0xF000, s7;
	s17 =	sadd.s32 $0xF800, s7;
	[smem:$0x7F2] =	sst s15  }
0x26: {  	s18 =	sadd.s32 $0x10000, s7;
	s19 =	sadd.s32 $0x10800, s7;
	[smem:$0x7F3] =	sst s16  }
0x27: {  	s20 =	sadd.s32 $0x11000, s7;
	s30 =	smov.u32 s10;
	[smem:$0x7F4] =	sst s17  }
0x28: {  	s31 =	sadd.s32 $0x4F0, s10;
	s6 =	simm.s32 $0xA800;
	[smem:$0x7F5] =	sst s18  }
0x29: {  	s11 =	simm.s32 $0x2800;
	s12 =	simm.s32 $0x6800;
	[smem:$0x7F6] =	sst s19  }
0x2a: {  	s9 =	simm.s32 @!p0 $0x54000;
	[smem:$0x7F7] =	sst s20;
	s23 =	sadd.s32 $0x12000, s7  }
0x2b: {  	s24 =	sadd.s32 $0x12800, s7;
	s26 =	sadd.s32 $0x13000, s7;
	s28 =	sadd.s32 $0x13800, s7  }
0x2c: {  	s29 =	sadd.s32 $0x10, s10;
	s8 =	sadd.s32 $0x20, s10;
	[smem:$0x7F9] =	sst s23  }
0x2d: {  	s1 =	simm.s32 $0x2;
	s10 =	simm.s32 $0x7D;
	[smem:$0x7FA] =	sst s24  }
0x2e: {  	s13 =	simm.s32 $0xA880;
	s14 =	simm.s32 $0x1;
	[smem:$0x7FB] =	sst s26  }
0x2f: {  	s15 =	simm.s32 $0x3;
	s16 =	simm.s32 $0x4;
	[smem:$0x7FC] =	sst s28  }
0x30: {  	s0 =	sadd.s32 s9, s0;
	s9 =	sadd.s32 $0xC000, s7;
	[smem:$0x7FD] =	sst s29  }
0x31: {  	s17 =	simm.s32 $0x6;
	s0 =	sadd.s32 s0, s22;
	[dreg:$0x1f] =	wrdreg s9  }
0x32: {  	s18 =	simm.s32 $0x7;
	s22 =	sadd.s32 $0x7800, s7;
	[dreg:$0x13] =	wrdreg s0  }
0x33: {  	s19 =	simm.s32 $0x0;
	[dreg:$0x16] =	wrdreg s22;
	s22 =	sadd.s32 $0x11800, s7  }
0x34: {  	v0 =	vimm.f32 $0.0e+00;
	s9 =	simm.s32 $0x5;
	s0 =	simm.s32 $0xA900;
	[smem:$0x7F8] =	sst s22  }
.LBB2_1:
0x35: {  	s20 =	rddreg [dreg:$0x5]  }
0x36: {  	[tilespmem:s4], [sflag:$0x2] =	stream.linear.gather [hbm4b:s20+s4], $0x2800, $0x38;
	[tilespmem:$0x1F100] =	vst v63  }
0x37: {  	s22 =	simm.s32 $0x200;
	s20 =	simm.s32 $0x0  }
.LBB2_2:
0x38: {  	p0 =	sne.s32 s22, $0x1E00;
	[tilespmem:s20+$0xA970] =	vst v0  }
0x39: {  	[tilespmem:s20+$0xA900] =	vst v0  }
0x3a: {  	[tilespmem:s20+$0xA910] =	vst v0  }
.Ltmp0:
0x3b: {  	[tilespmem:s20+$0xA920] =	vst v0;
	(pc) =	sbr.rel @p0 .LBB2_2-.Ltmp0, $4  }
0x3c: {  	[tilespmem:s20+$0xA930] =	vst v0  }
0x3d: {  	[tilespmem:s20+$0xA940] =	vst v0  }
0x3e: {  	[tilespmem:s20+$0xA950] =	vst v0  }
0x3f: {  	[tilespmem:s20+$0xA960] =	vst v0;
	s20 =	sshra.s32 s22, $0x2;
	s22 =	sadd.s32 $0x200, s22  }
0x40: {  	[tilespmem:s20+$0xA970] =	vst v0  }
0x41: {  	[tilespmem:s20+$0xA900] =	vst v0  }
0x42: {  	[tilespmem:s20+$0xA910] =	vst v0  }
0x43: {  	[tilespmem:s20+$0xA920] =	vst v0  }
0x44: {  	[tilespmem:s20+$0xA930] =	vst v0  }
0x45: {  	[tilespmem:s20+$0xA940] =	vst v0  }
0x46: {  	[tilespmem:s20+$0xA950] =	vst v0  }
0x47: {  	[tilespmem:s20+$0xA960] =	vst v0;
	s26 =	rddreg [dreg:$0x7]  }
0x48: {  	[spmem:s7] =	stream.linear.scatter [tilespmem:s0], [sflag:$0x5], $0x800, $0x38;
	[tilespmem:$0x1F100] =	vst v63  }
0x49: {  	s28 =	rddreg [dreg:$0x8]  }
0x4a: {  	[spmem:s26] =	stream.linear.scatter [tilespmem:s0], [sflag:$0x5], $0x800, $0x38;
	[tilespmem:$0x1F100] =	vst v63  }
0x4b: {  	s29 =	rddreg [dreg:$0x9]  }
0x4c: {  	[spmem:s28] =	stream.linear.scatter [tilespmem:s0], [sflag:$0x5], $0x800, $0x38;
	[tilespmem:$0x1F100] =	vst v63  }
0x4d: {  	s22 =	rddreg [dreg:$0xa]  }
0x4e: {  	[spmem:s29] =	stream.linear.scatter [tilespmem:s0], [sflag:$0x5], $0x800, $0x38;
	[tilespmem:$0x1F100] =	vst v63  }
0x4f: {  	s23 =	rddreg [dreg:$0xb]  }
0x50: {  	[spmem:s22] =	stream.linear.scatter [tilespmem:s0], [sflag:$0x5], $0x800, $0x38;
	[tilespmem:$0x1F100] =	vst v63  }
0x51: {  	s24 =	rddreg [dreg:$0xc]  }
0x52: {  	[spmem:s23] =	stream.linear.scatter [tilespmem:s0], [sflag:$0x5], $0x800, $0x38;
	[tilespmem:$0x1F100] =	vst v63  }
0x53: {  	s26 =	rddreg [dreg:$0xd]  }
0x54: {  	[spmem:s24] =	stream.linear.scatter [tilespmem:s0], [sflag:$0x5], $0x800, $0x38;
	[tilespmem:$0x1F100] =	vst v63  }
0x55: {  	s28 =	rddreg [dreg:$0xe]  }
0x56: {  	[spmem:s26] =	stream.linear.scatter [tilespmem:s0], [sflag:$0x5], $0x800, $0x38;
	[tilespmem:$0x1F100] =	vst v63  }
0x57: {  	s29 =	rddreg [dreg:$0xf]  }
0x58: {  	[spmem:s28] =	stream.linear.scatter [tilespmem:s0], [sflag:$0x5], $0x800, $0x38;
	[tilespmem:$0x1F100] =	vst v63  }
0x59: {  	s22 =	rddreg [dreg:$0x10]  }
0x5a: {  	[spmem:s29] =	stream.linear.scatter [tilespmem:s0], [sflag:$0x5], $0x800, $0x38;
	[tilespmem:$0x1F100] =	vst v63  }
0x5b: {  	s23 =	rddreg [dreg:$0x11]  }
0x5c: {  	[spmem:s22] =	stream.linear.scatter [tilespmem:s0], [sflag:$0x5], $0x800, $0x38;
	[tilespmem:$0x1F100] =	vst v63  }
0x5d: {  	s24 =	rddreg [dreg:$0x12]  }
0x5e: {  	[spmem:s23] =	stream.linear.scatter [tilespmem:s0], [sflag:$0x5], $0x800, $0x38;
	[tilespmem:$0x1F100] =	vst v63  }
0x5f: {  	s26 =	rddreg [dreg:$0x14]  }
0x60: {  	[spmem:s24] =	stream.linear.scatter [tilespmem:s0], [sflag:$0x5], $0x800, $0x38;
	[tilespmem:$0x1F100] =	vst v63  }
0x61: {  	s28 =	rddreg [dreg:$0x15]  }
0x62: {  	[spmem:s26] =	stream.linear.scatter [tilespmem:s0], [sflag:$0x5], $0x800, $0x38;
	[tilespmem:$0x1F100] =	vst v63  }
0x63: {  	s29 =	rddreg [dreg:$0x16]  }
0x64: {  	[spmem:s28] =	stream.linear.scatter [tilespmem:s0], [sflag:$0x5], $0x800, $0x38;
	[tilespmem:$0x1F100] =	vst v63  }
0x65: {  	s22 =	rddreg [dreg:$0x17]  }
0x66: {  	[spmem:s29] =	stream.linear.scatter [tilespmem:s0], [sflag:$0x5], $0x800, $0x38;
	[tilespmem:$0x1F100] =	vst v63  }
0x67: {  	s23 =	rddreg [dreg:$0x18]  }
0x68: {  	[spmem:s22] =	stream.linear.scatter [tilespmem:s0], [sflag:$0x5], $0x800, $0x38;
	[tilespmem:$0x1F100] =	vst v63  }
0x69: {  	s24 =	rddreg [dreg:$0x19]  }
0x6a: {  	[spmem:s23] =	stream.linear.scatter [tilespmem:s0], [sflag:$0x5], $0x800, $0x38;
	[tilespmem:$0x1F100] =	vst v63  }
0x6b: {  	s26 =	rddreg [dreg:$0x1a]  }
0x6c: {  	[spmem:s24] =	stream.linear.scatter [tilespmem:s0], [sflag:$0x5], $0x800, $0x38;
	[tilespmem:$0x1F100] =	vst v63  }
0x6d: {  	s28 =	rddreg [dreg:$0x1b]  }
0x6e: {  	[spmem:s26] =	stream.linear.scatter [tilespmem:s0], [sflag:$0x5], $0x800, $0x38;
	[tilespmem:$0x1F100] =	vst v63  }
0x6f: {  	s29 =	rddreg [dreg:$0x1c]  }
0x70: {  	[spmem:s28] =	stream.linear.scatter [tilespmem:s0], [sflag:$0x5], $0x800, $0x38;
	[tilespmem:$0x1F100] =	vst v63  }
0x71: {  	s22 =	rddreg [dreg:$0x1d]  }
0x72: {  	[spmem:s29] =	stream.linear.scatter [tilespmem:s0], [sflag:$0x5], $0x800, $0x38;
	[tilespmem:$0x1F100] =	vst v63  }
0x73: {  	s23 =	rddreg [dreg:$0x1e]  }
0x74: {  	[spmem:s22] =	stream.linear.scatter [tilespmem:s0], [sflag:$0x5], $0x800, $0x38;
	[tilespmem:$0x1F100] =	vst v63  }
0x75: {  	s24 =	rddreg [dreg:$0x1f]  }
0x76: {  	[spmem:s23] =	stream.linear.scatter [tilespmem:s0], [sflag:$0x5], $0x800, $0x38;
	[tilespmem:$0x1F100] =	vst v63  }
0x77: {  	s26 =	sld [smem:$0x7EE]  }
0x78: {  	[spmem:s24] =	stream.linear.scatter [tilespmem:s0], [sflag:$0x5], $0x800, $0x38;
	[tilespmem:$0x1F100] =	vst v63  }
0x79: {  	s28 =	sld [smem:$0x7EF]  }
0x7a: {  	[spmem:s26] =	stream.linear.scatter [tilespmem:s0], [sflag:$0x5], $0x800, $0x38;
	[tilespmem:$0x1F100] =	vst v63  }
0x7b: {  	s29 =	sld [smem:$0x7F0]  }
0x7c: {  	[spmem:s28] =	stream.linear.scatter [tilespmem:s0], [sflag:$0x5], $0x800, $0x38;
	[tilespmem:$0x1F100] =	vst v63  }
0x7d: {  	s22 =	sld [smem:$0x7F1]  }
0x7e: {  	[spmem:s29] =	stream.linear.scatter [tilespmem:s0], [sflag:$0x5], $0x800, $0x38;
	[tilespmem:$0x1F100] =	vst v63  }
0x7f: {  	s23 =	sld [smem:$0x7F2]  }
0x80: {  	[spmem:s22] =	stream.linear.scatter [tilespmem:s0], [sflag:$0x5], $0x800, $0x38;
	[tilespmem:$0x1F100] =	vst v63  }
0x81: {  	s24 =	sld [smem:$0x7F3]  }
0x82: {  	[spmem:s23] =	stream.linear.scatter [tilespmem:s0], [sflag:$0x5], $0x800, $0x38;
	[tilespmem:$0x1F100] =	vst v63  }
0x83: {  	s26 =	sld [smem:$0x7F4]  }
0x84: {  	[spmem:s24] =	stream.linear.scatter [tilespmem:s0], [sflag:$0x5], $0x800, $0x38;
	[tilespmem:$0x1F100] =	vst v63  }
0x85: {  	s28 =	sld [smem:$0x7F5]  }
0x86: {  	[spmem:s26] =	stream.linear.scatter [tilespmem:s0], [sflag:$0x5], $0x800, $0x38;
	[tilespmem:$0x1F100] =	vst v63  }
0x87: {  	s29 =	sld [smem:$0x7F6]  }
0x88: {  	[spmem:s28] =	stream.linear.scatter [tilespmem:s0], [sflag:$0x5], $0x800, $0x38;
	[tilespmem:$0x1F100] =	vst v63  }
0x89: {  	s22 =	sld [smem:$0x7F7]  }
0x8a: {  	[spmem:s29] =	stream.linear.scatter [tilespmem:s0], [sflag:$0x5], $0x800, $0x38;
	[tilespmem:$0x1F100] =	vst v63  }
0x8b: {  	s23 =	sld [smem:$0x7F8]  }
0x8c: {  	[spmem:s22] =	stream.linear.scatter [tilespmem:s0], [sflag:$0x5], $0x800, $0x38;
	[tilespmem:$0x1F100] =	vst v63  }
0x8d: {  	s24 =	sld [smem:$0x7F9]  }
0x8e: {  	[spmem:s23] =	stream.linear.scatter [tilespmem:s0], [sflag:$0x5], $0x800, $0x38;
	[tilespmem:$0x1F100] =	vst v63  }
0x8f: {  	s26 =	sld [smem:$0x7FA]  }
0x90: {  	[spmem:s24] =	stream.linear.scatter [tilespmem:s0], [sflag:$0x5], $0x800, $0x38;
	[tilespmem:$0x1F100] =	vst v63  }
0x91: {  	s28 =	sld [smem:$0x7FB]  }
0x92: {  	[spmem:s26] =	stream.linear.scatter [tilespmem:s0], [sflag:$0x5], $0x800, $0x38;
	[tilespmem:$0x1F100] =	vst v63  }
0x93: {  	s29 =	sld [smem:$0x7FC]  }
0x94: {  	[spmem:s28] =	stream.linear.scatter [tilespmem:s0], [sflag:$0x5], $0x800, $0x38;
	[tilespmem:$0x1F100] =	vst v63  }
0x95: {  	_ = 	snop  }
0x96: {  	[spmem:s29] =	stream.linear.scatter [tilespmem:s0], [sflag:$0x5], $0x800, $0x38;
	[tilespmem:$0x1F100] =	vst v63  }
0x97: {  	_ =	swait.ge [sflag:s1], $0x2800  }
0x98: {  	[sflag:s1] =	ssyncset.done $0x0  }
0x99: {  	[sflag:s1] =	ssyncadd.s32 $0xFFFFD800  }
0x9a: {  	[tilespmem:s6], [sflag:$0x3] =	stream.linear.gather [hbm4b:s30+s4], $0x80, $0x38;
	[tilespmem:$0x1F100] =	vst v63  }
0x9b: {  	_ =	swait.ge [sflag:s9], $0x800  }
0x9c: {  	s20 =	simm.s32 $0x27;
	[sflag:s9] =	ssyncset.done $0x0  }
.LBB2_4:
0x9d: {  	p0 =	sne.s32 s20, $0x1;
	s20 =	sadd.s32 $0xFFFFFFFF, s20;
	[sflag:s9] =	ssyncadd.s32 $0xFFFFF800  }
.Ltmp1:
0x9e: {  	(pc) =	sbr.rel @p0 .LBB2_4-.Ltmp1, $3  }
0x9f: {  	_ =	sdelay $0x1  }
0xa0: {  	_ =	swait.ge [sflag:s9], $0x800  }
0xa1: {  	[sflag:s9] =	ssyncset.done $0x0  }
0xa2: {  	[sflag:s9] =	ssyncadd.s32 $0xFFFFF800  }
0xa3: {  	s20 =	simm.s32 $0x0;
	[bflag:$0x0] =	sbarrier.arrive $0xFFFF  }
0xa4: {  	[tilespmem:s11], [sflag:$0x1] =	stream.indirect.gather [hbm4b:s5+s10], $0x80, s20, s10, $0xb8;
	[tilespmem:$0x1F100] =	vst v63  }
0xa5: {  	s22 =	simm.s32 $0x80;
	s23 =	sld [smem:$0x7FD]  }
0xa6: {  	[tilespmem:s12], [sflag:$0x2] =	stream.indirect.gather [hbm4b:s5+s10], $0x80, s22, s10, $0xb8;
	[tilespmem:$0x1F100] =	vst v63  }
0xa7: {  	_ = 	snop  }
0xa8: {  	[tilespmem:s13], [sflag:$0x4] =	stream.linear.gather [hbm4b:s23+s20], $0x80, $0x38;
	[tilespmem:$0x1F100] =	vst v63  }
0xa9: {  	_ =	swait.ge [sflag:s14], $0x3E80  }
0xaa: {  	[sflag:s14] =	ssyncset.done $0x0  }
0xab: {  	[sflag:s14] =	ssyncadd.s32 $0xFFFFC180  }
0xac: {  	_ =	swait.ge [sflag:s15], $0x80  }
0xad: {  	[sflag:s15] =	ssyncset.done $0x0  }
0xae: {  	[sflag:s15] =	ssyncadd.s32 $0xFFFFFF80  }
0xaf: {  	[spmem:s3] =	stream.indirect.scatter.add.f32 [tilespmem:s11], [sflag:$0x5], $0x80, s6, s10, $0xb8;
	[tilespmem:$0x1F100] =	vst v63  }
0xb0: {  	_ =	swait.ge [sflag:s9], $0x3E80  }
0xb1: {  	[sflag:s9] =	ssyncset.done $0x0  }
0xb2: {  	s24 =	simm.s32 $0x100;
	[sflag:s9] =	ssyncadd.s32 $0xFFFFC180  }
0xb3: {  	[tilespmem:s11], [sflag:$0x1] =	stream.indirect.gather [hbm4b:s5+s10], $0x80, s24, s10, $0xb8;
	[tilespmem:$0x1F100] =	vst v63  }
0xb4: {  	_ = 	snop  }
0xb5: {  	[tilespmem:s6], [sflag:$0x3] =	stream.linear.gather [hbm4b:s8+s20], $0x80, $0x38;
	[tilespmem:$0x1F100] =	vst v63  }
0xb6: {  	_ =	swait.ge [sflag:s1], $0x3E80  }
0xb7: {  	[sflag:s1] =	ssyncset.done $0x0  }
0xb8: {  	[sflag:s1] =	ssyncadd.s32 $0xFFFFC180  }
0xb9: {  	_ =	swait.ge [sflag:s16], $0x80  }
0xba: {  	[sflag:s16] =	ssyncset.done $0x0  }
0xbb: {  	s22 =	simm.s32 $0x20;
	[sflag:s16] =	ssyncadd.s32 $0xFFFFFF80  }
0xbc: {  	[spmem:s3] =	stream.indirect.scatter.add.f32 [tilespmem:s12], [sflag:$0x6], $0x80, s13, s10, $0xb8;
	[tilespmem:$0x1F100] =	vst v63  }
0xbd: {  	s26 =	sadd.s32 $0x20, s21;
	s23 =	sand.u32 $0x60, s22;
	_ =	swait.ge [sflag:s17], $0x3E80  }
0xbe: {  	s23 =	sadd.s32 s23, s2;
	s20 =	sand.u32 $0xFFFFF80, s26;
	[sflag:s17] =	ssyncset.done $0x0  }
0xbf: {  	s24 =	simm.s32 $0x180;
	s20 =	sadd.s32 s20, s23;
	[sflag:s17] =	ssyncadd.s32 $0xFFFFC180  }
0xc0: {  	[tilespmem:s12], [sflag:$0x2] =	stream.indirect.gather [hbm4b:s5+s10], $0x80, s24, s10, $0xb8;
	[tilespmem:$0x1F100] =	vst v63  }
0xc1: {  	s20 =	sadd.s32 $0x10, s20  }
0xc2: {  	[tilespmem:s13], [sflag:$0x4] =	stream.linear.gather [hbm4b:s20+s4], $0x80, $0x38;
	[tilespmem:$0x1F100] =	vst v63  }
0xc3: {  	_ =	swait.ge [sflag:s14], $0x3E80  }
0xc4: {  	[sflag:s14] =	ssyncset.done $0x0  }
0xc5: {  	[sflag:s14] =	ssyncadd.s32 $0xFFFFC180  }
0xc6: {  	_ =	swait.ge [sflag:s15], $0x80  }
0xc7: {  	[sflag:s15] =	ssyncset.done $0x0  }
0xc8: {  	[sflag:s15] =	ssyncadd.s32 $0xFFFFFF80  }
0xc9: {  	[spmem:s3] =	stream.indirect.scatter.add.f32 [tilespmem:s11], [sflag:$0x5], $0x80, s6, s10, $0xb8;
	[tilespmem:$0x1F100] =	vst v63  }
0xca: {  	_ =	swait.ge [sflag:s9], $0x3E80  }
0xcb: {  	[sflag:s9] =	ssyncset.done $0x0  }
0xcc: {  	s28 =	simm.s32 $0x200;
	[sflag:s9] =	ssyncadd.s32 $0xFFFFC180  }
0xcd: {  	[tilespmem:s11], [sflag:$0x1] =	stream.indirect.gather [hbm4b:s5+s10], $0x80, s28, s10, $0xb8;
	[tilespmem:$0x1F100] =	vst v63  }
0xce: {  	s29 =	sadd.s32 $0x0, s25  }
0xcf: {  	[tilespmem:s6], [sflag:$0x3] =	stream.linear.gather [hbm4b:s29+s4], $0x80, $0x38;
	[tilespmem:$0x1F100] =	vst v63  }
0xd0: {  	_ =	swait.ge [sflag:s1], $0x3E80  }
0xd1: {  	[sflag:s1] =	ssyncset.done $0x0  }
0xd2: {  	[sflag:s1] =	ssyncadd.s32 $0xFFFFC180  }
0xd3: {  	_ =	swait.ge [sflag:s16], $0x80  }
0xd4: {  	s20 =	simm.s32 $0x300;
	[sflag:s16] =	ssyncset.done $0x0  }
.LBB2_6:
0xd5: {  	s23 =	sadd.s32 $0xFFFFFF80, s20  }
0xd6: {  	[sflag:s16] =	ssyncadd.s32 $0xFFFFFF80;
	s24 =	smov.u32 s22;
	s26 =	sadd.s32 $0x20, s22  }
0xd7: {  	[spmem:s3] =	stream.indirect.scatter.add.f32 [tilespmem:s12], [sflag:$0x6], $0x80, s13, s10, $0xb8;
	[tilespmem:$0x1F100] =	vst v63  }
0xd8: {  	s28 =	sadd.s32 s21, s26;
	s29 =	sand.u32 $0x60, s26;
	_ =	swait.ge [sflag:s17], $0x3E80  }
0xd9: {  	s28 =	sand.u32 $0xFFFFF80, s28;
	s29 =	sadd.s32 s29, s2;
	[sflag:s17] =	ssyncset.done $0x0  }
0xda: {  	p0 =	sne.s32 s22, $0x4A0;
	s28 =	sadd.s32 s28, s29;
	[sflag:s17] =	ssyncadd.s32 $0xFFFFC180  }
0xdb: {  	[tilespmem:s12], [sflag:$0x2] =	stream.indirect.gather [hbm4b:s5+s10], $0x80, s23, s10, $0xb8;
	[tilespmem:$0x1F100] =	vst v63  }
0xdc: {  	s22 =	sadd.s32 $0x10, s28  }
0xdd: {  	[tilespmem:s13], [sflag:$0x4] =	stream.linear.gather [hbm4b:s22+s4], $0x80, $0x38;
	[tilespmem:$0x1F100] =	vst v63  }
0xde: {  	_ =	swait.ge [sflag:s14], $0x3E80  }
0xdf: {  	[sflag:s14] =	ssyncset.done $0x0  }
0xe0: {  	[sflag:s14] =	ssyncadd.s32 $0xFFFFC180  }
0xe1: {  	_ =	swait.ge [sflag:s15], $0x80  }
0xe2: {  	[sflag:s15] =	ssyncset.done $0x0  }
0xe3: {  	[sflag:s15] =	ssyncadd.s32 $0xFFFFFF80  }
0xe4: {  	[spmem:s3] =	stream.indirect.scatter.add.f32 [tilespmem:s11], [sflag:$0x5], $0x80, s6, s10, $0xb8;
	[tilespmem:$0x1F100] =	vst v63  }
0xe5: {  	_ =	swait.ge [sflag:s9], $0x3E80  }
0xe6: {  	[sflag:s9] =	ssyncset.done $0x0  }
0xe7: {  	s22 =	sadd.s32 s24, s25;
	[sflag:s9] =	ssyncadd.s32 $0xFFFFC180  }
0xe8: {  	[tilespmem:s11], [sflag:$0x1] =	stream.indirect.gather [hbm4b:s5+s10], $0x80, s20, s10, $0xb8;
	[tilespmem:$0x1F100] =	vst v63  }
0xe9: {  	_ = 	snop  }
0xea: {  	[tilespmem:s6], [sflag:$0x3] =	stream.linear.gather [hbm4b:s22+s4], $0x80, $0x38;
	[tilespmem:$0x1F100] =	vst v63  }
.Ltmp2:
0xeb: {  	_ =	swait.ge [sflag:s1], $0x3E80;
	(pc) =	sbr.rel @p0 .LBB2_6-.Ltmp2, $4  }
0xec: {  	[sflag:s1] =	ssyncset.done $0x0  }
0xed: {  	[sflag:s1] =	ssyncadd.s32 $0xFFFFC180  }
0xee: {  	_ =	swait.ge [sflag:s16], $0x80  }
0xef: {  	s20 =	sadd.s32 $0x100, s20;
	s22 =	smov.u32 s26;
	[sflag:s16] =	ssyncset.done $0x0  }
0xf0: {  	[sflag:s16] =	ssyncadd.s32 $0xFFFFFF80  }
0xf1: {  	[spmem:s3] =	stream.indirect.scatter.add.f32 [tilespmem:s12], [sflag:$0x6], $0x80, s13, s10, $0xb8;
	[tilespmem:$0x1F100] =	vst v63  }
0xf2: {  	_ =	swait.ge [sflag:s17], $0x3E80  }
0xf3: {  	[sflag:s17] =	ssyncset.done $0x0  }
0xf4: {  	s20 =	simm.s32 $0x2780;
	[sflag:s17] =	ssyncadd.s32 $0xFFFFC180  }
0xf5: {  	[tilespmem:s12], [sflag:$0x2] =	stream.indirect.gather [hbm4b:s5+s10], $0x80, s20, s10, $0xb8;
	[tilespmem:$0x1F100] =	vst v63  }
0xf6: {  	_ = 	snop  }
0xf7: {  	[tilespmem:s13], [sflag:$0x4] =	stream.linear.gather [hbm4b:s31+s4], $0x80, $0x38;
	[tilespmem:$0x1F100] =	vst v63  }
0xf8: {  	_ =	swait.ge [sflag:s14], $0x3E80  }
0xf9: {  	[sflag:s14] =	ssyncset.done $0x0  }
0xfa: {  	[sflag:s14] =	ssyncadd.s32 $0xFFFFC180  }
0xfb: {  	_ =	swait.ge [sflag:s15], $0x80  }
0xfc: {  	[sflag:s15] =	ssyncset.done $0x0  }
0xfd: {  	[sflag:s15] =	ssyncadd.s32 $0xFFFFFF80  }
0xfe: {  	[spmem:s3] =	stream.indirect.scatter.add.f32 [tilespmem:s11], [sflag:$0x5], $0x80, s6, s10, $0xb8;
	[tilespmem:$0x1F100] =	vst v63  }
0xff: {  	_ =	swait.ge [sflag:s9], $0x3E80  }
0x100: {  	[sflag:s9] =	ssyncset.done $0x0  }
0x101: {  	[sflag:s9] =	ssyncadd.s32 $0xFFFFC180  }
0x102: {  	_ =	swait.ge [sflag:s1], $0x3E80  }
0x103: {  	[sflag:s1] =	ssyncset.done $0x0  }
0x104: {  	[sflag:s1] =	ssyncadd.s32 $0xFFFFC180  }
0x105: {  	_ =	swait.ge [sflag:s16], $0x80  }
0x106: {  	[sflag:s16] =	ssyncset.done $0x0  }
0x107: {  	[sflag:s16] =	ssyncadd.s32 $0xFFFFFF80  }
0x108: {  	[spmem:s3] =	stream.indirect.scatter.add.f32 [tilespmem:s12], [sflag:$0x6], $0x80, s13, s10, $0xb8;
	[tilespmem:$0x1F100] =	vst v63  }
0x109: {  	_ =	swait.ge [sflag:s17], $0x3E80  }
0x10a: {  	[sflag:s17] =	ssyncset.done $0x0  }
0x10b: {  	s28 =	stileid.u32;
	[sflag:s17] =	ssyncadd.s32 $0xFFFFC180  }
0x10c: {  	s20 =	sshll.u32 s28, $0x6;
	[bflag:$0x0] =	sbarrier.arrive $0xFFFF  }
0x10d: {  	s22 =	sshrl.u32 s7, $0x3;
	s20 =	sor.u32 $0x1C07, s20;
	s23 =	rddreg [dreg:$0x13]  }
0x10e: {  	[hbm:s23], [sflag:s20] =	dma.local [spmem:s22], $0x2800  }
0x10f: {  	_ =	swait.ge [sflag:s18], $0x2800  }
0x110: {  	s19 =	sadd.s32 $0x1, s19;
	s29 =	rddreg [dreg:$0x6]  }
0x111: {  	p0 =	sne.s32 s19, s29  }
.Ltmp3:
0x112: {  	_ = 	snop;
	(pc) =	sbr.rel @p0 .LBB2_1-.Ltmp3, $3  }
0x113: {  	_ =	sdelay $0x1  }
0x114: {  	[sflag:s18] =	ssyncset.done $0x0  }
0x115: {  	[sflag:s18] =	ssyncadd.s32 $0xFFFFD800  }
0x116: {  	_ =	sfence.sel $0x180000  }
0x117: {  	[bflag:$0x0] =	sbarrier.arrive $0xFFFF  }
0x118: {  	_ =	strace $0x9000004A  }
0x119: {  	s0 =	stileid.u32;
	[bflag:$0x2] =	sbarrier.arrive $0xFFFF  }
0x11a: {  	p0 =	sne.s32 s0, $0x0;
	s0 =	rddreg [dreg:$0x4]  }
0x11b: {  	s0 =	sadd.s32 @!p0 $0x100000, s0  }
0x11c: {  	[sflag:s0] =	ssyncadd.tile.s32 @!p0 $0x1;
	_ =	shalt  }
.Lfunc_end2:
_tile_overlayer_lowered:
.L_overlay_start_2:
0x11d: {  	(tag) =	ssettag $0x2  }
0x11e: {  	s0 =	rddreg [dreg:$0x0];
	s2 =	stileid.u32  }
0x11f: {  	s1 =	rddreg [dreg:$0x1];
	p0 =	sne.s32 s2, $0x0  }
0x120: {  	s3 =	rddreg [dreg:$0x2];
	[bflag:$0x3] =	sbarrier.arrive $0xFFFF;
	s2 =	simm.s32 @!p0 $0x1C07  }
0x121: {  	[timem:s3], [sflag:s2] =	dma.local @!p0 [hbm:s0], s1  }
0x122: {  	s0 =	simm.s32 @!p0 $0x7  }
0x123: {  	_ =	swait.ge @!p0 [sflag:s0], s1  }
0x124: {  	s1 =	ssub.s32 @!p0 $0x0, s1;
	[sflag:s0] =	ssyncset.done @!p0 $0x0  }
0x125: {  	[sflag:s0] =	ssyncadd.s32 @!p0 s1  }
0x126: {  	[bflag:$0x3] =	sbarrier.arrive $0xFFFF  }
0x127: {  	_ =	shalt  }

// kernel: kernel.17.cloned.1.call-start
scs
__scs_entry_jumppad:
0x0: {  	(pc) =	sbr.rel $0x88, $3  }
0x1: {  	(tag) =	ssettag $0x0;
	lr =	simm.s32 $0x1  }
0x2: {  	[smem:$0x3F9E] =	sst lr;
	_ =	strace $0xD0000000  }
0x3: {  	_ = 	snop  }
0x4: {  	_ = 	snop  }
0x5: {  	_ = 	snop  }
0x6: {  	_ = 	snop  }
0x7: {  	_ = 	snop  }
__scs_overlays_trampoline_lowered:
0x8: {  	[smem:$0x3FAD] =	sst s0  }
0x9: {  	[smem:$0x3FAE] =	sst s1  }
0xa: {  	[smem:$0x3FAF] =	sst s2  }
0xb: {  	[smem:$0x3FB0] =	sst s3  }
0xc: {  	[smem:$0x3FB1] =	sst s4  }
0xd: {  	[smem:$0x3FB2] =	sst s5  }
0xe: {  	[smem:$0x3FB3] =	sst s6  }
0xf: {  	[smem:$0x3FB4] =	sst s7  }
0x10: {  	[smem:$0x3FB5] =	sst s8  }
0x11: {  	[smem:$0x3FB6] =	sst s9;
	s0 =	simm.s32 @!p0 $0x0  }
0x12: {  	s1 =	sld [smem:$0x3F9C];
	s0 =	simm.s32 @p0 $0x1  }
0x13: {  	[smem:$0x3FB7] =	sst s0;
	s0 =	simm.s32 @!p1 $0x0  }
0x14: {  	s2 =	sld [smem:$0x3F9B];
	s0 =	simm.s32 @p1 $0x1  }
0x15: {  	[smem:$0x3FB8] =	sst s0;
	s0 =	simm.s32 @!p2 $0x0  }
0x16: {  	s3 =	sld [smem:$0x3FDB];
	s0 =	simm.s32 @p2 $0x1  }
0x17: {  	s4 =	simm.s32 $0x1BF5;
	[smem:$0x3FBA] =	sst s0  }
0x18: {  	s0 =	sld [smem:$0x3F9D];
	_ =	swait.ge [sflag:s4], $0x0  }
0x19: {  	s7 =	sld [smem:$0x3F9E]  }
0x1a: {  	s8 =	sadd.s32 $0xFFFFE003, lr  }
0x1b: {  	s9 =	sadd.s32 $0xFFFFFEF7, lr;
	s5 =	simm.s32 $0xFFFFFFFF;
	p2 =	slt.u32 s8, $0xFFFFF086  }
0x1c: {  	p1 =	slt.u32 s9, $0xF7A;
	s5 =	simm.s32 @!p2 $0x0  }
0x1d: {  	s5 =	simm.s32 @p1 $0x1;
	p0 =	seq.s32 s7, s2  }
0x1e: {  	s7 =	smul.u32 @!p0 $0xF7A, s2;
	p2 =	seq.s32 @!p0 s5, $0x0  }
0x1f: {  	s9 =	smul.u32 $0xF7A, s1;
	s8 =	simm.s32 @!p0 $0x1BF5;
	p2 =	por !p2, p0  }
0x20: {  	[sflag:s8] =	ssyncset.s32 @!p0 $0xFFFFF086;
	s6 =	sadd.s32 @!p0 s3, s7;
	s7 =	simm.s32 @!p0 $0x108  }
0x21: {  	s3 =	sadd.s32 s3, s9;
	s6 =	sadd.s32 @!p0 $0x88, s6;
	s7 =	simm.s32 @p2 $0x1082  }
0x22: {  	[simem:s7], [sflag:s8] =	dma.local @!p0 [hbm:s6], $0xF7A  }
0x23: {  	s9 =	sor.u32 $0xD0000000, s2;
	s6 =	simm.s32 $0x108;
	_ =	swait.ge @!p0 [sflag:s8], $0x0  }
0x24: {  	s3 =	sadd.s32 $0x88, s3;
	s6 =	simm.s32 @!p1 $0x1082;
	[sflag:s4] =	ssyncset.s32 $0xFFFFF086  }
0x25: {  	[simem:s6], [sflag:s4] =	dma.local [hbm:s3], $0xF7A  }
0x26: {  	[smem:$0x3F9E] =	sst s1;
	(tag) =	ssettag s2;
	_ =	strace s9  }
0x27: {  	s1 =	sld [smem:$0x3FAE]  }
0x28: {  	s2 =	sld [smem:$0x3FAF]  }
0x29: {  	s4 =	sld [smem:$0x3FB1]  }
0x2a: {  	p0 =	seq.s32 s5, $0x0;
	s5 =	sld [smem:$0x3FB2]  }
0x2b: {  	s6 =	sld [smem:$0x3FB3]  }
0x2c: {  	s7 =	sld [smem:$0x3FB4]  }
0x2d: {  	s3 =	simm.s32 $0x108;
	s8 =	sld [smem:$0x3FB5]  }
0x2e: {  	s3 =	simm.s32 @!p0 $0x1082;
	s9 =	sld [smem:$0x3FB6]  }
0x2f: {  	lr =	sadd.s32 s0, s3;
	s0 =	sld [smem:$0x3FAD]  }
0x30: {  	s3 =	sld [smem:$0x3FB0]  }
0x31: {  	[smem:$0x3FB9] =	sst s10  }
0x32: {  	s10 =	sld [smem:$0x3FB7];
	_ =	sdelay $0x3  }
0x33: {  	p0 =	seq.s32 s10, $0x1;
	s10 =	sld [smem:$0x3FB9];
	_ =	sdelay $0x3  }
0x34: {  	[smem:$0x3FB9] =	sst s10  }
0x35: {  	s10 =	sld [smem:$0x3FB8];
	_ =	sdelay $0x3  }
0x36: {  	p1 =	seq.s32 s10, $0x1;
	s10 =	sld [smem:$0x3FB9];
	_ =	sdelay $0x3  }
0x37: {  	[smem:$0x3FB9] =	sst s10  }
0x38: {  	s10 =	sld [smem:$0x3FBA]  }
0x39: {  	_ = 	snop;
	(pc) =	sbr.ind lr, $3  }
0x3a: {  	_ = 	snop  }
0x3b: {  	_ = 	snop  }
0x3c: {  	p2 =	seq.s32 s10, $0x1;
	s10 =	sld [smem:$0x3FB9]  }
0x3d: {  	_ =	shalt  }
0x3e: {  	_ =	shalt  }
0x3f: {  	_ =	shalt  }
0x40: {  	_ =	shalt  }
0x41: {  	_ =	shalt  }
0x42: {  	_ =	shalt  }
0x43: {  	_ =	shalt  }
0x44: {  	_ =	shalt  }
0x45: {  	_ =	shalt  }
0x46: {  	_ =	shalt  }
0x47: {  	_ =	shalt  }
0x48: {  	_ =	shalt  }
0x49: {  	_ =	shalt  }
0x4a: {  	_ =	shalt  }
0x4b: {  	_ =	shalt  }
0x4c: {  	_ =	shalt  }
0x4d: {  	_ =	shalt  }
0x4e: {  	_ =	shalt  }
0x4f: {  	_ =	shalt  }
0x50: {  	_ =	shalt  }
0x51: {  	_ =	shalt  }
0x52: {  	_ =	shalt  }
0x53: {  	_ =	shalt  }
0x54: {  	_ =	shalt  }
0x55: {  	_ =	shalt  }
0x56: {  	_ =	shalt  }
0x57: {  	_ =	shalt  }
0x58: {  	_ =	shalt  }
0x59: {  	_ =	shalt  }
0x5a: {  	_ =	shalt  }
0x5b: {  	_ =	shalt  }
0x5c: {  	_ =	shalt  }
0x5d: {  	_ =	shalt  }
0x5e: {  	_ =	shalt  }
0x5f: {  	_ =	shalt  }
0x60: {  	_ =	shalt  }
0x61: {  	_ =	shalt  }
0x62: {  	_ =	shalt  }
0x63: {  	_ =	shalt  }
0x64: {  	_ =	shalt  }
0x65: {  	_ =	shalt  }
0x66: {  	_ =	shalt  }
0x67: {  	_ =	shalt  }
0x68: {  	_ =	shalt  }
0x69: {  	_ =	shalt  }
0x6a: {  	_ =	shalt  }
0x6b: {  	_ =	shalt  }
0x6c: {  	_ =	shalt  }
0x6d: {  	_ =	shalt  }
0x6e: {  	_ =	shalt  }
0x6f: {  	_ =	shalt  }
0x70: {  	_ =	shalt  }
0x71: {  	_ =	shalt  }
0x72: {  	_ =	shalt  }
0x73: {  	_ =	shalt  }
0x74: {  	_ =	shalt  }
0x75: {  	_ =	shalt  }
0x76: {  	_ =	shalt  }
0x77: {  	_ =	shalt  }
0x78: {  	_ =	shalt  }
0x79: {  	_ =	shalt  }
0x7a: {  	_ =	shalt  }
0x7b: {  	_ =	shalt  }
0x7c: {  	_ =	shalt  }
0x7d: {  	_ =	shalt  }
0x7e: {  	_ =	shalt  }
0x7f: {  	_ =	shalt  }
0x80: {  	_ =	shalt  }
0x81: {  	_ =	shalt  }
0x82: {  	_ =	shalt  }
0x83: {  	_ =	shalt  }
0x84: {  	_ =	shalt  }
0x85: {  	_ =	shalt  }
0x86: {  	_ =	shalt  }
0x87: {  	_ =	shalt  }
.Lfunc_end0:
.L_simem_size_0:
called_computation.2_lowered:
.L_overlay_start_0:
0x88: {  	s2 =	sld [smem:$0x3FD9]  }
0x89: {  	s3 =	sld [smem:$0x3FFE];
	_ =	sdelay $0x1  }
0x8a: {  	s1 =	srdreg.scid  }
0x8b: {  	s0 =	sand.u32 $0x1, s1  }
0x8c: {  	s14 =	sshll.u32 s0, $0xA;
	s2 =	sadd.s32 s3, s2  }
0x8d: {  	s2 =	sadd.s32 s2, s14  }
0x8e: {  	[smem:$0x3FC5] =	sst s2  }
0x8f: {  	_ = 	snop  }
0x90: {  	s2 =	sld [smem:$0x3FD0];
	_ =	sdelay $0x2  }
0x91: {  	s15 =	simm.s32 $0xA;
	s4 =	simm.s32 $0x10  }
0x92: {  	[smem:s4], [sflag:s15] =	dma.local [hbm:s2], $0x1  }
0x93: {  	_ =	swait.eq [sflag:s15], $0x1  }
0x94: {  	[sflag:s15] =	ssyncset.done $0x0  }
0x95: {  	s16 =	sld [smem:$0x10];
	[sflag:s15] =	ssyncadd.s32 $0xFFFFFFFF  }
0x96: {  	s17 =	sld [smem:$0x11];
	(tm) =	ssettm $0x1  }
0x97: {  	s18 =	sld [smem:$0x3FFB];
	_ =	sdelay $0x3  }
0x98: {  	_ =	strace s18  }
0x99: {  	s4 =	sld [smem:$0x3FFC];
	_ =	sdelay $0x3  }
0x9a: {  	_ =	strace s4  }
0x9b: {  	s4 =	sld [smem:$0x3FFD];
	_ =	sdelay $0x3  }
0x9c: {  	_ =	strace s4  }
0x9d: {  	_ =	strace $0x8FFFFFFF  }
0x9e: {  	s19 =	sld [smem:$0x3FDB];
	_ =	sdelay $0x1  }
0x9f: {  	s5 =	simm.s32 $_scs_section_size  }
0xa0: {  	s6 =	simm.s32 $_size__tile_overlayer_lowered;
	s7 =	simm.s32 $_tile_overlayer_lowered  }
0xa1: {  	s22 =	simm.s32 $0x1BFF;
	s21 =	sshll.u32 s7, $0x1;
	s4 =	sadd.s32 s5, s19  }
0xa2: {  	s8 =	simm.s32 $0x0;
	s20 =	sshll.u32 s6, $0x1;
	s6 =	sadd.s32 s21, s4  }
0xa3: {  	[timem:s8], [sflag:s22] =	dma.local [hbm:s6], s20  }
0xa4: {  	_ =	swait.ge [sflag:s22], s20  }
0xa5: {  	s5 =	ssub.s32 $0x0, s20;
	[sflag:s22] =	ssyncset.done $0x0  }
0xa6: {  	[sflag:s22] =	ssyncadd.s32 s5;
	_ =	sdelay $0x1  }
0xa7: {  	s23 =	simm.s32 $0x1B8B  }
0xa8: {  	_ =	swait.ge [sflag:s23], $0x1  }
0xa9: {  	[sflag:s23] =	ssyncset.done $0x0  }
0xaa: {  	s25 =	simm.s32 $0x1B8E;
	s24 =	sld [smem:$0x3FFE];
	[sflag:s23] =	ssyncadd.s32 $0xFFFFFFFF  }
0xab: {  	s26 =	simm.s32 $execute0_lowered;
	[smem:$0x3FD2] =	sst s25  }
0xac: {  	s6 =	sshll.u32 s26, $0x1;
	_ =	strace $0x8000004C;
	[dreg:$0x1] =	wrdreg $0xFFFFFFFF  }
0xad: {  	s28 =	simm.s32 $_size_execute0_lowered;
	s4 =	sadd.s32 s4, s6;
	[dreg:$0x0] =	wrdreg $0x0  }
0xae: {  	s6 =	sshll.u32 s28, $0x1;
	[dreg:$0x2] =	wrdreg s4  }
0xaf: {  	[dreg:$0x3] =	wrdreg s6  }
0xb0: {  	[dreg:$0x4] =	wrdreg $0xC0  }
0xb1: {  	_ =	task [dreg:s8], $0x5FFFF  }
0xb2: {  	[dreg:$0x1] =	wrdreg $0xFFFFFFFF  }
0xb3: {  	[dreg:$0x0] =	wrdreg $0x60  }
0xb4: {  	[dreg:$0x2] =	wrdreg s24  }
0xb5: {  	[dreg:$0x3] =	wrdreg s16  }
0xb6: {  	[dreg:$0x4] =	wrdreg s17  }
0xb7: {  	[dreg:$0x5] =	wrdreg $0xB1000  }
0xb8: {  	[dreg:$0x6] =	wrdreg $0x9  }
0xb9: {  	_ =	task.clear_ibuf [dreg:s8], $0x7FFFF;
	_ =	strace $0x9000004C  }
0xba: {  	s29 =	simm.s32 $0x9;
	_ =	strace $0x8000004E  }
0xbb: {  	_ =	swait.ge [sflag:s29], $0x1  }
0xbc: {  	[sflag:s29] =	ssyncadd.s32 $0xFFFFFFFF  }
0xbd: {  	_ =	strace $0x9000004E  }
0xbe: {  	_ =	sfence  }
0xbf: {  	s30 =	sld [smem:$0x0];
	_ =	sdelay $0x2  }
0xc0: {  	s31 =	sshll.u32 s1, $0xD;
	s1 =	sshrl.u32 s1, $0x2  }
0xc1: {  	s3 =	sand.u32 $0x4000, s31;
	s1 =	sadd.s32 s1, s30  }
0xc2: {  	s0 =	sor.u32 s3, s0;
	s1 =	sshll.u32 s1, $0x11  }
0xc3: {  	s0 =	sor.u32 s1, s0  }
0xc4: {  	s0 =	sadd.s32 $0x8F2B, s0  }
0xc5: {  	[sflag:s0] =	ssyncadd.remote.s32 $0x1  }
0xc6: {  	_ =	sfence.sel $0xFFFF  }
0xc7: {  	[dreg:$0x0] =	wrdreg $0xFFFFFFFF;
	(pc) =	sbr.abs _section_cstart, $3  }
0xc8: {  	[dreg:$0x1] =	wrdreg $0xFFFFFFFF  }
0xc9: {  	_ =	task.clear_ibuf [dreg:s8], $0x2FFFF;
	_ =	strace $0x9FFFFFFF  }
0xca: {  	(tm) =	ssettm $0x7FFFFFFF  }
0xcb: {  	_ =	shalt  }
tec
execute0_lowered:
.L_overlay_start_1:
0x0: {  	(tag) =	ssettag $0x1  }
0x1: {  	s0 =	rddreg [dreg:$0x0]  }
0x2: {  	s1 =	rddreg [dreg:$0x1]  }
0x3: {  	s5 =	srdreg.scid;
	s11 =	stileid.u32  }
0x4: {  	s2 =	rddreg [dreg:$0x2];
	s6 =	sand.u32 $0x1, s5;
	s21 =	sshll.u32 s11, $0x1  }
0x5: {  	s4 =	simm.s32 $0x0;
	s7 =	smul.u32 $0x50000, s11;
	s5 =	sor.u32 s6, s21  }
0x6: {  	[smem:$0x7FF] =	sst s4;
	s8 =	ssub.s32 $0x2, s6;
	s9 =	smul.u32 $0x500, s5  }
0x7: {  	s3 =	rddreg [dreg:$0x3];
	_ =	strace $0x8000004D;
	s10 =	sshrl.u32 s8, $0x1  }
0x8: {  	s7 =	sshrl.u32 s7, $0x2;
	s8 =	ssub.s32 s8, s10;
	s1 =	sadd.s32 s1, s9  }
0x9: {  	s7 =	sadd.s32 s7, s3;
	s8 =	smax.u32 s8, $0x1;
	[dreg:$0x5] =	wrdreg s1  }
0xa: {  	s23 =	sadd.s32 $0x800, s7;
	[dreg:$0x6] =	wrdreg s8  }
0xb: {  	s24 =	sadd.s32 $0x1000, s7;
	[dreg:$0x7] =	wrdreg s23  }
0xc: {  	s25 =	sadd.s32 $0x1800, s7;
	[dreg:$0x8] =	wrdreg s24  }
0xd: {  	s26 =	sadd.s32 $0x2000, s7;
	[dreg:$0x9] =	wrdreg s25  }
0xe: {  	s28 =	sadd.s32 $0x2800, s7;
	[dreg:$0xa] =	wrdreg s26  }
0xf: {  	s29 =	sadd.s32 $0x3000, s7;
	[dreg:$0xb] =	wrdreg s28  }
0x10: {  	s10 =	sadd.s32 s2, s9;
	s9 =	sadd.s32 $0x3800, s7;
	[dreg:$0xc] =	wrdreg s29  }
0x11: {  	s13 =	sadd.s32 $0x4000, s7;
	[dreg:$0xd] =	wrdreg s9  }
0x12: {  	s14 =	sadd.s32 $0x4800, s7;
	[dreg:$0xe] =	wrdreg s13  }
0x13: {  	s15 =	sadd.s32 $0x5000, s7;
	[dreg:$0xf] =	wrdreg s14  }
0x14: {  	s12 =	smul.u32 $0xA00, s11;
	s16 =	sadd.s32 $0x5800, s7;
	[dreg:$0x10] =	wrdreg s15  }
0x15: {  	p0 =	seq.s32 s6, $0x1;
	s17 =	sadd.s32 $0x6000, s7;
	[dreg:$0x11] =	wrdreg s16  }
0x16: {  	s6 =	smul.u32 $0x500, s6;
	s19 =	sadd.s32 $0x6800, s7;
	[dreg:$0x12] =	wrdreg s17  }
0x17: {  	s20 =	sadd.s32 $0x7000, s7;
	[dreg:$0x14] =	wrdreg s19  }
0x18: {  	s21 =	sadd.s32 s6, s12;
	s6 =	sadd.s32 $0xB000, s7;
	[dreg:$0x15] =	wrdreg s20  }
0x19: {  	s22 =	smul.u32 $0x2800, s11;
	s11 =	sadd.s32 $0xC800, s7;
	[dreg:$0x1d] =	wrdreg s6  }
0x1a: {  	s12 =	sadd.s32 $0xD000, s7;
	[smem:$0x7EE] =	sst s11  }
0x1b: {  	s23 =	sadd.s32 $0x8000, s7;
	[smem:$0x7EF] =	sst s12  }
0x1c: {  	s24 =	sadd.s32 $0x8800, s7;
	[dreg:$0x17] =	wrdreg s23  }
0x1d: {  	s26 =	sadd.s32 $0x9000, s7;
	[dreg:$0x18] =	wrdreg s24  }
0x1e: {  	s28 =	sadd.s32 $0x9800, s7;
	[dreg:$0x19] =	wrdreg s26  }
0x1f: {  	s29 =	sadd.s32 $0xA000, s7;
	[dreg:$0x1a] =	wrdreg s28  }
0x20: {  	s1 =	sadd.s32 $0xA800, s7;
	[dreg:$0x1b] =	wrdreg s29  }
0x21: {  	s5 =	sadd.s32 $0x4000, s0;
	s8 =	sadd.s32 $0xB800, s7;
	[dreg:$0x1c] =	wrdreg s1  }
0x22: {  	s18 =	sadd.s32 s2, s21;
	s13 =	sadd.s32 $0xD800, s7;
	[dreg:$0x1e] =	wrdreg s8  }
0x23: {  	s9 =	simm.s32 $0xA4000;
	s14 =	sadd.s32 $0xE000, s7;
	[smem:$0x7F0] =	sst s13  }
0x24: {  	s25 =	sadd.s32 $0x40, s18;
	s15 =	sadd.s32 $0xE800, s7;
	[smem:$0x7F1] =	sst s14  }
0x25: {  	s16 =	sadd.s32 $0xF000, s7;
	s17 =	sadd.s32 $0xF800, s7;
	[smem:$0x7F2] =	sst s15  }
0x26: {  	s18 =	sadd.s32 $0x10000, s7;
	s19 =	sadd.s32 $0x10800, s7;
	[smem:$0x7F3] =	sst s16  }
0x27: {  	s20 =	sadd.s32 $0x11000, s7;
	s30 =	smov.u32 s10;
	[smem:$0x7F4] =	sst s17  }
0x28: {  	s31 =	sadd.s32 $0x4F0, s10;
	s6 =	simm.s32 $0xA800;
	[smem:$0x7F5] =	sst s18  }
0x29: {  	s11 =	simm.s32 $0x2800;
	s12 =	simm.s32 $0x6800;
	[smem:$0x7F6] =	sst s19  }
0x2a: {  	s9 =	simm.s32 @!p0 $0x7C000;
	[smem:$0x7F7] =	sst s20;
	s23 =	sadd.s32 $0x12000, s7  }
0x2b: {  	s24 =	sadd.s32 $0x12800, s7;
	s26 =	sadd.s32 $0x13000, s7;
	s28 =	sadd.s32 $0x13800, s7  }
0x2c: {  	s29 =	sadd.s32 $0x10, s10;
	s8 =	sadd.s32 $0x20, s10;
	[smem:$0x7F9] =	sst s23  }
0x2d: {  	s1 =	simm.s32 $0x2;
	s10 =	simm.s32 $0x7D;
	[smem:$0x7FA] =	sst s24  }
0x2e: {  	s13 =	simm.s32 $0xA880;
	s14 =	simm.s32 $0x1;
	[smem:$0x7FB] =	sst s26  }
0x2f: {  	s15 =	simm.s32 $0x3;
	s16 =	simm.s32 $0x4;
	[smem:$0x7FC] =	sst s28  }
0x30: {  	s0 =	sadd.s32 s9, s0;
	s9 =	sadd.s32 $0xC000, s7;
	[smem:$0x7FD] =	sst s29  }
0x31: {  	s17 =	simm.s32 $0x6;
	s0 =	sadd.s32 s0, s22;
	[dreg:$0x1f] =	wrdreg s9  }
0x32: {  	s18 =	simm.s32 $0x7;
	s22 =	sadd.s32 $0x7800, s7;
	[dreg:$0x13] =	wrdreg s0  }
0x33: {  	s19 =	simm.s32 $0x0;
	[dreg:$0x16] =	wrdreg s22;
	s22 =	sadd.s32 $0x11800, s7  }
0x34: {  	v0 =	vimm.f32 $0.0e+00;
	s9 =	simm.s32 $0x5;
	s0 =	simm.s32 $0xA900;
	[smem:$0x7F8] =	sst s22  }
.LBB2_1:
0x35: {  	s20 =	rddreg [dreg:$0x5]  }
0x36: {  	[tilespmem:s4], [sflag:$0x2] =	stream.linear.gather [hbm4b:s20+s4], $0x2800, $0x38;
	[tilespmem:$0x1F100] =	vst v63  }
0x37: {  	s22 =	simm.s32 $0x200;
	s20 =	simm.s32 $0x0  }
.LBB2_2:
0x38: {  	p0 =	sne.s32 s22, $0x1E00;
	[tilespmem:s20+$0xA970] =	vst v0  }
0x39: {  	[tilespmem:s20+$0xA900] =	vst v0  }
0x3a: {  	[tilespmem:s20+$0xA910] =	vst v0  }
.Ltmp0:
0x3b: {  	[tilespmem:s20+$0xA920] =	vst v0;
	(pc) =	sbr.rel @p0 .LBB2_2-.Ltmp0, $4  }
0x3c: {  	[tilespmem:s20+$0xA930] =	vst v0  }
0x3d: {  	[tilespmem:s20+$0xA940] =	vst v0  }
0x3e: {  	[tilespmem:s20+$0xA950] =	vst v0  }
0x3f: {  	[tilespmem:s20+$0xA960] =	vst v0;
	s20 =	sshra.s32 s22, $0x2;
	s22 =	sadd.s32 $0x200, s22  }
0x40: {  	[tilespmem:s20+$0xA970] =	vst v0  }
0x41: {  	[tilespmem:s20+$0xA900] =	vst v0  }
0x42: {  	[tilespmem:s20+$0xA910] =	vst v0  }
0x43: {  	[tilespmem:s20+$0xA920] =	vst v0  }
0x44: {  	[tilespmem:s20+$0xA930] =	vst v0  }
0x45: {  	[tilespmem:s20+$0xA940] =	vst v0  }
0x46: {  	[tilespmem:s20+$0xA950] =	vst v0  }
0x47: {  	[tilespmem:s20+$0xA960] =	vst v0;
	s26 =	rddreg [dreg:$0x7]  }
0x48: {  	[spmem:s7] =	stream.linear.scatter [tilespmem:s0], [sflag:$0x5], $0x800, $0x38;
	[tilespmem:$0x1F100] =	vst v63  }
0x49: {  	s28 =	rddreg [dreg:$0x8]  }
0x4a: {  	[spmem:s26] =	stream.linear.scatter [tilespmem:s0], [sflag:$0x5], $0x800, $0x38;
	[tilespmem:$0x1F100] =	vst v63  }
0x4b: {  	s29 =	rddreg [dreg:$0x9]  }
0x4c: {  	[spmem:s28] =	stream.linear.scatter [tilespmem:s0], [sflag:$0x5], $0x800, $0x38;
	[tilespmem:$0x1F100] =	vst v63  }
0x4d: {  	s22 =	rddreg [dreg:$0xa]  }
0x4e: {  	[spmem:s29] =	stream.linear.scatter [tilespmem:s0], [sflag:$0x5], $0x800, $0x38;
	[tilespmem:$0x1F100] =	vst v63  }
0x4f: {  	s23 =	rddreg [dreg:$0xb]  }
0x50: {  	[spmem:s22] =	stream.linear.scatter [tilespmem:s0], [sflag:$0x5], $0x800, $0x38;
	[tilespmem:$0x1F100] =	vst v63  }
0x51: {  	s24 =	rddreg [dreg:$0xc]  }
0x52: {  	[spmem:s23] =	stream.linear.scatter [tilespmem:s0], [sflag:$0x5], $0x800, $0x38;
	[tilespmem:$0x1F100] =	vst v63  }
0x53: {  	s26 =	rddreg [dreg:$0xd]  }
0x54: {  	[spmem:s24] =	stream.linear.scatter [tilespmem:s0], [sflag:$0x5], $0x800, $0x38;
	[tilespmem:$0x1F100] =	vst v63  }
0x55: {  	s28 =	rddreg [dreg:$0xe]  }
0x56: {  	[spmem:s26] =	stream.linear.scatter [tilespmem:s0], [sflag:$0x5], $0x800, $0x38;
	[tilespmem:$0x1F100] =	vst v63  }
0x57: {  	s29 =	rddreg [dreg:$0xf]  }
0x58: {  	[spmem:s28] =	stream.linear.scatter [tilespmem:s0], [sflag:$0x5], $0x800, $0x38;
	[tilespmem:$0x1F100] =	vst v63  }
0x59: {  	s22 =	rddreg [dreg:$0x10]  }
0x5a: {  	[spmem:s29] =	stream.linear.scatter [tilespmem:s0], [sflag:$0x5], $0x800, $0x38;
	[tilespmem:$0x1F100] =	vst v63  }
0x5b: {  	s23 =	rddreg [dreg:$0x11]  }
0x5c: {  	[spmem:s22] =	stream.linear.scatter [tilespmem:s0], [sflag:$0x5], $0x800, $0x38;
	[tilespmem:$0x1F100] =	vst v63  }
0x5d: {  	s24 =	rddreg [dreg:$0x12]  }
0x5e: {  	[spmem:s23] =	stream.linear.scatter [tilespmem:s0], [sflag:$0x5], $0x800, $0x38;
	[tilespmem:$0x1F100] =	vst v63  }
0x5f: {  	s26 =	rddreg [dreg:$0x14]  }
0x60: {  	[spmem:s24] =	stream.linear.scatter [tilespmem:s0], [sflag:$0x5], $0x800, $0x38;
	[tilespmem:$0x1F100] =	vst v63  }
0x61: {  	s28 =	rddreg [dreg:$0x15]  }
0x62: {  	[spmem:s26] =	stream.linear.scatter [tilespmem:s0], [sflag:$0x5], $0x800, $0x38;
	[tilespmem:$0x1F100] =	vst v63  }
0x63: {  	s29 =	rddreg [dreg:$0x16]  }
0x64: {  	[spmem:s28] =	stream.linear.scatter [tilespmem:s0], [sflag:$0x5], $0x800, $0x38;
	[tilespmem:$0x1F100] =	vst v63  }
0x65: {  	s22 =	rddreg [dreg:$0x17]  }
0x66: {  	[spmem:s29] =	stream.linear.scatter [tilespmem:s0], [sflag:$0x5], $0x800, $0x38;
	[tilespmem:$0x1F100] =	vst v63  }
0x67: {  	s23 =	rddreg [dreg:$0x18]  }
0x68: {  	[spmem:s22] =	stream.linear.scatter [tilespmem:s0], [sflag:$0x5], $0x800, $0x38;
	[tilespmem:$0x1F100] =	vst v63  }
0x69: {  	s24 =	rddreg [dreg:$0x19]  }
0x6a: {  	[spmem:s23] =	stream.linear.scatter [tilespmem:s0], [sflag:$0x5], $0x800, $0x38;
	[tilespmem:$0x1F100] =	vst v63  }
0x6b: {  	s26 =	rddreg [dreg:$0x1a]  }
0x6c: {  	[spmem:s24] =	stream.linear.scatter [tilespmem:s0], [sflag:$0x5], $0x800, $0x38;
	[tilespmem:$0x1F100] =	vst v63  }
0x6d: {  	s28 =	rddreg [dreg:$0x1b]  }
0x6e: {  	[spmem:s26] =	stream.linear.scatter [tilespmem:s0], [sflag:$0x5], $0x800, $0x38;
	[tilespmem:$0x1F100] =	vst v63  }
0x6f: {  	s29 =	rddreg [dreg:$0x1c]  }
0x70: {  	[spmem:s28] =	stream.linear.scatter [tilespmem:s0], [sflag:$0x5], $0x800, $0x38;
	[tilespmem:$0x1F100] =	vst v63  }
0x71: {  	s22 =	rddreg [dreg:$0x1d]  }
0x72: {  	[spmem:s29] =	stream.linear.scatter [tilespmem:s0], [sflag:$0x5], $0x800, $0x38;
	[tilespmem:$0x1F100] =	vst v63  }
0x73: {  	s23 =	rddreg [dreg:$0x1e]  }
0x74: {  	[spmem:s22] =	stream.linear.scatter [tilespmem:s0], [sflag:$0x5], $0x800, $0x38;
	[tilespmem:$0x1F100] =	vst v63  }
0x75: {  	s24 =	rddreg [dreg:$0x1f]  }
0x76: {  	[spmem:s23] =	stream.linear.scatter [tilespmem:s0], [sflag:$0x5], $0x800, $0x38;
	[tilespmem:$0x1F100] =	vst v63  }
0x77: {  	s26 =	sld [smem:$0x7EE]  }
0x78: {  	[spmem:s24] =	stream.linear.scatter [tilespmem:s0], [sflag:$0x5], $0x800, $0x38;
	[tilespmem:$0x1F100] =	vst v63  }
0x79: {  	s28 =	sld [smem:$0x7EF]  }
0x7a: {  	[spmem:s26] =	stream.linear.scatter [tilespmem:s0], [sflag:$0x5], $0x800, $0x38;
	[tilespmem:$0x1F100] =	vst v63  }
0x7b: {  	s29 =	sld [smem:$0x7F0]  }
0x7c: {  	[spmem:s28] =	stream.linear.scatter [tilespmem:s0], [sflag:$0x5], $0x800, $0x38;
	[tilespmem:$0x1F100] =	vst v63  }
0x7d: {  	s22 =	sld [smem:$0x7F1]  }
0x7e: {  	[spmem:s29] =	stream.linear.scatter [tilespmem:s0], [sflag:$0x5], $0x800, $0x38;
	[tilespmem:$0x1F100] =	vst v63  }
0x7f: {  	s23 =	sld [smem:$0x7F2]  }
0x80: {  	[spmem:s22] =	stream.linear.scatter [tilespmem:s0], [sflag:$0x5], $0x800, $0x38;
	[tilespmem:$0x1F100] =	vst v63  }
0x81: {  	s24 =	sld [smem:$0x7F3]  }
0x82: {  	[spmem:s23] =	stream.linear.scatter [tilespmem:s0], [sflag:$0x5], $0x800, $0x38;
	[tilespmem:$0x1F100] =	vst v63  }
0x83: {  	s26 =	sld [smem:$0x7F4]  }
0x84: {  	[spmem:s24] =	stream.linear.scatter [tilespmem:s0], [sflag:$0x5], $0x800, $0x38;
	[tilespmem:$0x1F100] =	vst v63  }
0x85: {  	s28 =	sld [smem:$0x7F5]  }
0x86: {  	[spmem:s26] =	stream.linear.scatter [tilespmem:s0], [sflag:$0x5], $0x800, $0x38;
	[tilespmem:$0x1F100] =	vst v63  }
0x87: {  	s29 =	sld [smem:$0x7F6]  }
0x88: {  	[spmem:s28] =	stream.linear.scatter [tilespmem:s0], [sflag:$0x5], $0x800, $0x38;
	[tilespmem:$0x1F100] =	vst v63  }
0x89: {  	s22 =	sld [smem:$0x7F7]  }
0x8a: {  	[spmem:s29] =	stream.linear.scatter [tilespmem:s0], [sflag:$0x5], $0x800, $0x38;
	[tilespmem:$0x1F100] =	vst v63  }
0x8b: {  	s23 =	sld [smem:$0x7F8]  }
0x8c: {  	[spmem:s22] =	stream.linear.scatter [tilespmem:s0], [sflag:$0x5], $0x800, $0x38;
	[tilespmem:$0x1F100] =	vst v63  }
0x8d: {  	s24 =	sld [smem:$0x7F9]  }
0x8e: {  	[spmem:s23] =	stream.linear.scatter [tilespmem:s0], [sflag:$0x5], $0x800, $0x38;
	[tilespmem:$0x1F100] =	vst v63  }
0x8f: {  	s26 =	sld [smem:$0x7FA]  }
0x90: {  	[spmem:s24] =	stream.linear.scatter [tilespmem:s0], [sflag:$0x5], $0x800, $0x38;
	[tilespmem:$0x1F100] =	vst v63  }
0x91: {  	s28 =	sld [smem:$0x7FB]  }
0x92: {  	[spmem:s26] =	stream.linear.scatter [tilespmem:s0], [sflag:$0x5], $0x800, $0x38;
	[tilespmem:$0x1F100] =	vst v63  }
0x93: {  	s29 =	sld [smem:$0x7FC]  }
0x94: {  	[spmem:s28] =	stream.linear.scatter [tilespmem:s0], [sflag:$0x5], $0x800, $0x38;
	[tilespmem:$0x1F100] =	vst v63  }
0x95: {  	_ = 	snop  }
0x96: {  	[spmem:s29] =	stream.linear.scatter [tilespmem:s0], [sflag:$0x5], $0x800, $0x38;
	[tilespmem:$0x1F100] =	vst v63  }
0x97: {  	_ =	swait.ge [sflag:s1], $0x2800  }
0x98: {  	[sflag:s1] =	ssyncset.done $0x0  }
0x99: {  	[sflag:s1] =	ssyncadd.s32 $0xFFFFD800  }
0x9a: {  	[tilespmem:s6], [sflag:$0x3] =	stream.linear.gather [hbm4b:s30+s4], $0x80, $0x38;
	[tilespmem:$0x1F100] =	vst v63  }
0x9b: {  	_ =	swait.ge [sflag:s9], $0x800  }
0x9c: {  	s20 =	simm.s32 $0x27;
	[sflag:s9] =	ssyncset.done $0x0  }
.LBB2_4:
0x9d: {  	p0 =	sne.s32 s20, $0x1;
	s20 =	sadd.s32 $0xFFFFFFFF, s20;
	[sflag:s9] =	ssyncadd.s32 $0xFFFFF800  }
.Ltmp1:
0x9e: {  	(pc) =	sbr.rel @p0 .LBB2_4-.Ltmp1, $3  }
0x9f: {  	_ =	sdelay $0x1  }
0xa0: {  	_ =	swait.ge [sflag:s9], $0x800  }
0xa1: {  	[sflag:s9] =	ssyncset.done $0x0  }
0xa2: {  	[sflag:s9] =	ssyncadd.s32 $0xFFFFF800  }
0xa3: {  	s20 =	simm.s32 $0x0;
	[bflag:$0x0] =	sbarrier.arrive $0xFFFF  }
0xa4: {  	[tilespmem:s11], [sflag:$0x1] =	stream.indirect.gather [hbm4b:s5+s10], $0x80, s20, s10, $0xb8;
	[tilespmem:$0x1F100] =	vst v63  }
0xa5: {  	s22 =	simm.s32 $0x80;
	s23 =	sld [smem:$0x7FD]  }
0xa6: {  	[tilespmem:s12], [sflag:$0x2] =	stream.indirect.gather [hbm4b:s5+s10], $0x80, s22, s10, $0xb8;
	[tilespmem:$0x1F100] =	vst v63  }
0xa7: {  	_ = 	snop  }
0xa8: {  	[tilespmem:s13], [sflag:$0x4] =	stream.linear.gather [hbm4b:s23+s20], $0x80, $0x38;
	[tilespmem:$0x1F100] =	vst v63  }
0xa9: {  	_ =	swait.ge [sflag:s14], $0x3E80  }
0xaa: {  	[sflag:s14] =	ssyncset.done $0x0  }
0xab: {  	[sflag:s14] =	ssyncadd.s32 $0xFFFFC180  }
0xac: {  	_ =	swait.ge [sflag:s15], $0x80  }
0xad: {  	[sflag:s15] =	ssyncset.done $0x0  }
0xae: {  	[sflag:s15] =	ssyncadd.s32 $0xFFFFFF80  }
0xaf: {  	[spmem:s3] =	stream.indirect.scatter.add.f32 [tilespmem:s11], [sflag:$0x5], $0x80, s6, s10, $0xb8;
	[tilespmem:$0x1F100] =	vst v63  }
0xb0: {  	_ =	swait.ge [sflag:s9], $0x3E80  }
0xb1: {  	[sflag:s9] =	ssyncset.done $0x0  }
0xb2: {  	s24 =	simm.s32 $0x100;
	[sflag:s9] =	ssyncadd.s32 $0xFFFFC180  }
0xb3: {  	[tilespmem:s11], [sflag:$0x1] =	stream.indirect.gather [hbm4b:s5+s10], $0x80, s24, s10, $0xb8;
	[tilespmem:$0x1F100] =	vst v63  }
0xb4: {  	_ = 	snop  }
0xb5: {  	[tilespmem:s6], [sflag:$0x3] =	stream.linear.gather [hbm4b:s8+s20], $0x80, $0x38;
	[tilespmem:$0x1F100] =	vst v63  }
0xb6: {  	_ =	swait.ge [sflag:s1], $0x3E80  }
0xb7: {  	[sflag:s1] =	ssyncset.done $0x0  }
0xb8: {  	[sflag:s1] =	ssyncadd.s32 $0xFFFFC180  }
0xb9: {  	_ =	swait.ge [sflag:s16], $0x80  }
0xba: {  	[sflag:s16] =	ssyncset.done $0x0  }
0xbb: {  	s22 =	simm.s32 $0x20;
	[sflag:s16] =	ssyncadd.s32 $0xFFFFFF80  }
0xbc: {  	[spmem:s3] =	stream.indirect.scatter.add.f32 [tilespmem:s12], [sflag:$0x6], $0x80, s13, s10, $0xb8;
	[tilespmem:$0x1F100] =	vst v63  }
0xbd: {  	s26 =	sadd.s32 $0x20, s21;
	s23 =	sand.u32 $0x60, s22;
	_ =	swait.ge [sflag:s17], $0x3E80  }
0xbe: {  	s23 =	sadd.s32 s23, s2;
	s20 =	sand.u32 $0xFFFFF80, s26;
	[sflag:s17] =	ssyncset.done $0x0  }
0xbf: {  	s24 =	simm.s32 $0x180;
	s20 =	sadd.s32 s20, s23;
	[sflag:s17] =	ssyncadd.s32 $0xFFFFC180  }
0xc0: {  	[tilespmem:s12], [sflag:$0x2] =	stream.indirect.gather [hbm4b:s5+s10], $0x80, s24, s10, $0xb8;
	[tilespmem:$0x1F100] =	vst v63  }
0xc1: {  	s20 =	sadd.s32 $0x10, s20  }
0xc2: {  	[tilespmem:s13], [sflag:$0x4] =	stream.linear.gather [hbm4b:s20+s4], $0x80, $0x38;
	[tilespmem:$0x1F100] =	vst v63  }
0xc3: {  	_ =	swait.ge [sflag:s14], $0x3E80  }
0xc4: {  	[sflag:s14] =	ssyncset.done $0x0  }
0xc5: {  	[sflag:s14] =	ssyncadd.s32 $0xFFFFC180  }
0xc6: {  	_ =	swait.ge [sflag:s15], $0x80  }
0xc7: {  	[sflag:s15] =	ssyncset.done $0x0  }
0xc8: {  	[sflag:s15] =	ssyncadd.s32 $0xFFFFFF80  }
0xc9: {  	[spmem:s3] =	stream.indirect.scatter.add.f32 [tilespmem:s11], [sflag:$0x5], $0x80, s6, s10, $0xb8;
	[tilespmem:$0x1F100] =	vst v63  }
0xca: {  	_ =	swait.ge [sflag:s9], $0x3E80  }
0xcb: {  	[sflag:s9] =	ssyncset.done $0x0  }
0xcc: {  	s28 =	simm.s32 $0x200;
	[sflag:s9] =	ssyncadd.s32 $0xFFFFC180  }
0xcd: {  	[tilespmem:s11], [sflag:$0x1] =	stream.indirect.gather [hbm4b:s5+s10], $0x80, s28, s10, $0xb8;
	[tilespmem:$0x1F100] =	vst v63  }
0xce: {  	s29 =	sadd.s32 $0x0, s25  }
0xcf: {  	[tilespmem:s6], [sflag:$0x3] =	stream.linear.gather [hbm4b:s29+s4], $0x80, $0x38;
	[tilespmem:$0x1F100] =	vst v63  }
0xd0: {  	_ =	swait.ge [sflag:s1], $0x3E80  }
0xd1: {  	[sflag:s1] =	ssyncset.done $0x0  }
0xd2: {  	[sflag:s1] =	ssyncadd.s32 $0xFFFFC180  }
0xd3: {  	_ =	swait.ge [sflag:s16], $0x80  }
0xd4: {  	s20 =	simm.s32 $0x300;
	[sflag:s16] =	ssyncset.done $0x0  }
.LBB2_6:
0xd5: {  	s23 =	sadd.s32 $0xFFFFFF80, s20  }
0xd6: {  	[sflag:s16] =	ssyncadd.s32 $0xFFFFFF80;
	s24 =	smov.u32 s22;
	s26 =	sadd.s32 $0x20, s22  }
0xd7: {  	[spmem:s3] =	stream.indirect.scatter.add.f32 [tilespmem:s12], [sflag:$0x6], $0x80, s13, s10, $0xb8;
	[tilespmem:$0x1F100] =	vst v63  }
0xd8: {  	s28 =	sadd.s32 s21, s26;
	s29 =	sand.u32 $0x60, s26;
	_ =	swait.ge [sflag:s17], $0x3E80  }
0xd9: {  	s28 =	sand.u32 $0xFFFFF80, s28;
	s29 =	sadd.s32 s29, s2;
	[sflag:s17] =	ssyncset.done $0x0  }
0xda: {  	p0 =	sne.s32 s22, $0x4A0;
	s28 =	sadd.s32 s28, s29;
	[sflag:s17] =	ssyncadd.s32 $0xFFFFC180  }
0xdb: {  	[tilespmem:s12], [sflag:$0x2] =	stream.indirect.gather [hbm4b:s5+s10], $0x80, s23, s10, $0xb8;
	[tilespmem:$0x1F100] =	vst v63  }
0xdc: {  	s22 =	sadd.s32 $0x10, s28  }
0xdd: {  	[tilespmem:s13], [sflag:$0x4] =	stream.linear.gather [hbm4b:s22+s4], $0x80, $0x38;
	[tilespmem:$0x1F100] =	vst v63  }
0xde: {  	_ =	swait.ge [sflag:s14], $0x3E80  }
0xdf: {  	[sflag:s14] =	ssyncset.done $0x0  }
0xe0: {  	[sflag:s14] =	ssyncadd.s32 $0xFFFFC180  }
0xe1: {  	_ =	swait.ge [sflag:s15], $0x80  }
0xe2: {  	[sflag:s15] =	ssyncset.done $0x0  }
0xe3: {  	[sflag:s15] =	ssyncadd.s32 $0xFFFFFF80  }
0xe4: {  	[spmem:s3] =	stream.indirect.scatter.add.f32 [tilespmem:s11], [sflag:$0x5], $0x80, s6, s10, $0xb8;
	[tilespmem:$0x1F100] =	vst v63  }
0xe5: {  	_ =	swait.ge [sflag:s9], $0x3E80  }
0xe6: {  	[sflag:s9] =	ssyncset.done $0x0  }
0xe7: {  	s22 =	sadd.s32 s24, s25;
	[sflag:s9] =	ssyncadd.s32 $0xFFFFC180  }
0xe8: {  	[tilespmem:s11], [sflag:$0x1] =	stream.indirect.gather [hbm4b:s5+s10], $0x80, s20, s10, $0xb8;
	[tilespmem:$0x1F100] =	vst v63  }
0xe9: {  	_ = 	snop  }
0xea: {  	[tilespmem:s6], [sflag:$0x3] =	stream.linear.gather [hbm4b:s22+s4], $0x80, $0x38;
	[tilespmem:$0x1F100] =	vst v63  }
.Ltmp2:
0xeb: {  	_ =	swait.ge [sflag:s1], $0x3E80;
	(pc) =	sbr.rel @p0 .LBB2_6-.Ltmp2, $4  }
0xec: {  	[sflag:s1] =	ssyncset.done $0x0  }
0xed: {  	[sflag:s1] =	ssyncadd.s32 $0xFFFFC180  }
0xee: {  	_ =	swait.ge [sflag:s16], $0x80  }
0xef: {  	s20 =	sadd.s32 $0x100, s20;
	s22 =	smov.u32 s26;
	[sflag:s16] =	ssyncset.done $0x0  }
0xf0: {  	[sflag:s16] =	ssyncadd.s32 $0xFFFFFF80  }
0xf1: {  	[spmem:s3] =	stream.indirect.scatter.add.f32 [tilespmem:s12], [sflag:$0x6], $0x80, s13, s10, $0xb8;
	[tilespmem:$0x1F100] =	vst v63  }
0xf2: {  	_ =	swait.ge [sflag:s17], $0x3E80  }
0xf3: {  	[sflag:s17] =	ssyncset.done $0x0  }
0xf4: {  	s20 =	simm.s32 $0x2780;
	[sflag:s17] =	ssyncadd.s32 $0xFFFFC180  }
0xf5: {  	[tilespmem:s12], [sflag:$0x2] =	stream.indirect.gather [hbm4b:s5+s10], $0x80, s20, s10, $0xb8;
	[tilespmem:$0x1F100] =	vst v63  }
0xf6: {  	_ = 	snop  }
0xf7: {  	[tilespmem:s13], [sflag:$0x4] =	stream.linear.gather [hbm4b:s31+s4], $0x80, $0x38;
	[tilespmem:$0x1F100] =	vst v63  }
0xf8: {  	_ =	swait.ge [sflag:s14], $0x3E80  }
0xf9: {  	[sflag:s14] =	ssyncset.done $0x0  }
0xfa: {  	[sflag:s14] =	ssyncadd.s32 $0xFFFFC180  }
0xfb: {  	_ =	swait.ge [sflag:s15], $0x80  }
0xfc: {  	[sflag:s15] =	ssyncset.done $0x0  }
0xfd: {  	[sflag:s15] =	ssyncadd.s32 $0xFFFFFF80  }
0xfe: {  	[spmem:s3] =	stream.indirect.scatter.add.f32 [tilespmem:s11], [sflag:$0x5], $0x80, s6, s10, $0xb8;
	[tilespmem:$0x1F100] =	vst v63  }
0xff: {  	_ =	swait.ge [sflag:s9], $0x3E80  }
0x100: {  	[sflag:s9] =	ssyncset.done $0x0  }
0x101: {  	[sflag:s9] =	ssyncadd.s32 $0xFFFFC180  }
0x102: {  	_ =	swait.ge [sflag:s1], $0x3E80  }
0x103: {  	[sflag:s1] =	ssyncset.done $0x0  }
0x104: {  	[sflag:s1] =	ssyncadd.s32 $0xFFFFC180  }
0x105: {  	_ =	swait.ge [sflag:s16], $0x80  }
0x106: {  	[sflag:s16] =	ssyncset.done $0x0  }
0x107: {  	[sflag:s16] =	ssyncadd.s32 $0xFFFFFF80  }
0x108: {  	[spmem:s3] =	stream.indirect.scatter.add.f32 [tilespmem:s12], [sflag:$0x6], $0x80, s13, s10, $0xb8;
	[tilespmem:$0x1F100] =	vst v63  }
0x109: {  	_ =	swait.ge [sflag:s17], $0x3E80  }
0x10a: {  	[sflag:s17] =	ssyncset.done $0x0  }
0x10b: {  	s28 =	stileid.u32;
	[sflag:s17] =	ssyncadd.s32 $0xFFFFC180  }
0x10c: {  	s20 =	sshll.u32 s28, $0x6;
	[bflag:$0x0] =	sbarrier.arrive $0xFFFF  }
0x10d: {  	s22 =	sshrl.u32 s7, $0x3;
	s20 =	sor.u32 $0x1C07, s20;
	s23 =	rddreg [dreg:$0x13]  }
0x10e: {  	[hbm:s23], [sflag:s20] =	dma.local [spmem:s22], $0x2800  }
0x10f: {  	_ =	swait.ge [sflag:s18], $0x2800  }
0x110: {  	s19 =	sadd.s32 $0x1, s19;
	s29 =	rddreg [dreg:$0x6]  }
0x111: {  	p0 =	sne.s32 s19, s29  }
.Ltmp3:
0x112: {  	_ = 	snop;
	(pc) =	sbr.rel @p0 .LBB2_1-.Ltmp3, $3  }
0x113: {  	_ =	sdelay $0x1  }
0x114: {  	[sflag:s18] =	ssyncset.done $0x0  }
0x115: {  	[sflag:s18] =	ssyncadd.s32 $0xFFFFD800  }
0x116: {  	_ =	sfence.sel $0x180000  }
0x117: {  	[bflag:$0x0] =	sbarrier.arrive $0xFFFF  }
0x118: {  	_ =	strace $0x9000004D  }
0x119: {  	s0 =	stileid.u32;
	[bflag:$0x2] =	sbarrier.arrive $0xFFFF  }
0x11a: {  	p0 =	sne.s32 s0, $0x0;
	s0 =	rddreg [dreg:$0x4]  }
0x11b: {  	s0 =	sadd.s32 @!p0 $0x100000, s0  }
0x11c: {  	[sflag:s0] =	ssyncadd.tile.s32 @!p0 $0x1;
	_ =	shalt  }
.Lfunc_end2:
_tile_overlayer_lowered:
.L_overlay_start_2:
0x11d: {  	(tag) =	ssettag $0x2  }
0x11e: {  	s0 =	rddreg [dreg:$0x0];
	s2 =	stileid.u32  }
0x11f: {  	s1 =	rddreg [dreg:$0x1];
	p0 =	sne.s32 s2, $0x0  }
0x120: {  	s3 =	rddreg [dreg:$0x2];
	[bflag:$0x3] =	sbarrier.arrive $0xFFFF;
	s2 =	simm.s32 @!p0 $0x1C07  }
0x121: {  	[timem:s3], [sflag:s2] =	dma.local @!p0 [hbm:s0], s1  }
0x122: {  	s0 =	simm.s32 @!p0 $0x7  }
0x123: {  	_ =	swait.ge @!p0 [sflag:s0], s1  }
0x124: {  	s1 =	ssub.s32 @!p0 $0x0, s1;
	[sflag:s0] =	ssyncset.done @!p0 $0x0  }
0x125: {  	[sflag:s0] =	ssyncadd.s32 @!p0 s1  }
0x126: {  	[bflag:$0x3] =	sbarrier.arrive $0xFFFF  }
0x127: {  	_ =	shalt  }

// kernel: kernel.20.cloned.1.call-start
scs
__scs_entry_jumppad:
0x0: {  	(pc) =	sbr.rel $0x88, $3  }
0x1: {  	(tag) =	ssettag $0x0;
	lr =	simm.s32 $0x1  }
0x2: {  	[smem:$0x3F9E] =	sst lr;
	_ =	strace $0xD0000000  }
0x3: {  	_ = 	snop  }
0x4: {  	_ = 	snop  }
0x5: {  	_ = 	snop  }
0x6: {  	_ = 	snop  }
0x7: {  	_ = 	snop  }
__scs_overlays_trampoline_lowered:
0x8: {  	[smem:$0x3FAD] =	sst s0  }
0x9: {  	[smem:$0x3FAE] =	sst s1  }
0xa: {  	[smem:$0x3FAF] =	sst s2  }
0xb: {  	[smem:$0x3FB0] =	sst s3  }
0xc: {  	[smem:$0x3FB1] =	sst s4  }
0xd: {  	[smem:$0x3FB2] =	sst s5  }
0xe: {  	[smem:$0x3FB3] =	sst s6  }
0xf: {  	[smem:$0x3FB4] =	sst s7  }
0x10: {  	[smem:$0x3FB5] =	sst s8  }
0x11: {  	[smem:$0x3FB6] =	sst s9;
	s0 =	simm.s32 @!p0 $0x0  }
0x12: {  	s1 =	sld [smem:$0x3F9C];
	s0 =	simm.s32 @p0 $0x1  }
0x13: {  	[smem:$0x3FB7] =	sst s0;
	s0 =	simm.s32 @!p1 $0x0  }
0x14: {  	s2 =	sld [smem:$0x3F9B];
	s0 =	simm.s32 @p1 $0x1  }
0x15: {  	[smem:$0x3FB8] =	sst s0;
	s0 =	simm.s32 @!p2 $0x0  }
0x16: {  	s3 =	sld [smem:$0x3FDB];
	s0 =	simm.s32 @p2 $0x1  }
0x17: {  	s4 =	simm.s32 $0x1BF5;
	[smem:$0x3FBA] =	sst s0  }
0x18: {  	s0 =	sld [smem:$0x3F9D];
	_ =	swait.ge [sflag:s4], $0x0  }
0x19: {  	s7 =	sld [smem:$0x3F9E]  }
0x1a: {  	s8 =	sadd.s32 $0xFFFFE003, lr  }
0x1b: {  	s9 =	sadd.s32 $0xFFFFFEF7, lr;
	s5 =	simm.s32 $0xFFFFFFFF;
	p2 =	slt.u32 s8, $0xFFFFF086  }
0x1c: {  	p1 =	slt.u32 s9, $0xF7A;
	s5 =	simm.s32 @!p2 $0x0  }
0x1d: {  	s5 =	simm.s32 @p1 $0x1;
	p0 =	seq.s32 s7, s2  }
0x1e: {  	s7 =	smul.u32 @!p0 $0xF7A, s2;
	p2 =	seq.s32 @!p0 s5, $0x0  }
0x1f: {  	s9 =	smul.u32 $0xF7A, s1;
	s8 =	simm.s32 @!p0 $0x1BF5;
	p2 =	por !p2, p0  }
0x20: {  	[sflag:s8] =	ssyncset.s32 @!p0 $0xFFFFF086;
	s6 =	sadd.s32 @!p0 s3, s7;
	s7 =	simm.s32 @!p0 $0x108  }
0x21: {  	s3 =	sadd.s32 s3, s9;
	s6 =	sadd.s32 @!p0 $0x88, s6;
	s7 =	simm.s32 @p2 $0x1082  }
0x22: {  	[simem:s7], [sflag:s8] =	dma.local @!p0 [hbm:s6], $0xF7A  }
0x23: {  	s9 =	sor.u32 $0xD0000000, s2;
	s6 =	simm.s32 $0x108;
	_ =	swait.ge @!p0 [sflag:s8], $0x0  }
0x24: {  	s3 =	sadd.s32 $0x88, s3;
	s6 =	simm.s32 @!p1 $0x1082;
	[sflag:s4] =	ssyncset.s32 $0xFFFFF086  }
0x25: {  	[simem:s6], [sflag:s4] =	dma.local [hbm:s3], $0xF7A  }
0x26: {  	[smem:$0x3F9E] =	sst s1;
	(tag) =	ssettag s2;
	_ =	strace s9  }
0x27: {  	s1 =	sld [smem:$0x3FAE]  }
0x28: {  	s2 =	sld [smem:$0x3FAF]  }
0x29: {  	s4 =	sld [smem:$0x3FB1]  }
0x2a: {  	p0 =	seq.s32 s5, $0x0;
	s5 =	sld [smem:$0x3FB2]  }
0x2b: {  	s6 =	sld [smem:$0x3FB3]  }
0x2c: {  	s7 =	sld [smem:$0x3FB4]  }
0x2d: {  	s3 =	simm.s32 $0x108;
	s8 =	sld [smem:$0x3FB5]  }
0x2e: {  	s3 =	simm.s32 @!p0 $0x1082;
	s9 =	sld [smem:$0x3FB6]  }
0x2f: {  	lr =	sadd.s32 s0, s3;
	s0 =	sld [smem:$0x3FAD]  }
0x30: {  	s3 =	sld [smem:$0x3FB0]  }
0x31: {  	[smem:$0x3FB9] =	sst s10  }
0x32: {  	s10 =	sld [smem:$0x3FB7];
	_ =	sdelay $0x3  }
0x33: {  	p0 =	seq.s32 s10, $0x1;
	s10 =	sld [smem:$0x3FB9];
	_ =	sdelay $0x3  }
0x34: {  	[smem:$0x3FB9] =	sst s10  }
0x35: {  	s10 =	sld [smem:$0x3FB8];
	_ =	sdelay $0x3  }
0x36: {  	p1 =	seq.s32 s10, $0x1;
	s10 =	sld [smem:$0x3FB9];
	_ =	sdelay $0x3  }
0x37: {  	[smem:$0x3FB9] =	sst s10  }
0x38: {  	s10 =	sld [smem:$0x3FBA]  }
0x39: {  	_ = 	snop;
	(pc) =	sbr.ind lr, $3  }
0x3a: {  	_ = 	snop  }
0x3b: {  	_ = 	snop  }
0x3c: {  	p2 =	seq.s32 s10, $0x1;
	s10 =	sld [smem:$0x3FB9]  }
0x3d: {  	_ =	shalt  }
0x3e: {  	_ =	shalt  }
0x3f: {  	_ =	shalt  }
0x40: {  	_ =	shalt  }
0x41: {  	_ =	shalt  }
0x42: {  	_ =	shalt  }
0x43: {  	_ =	shalt  }
0x44: {  	_ =	shalt  }
0x45: {  	_ =	shalt  }
0x46: {  	_ =	shalt  }
0x47: {  	_ =	shalt  }
0x48: {  	_ =	shalt  }
0x49: {  	_ =	shalt  }
0x4a: {  	_ =	shalt  }
0x4b: {  	_ =	shalt  }
0x4c: {  	_ =	shalt  }
0x4d: {  	_ =	shalt  }
0x4e: {  	_ =	shalt  }
0x4f: {  	_ =	shalt  }
0x50: {  	_ =	shalt  }
0x51: {  	_ =	shalt  }
0x52: {  	_ =	shalt  }
0x53: {  	_ =	shalt  }
0x54: {  	_ =	shalt  }
0x55: {  	_ =	shalt  }
0x56: {  	_ =	shalt  }
0x57: {  	_ =	shalt  }
0x58: {  	_ =	shalt  }
0x59: {  	_ =	shalt  }
0x5a: {  	_ =	shalt  }
0x5b: {  	_ =	shalt  }
0x5c: {  	_ =	shalt  }
0x5d: {  	_ =	shalt  }
0x5e: {  	_ =	shalt  }
0x5f: {  	_ =	shalt  }
0x60: {  	_ =	shalt  }
0x61: {  	_ =	shalt  }
0x62: {  	_ =	shalt  }
0x63: {  	_ =	shalt  }
0x64: {  	_ =	shalt  }
0x65: {  	_ =	shalt  }
0x66: {  	_ =	shalt  }
0x67: {  	_ =	shalt  }
0x68: {  	_ =	shalt  }
0x69: {  	_ =	shalt  }
0x6a: {  	_ =	shalt  }
0x6b: {  	_ =	shalt  }
0x6c: {  	_ =	shalt  }
0x6d: {  	_ =	shalt  }
0x6e: {  	_ =	shalt  }
0x6f: {  	_ =	shalt  }
0x70: {  	_ =	shalt  }
0x71: {  	_ =	shalt  }
0x72: {  	_ =	shalt  }
0x73: {  	_ =	shalt  }
0x74: {  	_ =	shalt  }
0x75: {  	_ =	shalt  }
0x76: {  	_ =	shalt  }
0x77: {  	_ =	shalt  }
0x78: {  	_ =	shalt  }
0x79: {  	_ =	shalt  }
0x7a: {  	_ =	shalt  }
0x7b: {  	_ =	shalt  }
0x7c: {  	_ =	shalt  }
0x7d: {  	_ =	shalt  }
0x7e: {  	_ =	shalt  }
0x7f: {  	_ =	shalt  }
0x80: {  	_ =	shalt  }
0x81: {  	_ =	shalt  }
0x82: {  	_ =	shalt  }
0x83: {  	_ =	shalt  }
0x84: {  	_ =	shalt  }
0x85: {  	_ =	shalt  }
0x86: {  	_ =	shalt  }
0x87: {  	_ =	shalt  }
.Lfunc_end0:
.L_simem_size_0:
called_computation.3_lowered:
.L_overlay_start_0:
0x88: {  	s2 =	sld [smem:$0x3FD9]  }
0x89: {  	s3 =	sld [smem:$0x3FFE];
	_ =	sdelay $0x1  }
0x8a: {  	s1 =	srdreg.scid  }
0x8b: {  	s0 =	sand.u32 $0x1, s1  }
0x8c: {  	s14 =	sshll.u32 s0, $0xA;
	s2 =	sadd.s32 s3, s2  }
0x8d: {  	s2 =	sadd.s32 s2, s14  }
0x8e: {  	[smem:$0x3FC5] =	sst s2  }
0x8f: {  	_ = 	snop  }
0x90: {  	s2 =	sld [smem:$0x3FD0];
	_ =	sdelay $0x2  }
0x91: {  	s15 =	simm.s32 $0xA;
	s4 =	simm.s32 $0x10  }
0x92: {  	[smem:s4], [sflag:s15] =	dma.local [hbm:s2], $0x1  }
0x93: {  	_ =	swait.eq [sflag:s15], $0x1  }
0x94: {  	[sflag:s15] =	ssyncset.done $0x0  }
0x95: {  	s16 =	sld [smem:$0x10];
	[sflag:s15] =	ssyncadd.s32 $0xFFFFFFFF  }
0x96: {  	s17 =	sld [smem:$0x11];
	(tm) =	ssettm $0x1  }
0x97: {  	s18 =	sld [smem:$0x3FFB];
	_ =	sdelay $0x3  }
0x98: {  	_ =	strace s18  }
0x99: {  	s4 =	sld [smem:$0x3FFC];
	_ =	sdelay $0x3  }
0x9a: {  	_ =	strace s4  }
0x9b: {  	s4 =	sld [smem:$0x3FFD];
	_ =	sdelay $0x3  }
0x9c: {  	_ =	strace s4  }
0x9d: {  	_ =	strace $0x8FFFFFFF  }
0x9e: {  	s19 =	sld [smem:$0x3FDB];
	_ =	sdelay $0x1  }
0x9f: {  	s5 =	simm.s32 $_scs_section_size  }
0xa0: {  	s6 =	simm.s32 $_size__tile_overlayer_lowered;
	s7 =	simm.s32 $_tile_overlayer_lowered  }
0xa1: {  	s22 =	simm.s32 $0x1BFF;
	s21 =	sshll.u32 s7, $0x1;
	s4 =	sadd.s32 s5, s19  }
0xa2: {  	s8 =	simm.s32 $0x0;
	s20 =	sshll.u32 s6, $0x1;
	s6 =	sadd.s32 s21, s4  }
0xa3: {  	[timem:s8], [sflag:s22] =	dma.local [hbm:s6], s20  }
0xa4: {  	_ =	swait.ge [sflag:s22], s20  }
0xa5: {  	s5 =	ssub.s32 $0x0, s20;
	[sflag:s22] =	ssyncset.done $0x0  }
0xa6: {  	[sflag:s22] =	ssyncadd.s32 s5;
	_ =	sdelay $0x1  }
0xa7: {  	s23 =	simm.s32 $0x1B8B  }
0xa8: {  	_ =	swait.ge [sflag:s23], $0x1  }
0xa9: {  	[sflag:s23] =	ssyncset.done $0x0  }
0xaa: {  	s25 =	simm.s32 $0x1B8E;
	s24 =	sld [smem:$0x3FFE];
	[sflag:s23] =	ssyncadd.s32 $0xFFFFFFFF  }
0xab: {  	s26 =	simm.s32 $execute0_lowered;
	[smem:$0x3FD2] =	sst s25  }
0xac: {  	s6 =	sshll.u32 s26, $0x1;
	_ =	strace $0x8000004F;
	[dreg:$0x1] =	wrdreg $0xFFFFFFFF  }
0xad: {  	s28 =	simm.s32 $_size_execute0_lowered;
	s4 =	sadd.s32 s4, s6;
	[dreg:$0x0] =	wrdreg $0x0  }
0xae: {  	s6 =	sshll.u32 s28, $0x1;
	[dreg:$0x2] =	wrdreg s4  }
0xaf: {  	[dreg:$0x3] =	wrdreg s6  }
0xb0: {  	[dreg:$0x4] =	wrdreg $0xC0  }
0xb1: {  	_ =	task [dreg:s8], $0x5FFFF  }
0xb2: {  	[dreg:$0x1] =	wrdreg $0xFFFFFFFF  }
0xb3: {  	[dreg:$0x0] =	wrdreg $0x60  }
0xb4: {  	[dreg:$0x2] =	wrdreg s24  }
0xb5: {  	[dreg:$0x3] =	wrdreg s16  }
0xb6: {  	[dreg:$0x4] =	wrdreg s17  }
0xb7: {  	[dreg:$0x5] =	wrdreg $0xB1000  }
0xb8: {  	[dreg:$0x6] =	wrdreg $0x9  }
0xb9: {  	_ =	task.clear_ibuf [dreg:s8], $0x7FFFF;
	_ =	strace $0x9000004F  }
0xba: {  	s29 =	simm.s32 $0x9;
	_ =	strace $0x80000051  }
0xbb: {  	_ =	swait.ge [sflag:s29], $0x1  }
0xbc: {  	[sflag:s29] =	ssyncadd.s32 $0xFFFFFFFF  }
0xbd: {  	_ =	strace $0x90000051  }
0xbe: {  	_ =	sfence  }
0xbf: {  	s30 =	sld [smem:$0x0];
	_ =	sdelay $0x2  }
0xc0: {  	s31 =	sshll.u32 s1, $0xD;
	s1 =	sshrl.u32 s1, $0x2  }
0xc1: {  	s3 =	sand.u32 $0x4000, s31;
	s1 =	sadd.s32 s1, s30  }
0xc2: {  	s0 =	sor.u32 s3, s0;
	s1 =	sshll.u32 s1, $0x11  }
0xc3: {  	s0 =	sor.u32 s1, s0  }
0xc4: {  	s0 =	sadd.s32 $0x8F2B, s0  }
0xc5: {  	[sflag:s0] =	ssyncadd.remote.s32 $0x1  }
0xc6: {  	_ =	sfence.sel $0xFFFF  }
0xc7: {  	[dreg:$0x0] =	wrdreg $0xFFFFFFFF;
	(pc) =	sbr.abs _section_cstart, $3  }
0xc8: {  	[dreg:$0x1] =	wrdreg $0xFFFFFFFF  }
0xc9: {  	_ =	task.clear_ibuf [dreg:s8], $0x2FFFF;
	_ =	strace $0x9FFFFFFF  }
0xca: {  	(tm) =	ssettm $0x7FFFFFFF  }
0xcb: {  	_ =	shalt  }
tec
execute0_lowered:
.L_overlay_start_1:
0x0: {  	(tag) =	ssettag $0x1  }
0x1: {  	s0 =	rddreg [dreg:$0x0]  }
0x2: {  	s1 =	rddreg [dreg:$0x1]  }
0x3: {  	s5 =	srdreg.scid;
	s11 =	stileid.u32  }
0x4: {  	s2 =	rddreg [dreg:$0x2];
	s6 =	sand.u32 $0x1, s5;
	s21 =	sshll.u32 s11, $0x1  }
0x5: {  	s4 =	simm.s32 $0x0;
	s7 =	smul.u32 $0x50000, s11;
	s5 =	sor.u32 s6, s21  }
0x6: {  	[smem:$0x7FF] =	sst s4;
	s8 =	ssub.s32 $0x2, s6;
	s9 =	smul.u32 $0x500, s5  }
0x7: {  	s3 =	rddreg [dreg:$0x3];
	_ =	strace $0x80000050;
	s10 =	sshrl.u32 s8, $0x1  }
0x8: {  	s7 =	sshrl.u32 s7, $0x2;
	s8 =	ssub.s32 s8, s10;
	s1 =	sadd.s32 s1, s9  }
0x9: {  	s7 =	sadd.s32 s7, s3;
	s8 =	smax.u32 s8, $0x1;
	[dreg:$0x5] =	wrdreg s1  }
0xa: {  	s23 =	sadd.s32 $0x800, s7;
	[dreg:$0x6] =	wrdreg s8  }
0xb: {  	s24 =	sadd.s32 $0x1000, s7;
	[dreg:$0x7] =	wrdreg s23  }
0xc: {  	s25 =	sadd.s32 $0x1800, s7;
	[dreg:$0x8] =	wrdreg s24  }
0xd: {  	s26 =	sadd.s32 $0x2000, s7;
	[dreg:$0x9] =	wrdreg s25  }
0xe: {  	s28 =	sadd.s32 $0x2800, s7;
	[dreg:$0xa] =	wrdreg s26  }
0xf: {  	s29 =	sadd.s32 $0x3000, s7;
	[dreg:$0xb] =	wrdreg s28  }
0x10: {  	s10 =	sadd.s32 s2, s9;
	s9 =	sadd.s32 $0x3800, s7;
	[dreg:$0xc] =	wrdreg s29  }
0x11: {  	s13 =	sadd.s32 $0x4000, s7;
	[dreg:$0xd] =	wrdreg s9  }
0x12: {  	s14 =	sadd.s32 $0x4800, s7;
	[dreg:$0xe] =	wrdreg s13  }
0x13: {  	s15 =	sadd.s32 $0x5000, s7;
	[dreg:$0xf] =	wrdreg s14  }
0x14: {  	s12 =	smul.u32 $0xA00, s11;
	s16 =	sadd.s32 $0x5800, s7;
	[dreg:$0x10] =	wrdreg s15  }
0x15: {  	p0 =	seq.s32 s6, $0x1;
	s17 =	sadd.s32 $0x6000, s7;
	[dreg:$0x11] =	wrdreg s16  }
0x16: {  	s6 =	smul.u32 $0x500, s6;
	s19 =	sadd.s32 $0x6800, s7;
	[dreg:$0x12] =	wrdreg s17  }
0x17: {  	s20 =	sadd.s32 $0x7000, s7;
	[dreg:$0x14] =	wrdreg s19  }
0x18: {  	s21 =	sadd.s32 s6, s12;
	s6 =	sadd.s32 $0xB000, s7;
	[dreg:$0x15] =	wrdreg s20  }
0x19: {  	s22 =	smul.u32 $0x2800, s11;
	s11 =	sadd.s32 $0xC800, s7;
	[dreg:$0x1d] =	wrdreg s6  }
0x1a: {  	s12 =	sadd.s32 $0xD000, s7;
	[smem:$0x7EE] =	sst s11  }
0x1b: {  	s23 =	sadd.s32 $0x8000, s7;
	[smem:$0x7EF] =	sst s12  }
0x1c: {  	s24 =	sadd.s32 $0x8800, s7;
	[dreg:$0x17] =	wrdreg s23  }
0x1d: {  	s26 =	sadd.s32 $0x9000, s7;
	[dreg:$0x18] =	wrdreg s24  }
0x1e: {  	s28 =	sadd.s32 $0x9800, s7;
	[dreg:$0x19] =	wrdreg s26  }
0x1f: {  	s29 =	sadd.s32 $0xA000, s7;
	[dreg:$0x1a] =	wrdreg s28  }
0x20: {  	s1 =	sadd.s32 $0xA800, s7;
	[dreg:$0x1b] =	wrdreg s29  }
0x21: {  	s5 =	sadd.s32 $0x4000, s0;
	s8 =	sadd.s32 $0xB800, s7;
	[dreg:$0x1c] =	wrdreg s1  }
0x22: {  	s18 =	sadd.s32 s2, s21;
	s13 =	sadd.s32 $0xD800, s7;
	[dreg:$0x1e] =	wrdreg s8  }
0x23: {  	s9 =	simm.s32 $0x7C000;
	s14 =	sadd.s32 $0xE000, s7;
	[smem:$0x7F0] =	sst s13  }
0x24: {  	s25 =	sadd.s32 $0x40, s18;
	s15 =	sadd.s32 $0xE800, s7;
	[smem:$0x7F1] =	sst s14  }
0x25: {  	s16 =	sadd.s32 $0xF000, s7;
	s17 =	sadd.s32 $0xF800, s7;
	[smem:$0x7F2] =	sst s15  }
0x26: {  	s18 =	sadd.s32 $0x10000, s7;
	s19 =	sadd.s32 $0x10800, s7;
	[smem:$0x7F3] =	sst s16  }
0x27: {  	s20 =	sadd.s32 $0x11000, s7;
	s30 =	smov.u32 s10;
	[smem:$0x7F4] =	sst s17  }
0x28: {  	s31 =	sadd.s32 $0x4F0, s10;
	s6 =	simm.s32 $0xA800;
	[smem:$0x7F5] =	sst s18  }
0x29: {  	s11 =	simm.s32 $0x2800;
	s12 =	simm.s32 $0x6800;
	[smem:$0x7F6] =	sst s19  }
0x2a: {  	s9 =	simm.s32 @!p0 $0x54000;
	[smem:$0x7F7] =	sst s20;
	s23 =	sadd.s32 $0x12000, s7  }
0x2b: {  	s24 =	sadd.s32 $0x12800, s7;
	s26 =	sadd.s32 $0x13000, s7;
	s28 =	sadd.s32 $0x13800, s7  }
0x2c: {  	s29 =	sadd.s32 $0x10, s10;
	s8 =	sadd.s32 $0x20, s10;
	[smem:$0x7F9] =	sst s23  }
0x2d: {  	s1 =	simm.s32 $0x2;
	s10 =	simm.s32 $0x7D;
	[smem:$0x7FA] =	sst s24  }
0x2e: {  	s13 =	simm.s32 $0xA880;
	s14 =	simm.s32 $0x1;
	[smem:$0x7FB] =	sst s26  }
0x2f: {  	s15 =	simm.s32 $0x3;
	s16 =	simm.s32 $0x4;
	[smem:$0x7FC] =	sst s28  }
0x30: {  	s0 =	sadd.s32 s9, s0;
	s9 =	sadd.s32 $0xC000, s7;
	[smem:$0x7FD] =	sst s29  }
0x31: {  	s17 =	simm.s32 $0x6;
	s0 =	sadd.s32 s0, s22;
	[dreg:$0x1f] =	wrdreg s9  }
0x32: {  	s18 =	simm.s32 $0x7;
	s22 =	sadd.s32 $0x7800, s7;
	[dreg:$0x13] =	wrdreg s0  }
0x33: {  	s19 =	simm.s32 $0x0;
	[dreg:$0x16] =	wrdreg s22;
	s22 =	sadd.s32 $0x11800, s7  }
0x34: {  	v0 =	vimm.f32 $0.0e+00;
	s9 =	simm.s32 $0x5;
	s0 =	simm.s32 $0xA900;
	[smem:$0x7F8] =	sst s22  }
.LBB2_1:
0x35: {  	s20 =	rddreg [dreg:$0x5]  }
0x36: {  	[tilespmem:s4], [sflag:$0x2] =	stream.linear.gather [hbm4b:s20+s4], $0x2800, $0x38;
	[tilespmem:$0x1F100] =	vst v63  }
0x37: {  	s22 =	simm.s32 $0x200;
	s20 =	simm.s32 $0x0  }
.LBB2_2:
0x38: {  	p0 =	sne.s32 s22, $0x1E00;
	[tilespmem:s20+$0xA970] =	vst v0  }
0x39: {  	[tilespmem:s20+$0xA900] =	vst v0  }
0x3a: {  	[tilespmem:s20+$0xA910] =	vst v0  }
.Ltmp0:
0x3b: {  	[tilespmem:s20+$0xA920] =	vst v0;
	(pc) =	sbr.rel @p0 .LBB2_2-.Ltmp0, $4  }
0x3c: {  	[tilespmem:s20+$0xA930] =	vst v0  }
0x3d: {  	[tilespmem:s20+$0xA940] =	vst v0  }
0x3e: {  	[tilespmem:s20+$0xA950] =	vst v0  }
0x3f: {  	[tilespmem:s20+$0xA960] =	vst v0;
	s20 =	sshra.s32 s22, $0x2;
	s22 =	sadd.s32 $0x200, s22  }
0x40: {  	[tilespmem:s20+$0xA970] =	vst v0  }
0x41: {  	[tilespmem:s20+$0xA900] =	vst v0  }
0x42: {  	[tilespmem:s20+$0xA910] =	vst v0  }
0x43: {  	[tilespmem:s20+$0xA920] =	vst v0  }
0x44: {  	[tilespmem:s20+$0xA930] =	vst v0  }
0x45: {  	[tilespmem:s20+$0xA940] =	vst v0  }
0x46: {  	[tilespmem:s20+$0xA950] =	vst v0  }
0x47: {  	[tilespmem:s20+$0xA960] =	vst v0;
	s26 =	rddreg [dreg:$0x7]  }
0x48: {  	[spmem:s7] =	stream.linear.scatter [tilespmem:s0], [sflag:$0x5], $0x800, $0x38;
	[tilespmem:$0x1F100] =	vst v63  }
0x49: {  	s28 =	rddreg [dreg:$0x8]  }
0x4a: {  	[spmem:s26] =	stream.linear.scatter [tilespmem:s0], [sflag:$0x5], $0x800, $0x38;
	[tilespmem:$0x1F100] =	vst v63  }
0x4b: {  	s29 =	rddreg [dreg:$0x9]  }
0x4c: {  	[spmem:s28] =	stream.linear.scatter [tilespmem:s0], [sflag:$0x5], $0x800, $0x38;
	[tilespmem:$0x1F100] =	vst v63  }
0x4d: {  	s22 =	rddreg [dreg:$0xa]  }
0x4e: {  	[spmem:s29] =	stream.linear.scatter [tilespmem:s0], [sflag:$0x5], $0x800, $0x38;
	[tilespmem:$0x1F100] =	vst v63  }
0x4f: {  	s23 =	rddreg [dreg:$0xb]  }
0x50: {  	[spmem:s22] =	stream.linear.scatter [tilespmem:s0], [sflag:$0x5], $0x800, $0x38;
	[tilespmem:$0x1F100] =	vst v63  }
0x51: {  	s24 =	rddreg [dreg:$0xc]  }
0x52: {  	[spmem:s23] =	stream.linear.scatter [tilespmem:s0], [sflag:$0x5], $0x800, $0x38;
	[tilespmem:$0x1F100] =	vst v63  }
0x53: {  	s26 =	rddreg [dreg:$0xd]  }
0x54: {  	[spmem:s24] =	stream.linear.scatter [tilespmem:s0], [sflag:$0x5], $0x800, $0x38;
	[tilespmem:$0x1F100] =	vst v63  }
0x55: {  	s28 =	rddreg [dreg:$0xe]  }
0x56: {  	[spmem:s26] =	stream.linear.scatter [tilespmem:s0], [sflag:$0x5], $0x800, $0x38;
	[tilespmem:$0x1F100] =	vst v63  }
0x57: {  	s29 =	rddreg [dreg:$0xf]  }
0x58: {  	[spmem:s28] =	stream.linear.scatter [tilespmem:s0], [sflag:$0x5], $0x800, $0x38;
	[tilespmem:$0x1F100] =	vst v63  }
0x59: {  	s22 =	rddreg [dreg:$0x10]  }
0x5a: {  	[spmem:s29] =	stream.linear.scatter [tilespmem:s0], [sflag:$0x5], $0x800, $0x38;
	[tilespmem:$0x1F100] =	vst v63  }
0x5b: {  	s23 =	rddreg [dreg:$0x11]  }
0x5c: {  	[spmem:s22] =	stream.linear.scatter [tilespmem:s0], [sflag:$0x5], $0x800, $0x38;
	[tilespmem:$0x1F100] =	vst v63  }
0x5d: {  	s24 =	rddreg [dreg:$0x12]  }
0x5e: {  	[spmem:s23] =	stream.linear.scatter [tilespmem:s0], [sflag:$0x5], $0x800, $0x38;
	[tilespmem:$0x1F100] =	vst v63  }
0x5f: {  	s26 =	rddreg [dreg:$0x14]  }
0x60: {  	[spmem:s24] =	stream.linear.scatter [tilespmem:s0], [sflag:$0x5], $0x800, $0x38;
	[tilespmem:$0x1F100] =	vst v63  }
0x61: {  	s28 =	rddreg [dreg:$0x15]  }
0x62: {  	[spmem:s26] =	stream.linear.scatter [tilespmem:s0], [sflag:$0x5], $0x800, $0x38;
	[tilespmem:$0x1F100] =	vst v63  }
0x63: {  	s29 =	rddreg [dreg:$0x16]  }
0x64: {  	[spmem:s28] =	stream.linear.scatter [tilespmem:s0], [sflag:$0x5], $0x800, $0x38;
	[tilespmem:$0x1F100] =	vst v63  }
0x65: {  	s22 =	rddreg [dreg:$0x17]  }
0x66: {  	[spmem:s29] =	stream.linear.scatter [tilespmem:s0], [sflag:$0x5], $0x800, $0x38;
	[tilespmem:$0x1F100] =	vst v63  }
0x67: {  	s23 =	rddreg [dreg:$0x18]  }
0x68: {  	[spmem:s22] =	stream.linear.scatter [tilespmem:s0], [sflag:$0x5], $0x800, $0x38;
	[tilespmem:$0x1F100] =	vst v63  }
0x69: {  	s24 =	rddreg [dreg:$0x19]  }
0x6a: {  	[spmem:s23] =	stream.linear.scatter [tilespmem:s0], [sflag:$0x5], $0x800, $0x38;
	[tilespmem:$0x1F100] =	vst v63  }
0x6b: {  	s26 =	rddreg [dreg:$0x1a]  }
0x6c: {  	[spmem:s24] =	stream.linear.scatter [tilespmem:s0], [sflag:$0x5], $0x800, $0x38;
	[tilespmem:$0x1F100] =	vst v63  }
0x6d: {  	s28 =	rddreg [dreg:$0x1b]  }
0x6e: {  	[spmem:s26] =	stream.linear.scatter [tilespmem:s0], [sflag:$0x5], $0x800, $0x38;
	[tilespmem:$0x1F100] =	vst v63  }
0x6f: {  	s29 =	rddreg [dreg:$0x1c]  }
0x70: {  	[spmem:s28] =	stream.linear.scatter [tilespmem:s0], [sflag:$0x5], $0x800, $0x38;
	[tilespmem:$0x1F100] =	vst v63  }
0x71: {  	s22 =	rddreg [dreg:$0x1d]  }
0x72: {  	[spmem:s29] =	stream.linear.scatter [tilespmem:s0], [sflag:$0x5], $0x800, $0x38;
	[tilespmem:$0x1F100] =	vst v63  }
0x73: {  	s23 =	rddreg [dreg:$0x1e]  }
0x74: {  	[spmem:s22] =	stream.linear.scatter [tilespmem:s0], [sflag:$0x5], $0x800, $0x38;
	[tilespmem:$0x1F100] =	vst v63  }
0x75: {  	s24 =	rddreg [dreg:$0x1f]  }
0x76: {  	[spmem:s23] =	stream.linear.scatter [tilespmem:s0], [sflag:$0x5], $0x800, $0x38;
	[tilespmem:$0x1F100] =	vst v63  }
0x77: {  	s26 =	sld [smem:$0x7EE]  }
0x78: {  	[spmem:s24] =	stream.linear.scatter [tilespmem:s0], [sflag:$0x5], $0x800, $0x38;
	[tilespmem:$0x1F100] =	vst v63  }
0x79: {  	s28 =	sld [smem:$0x7EF]  }
0x7a: {  	[spmem:s26] =	stream.linear.scatter [tilespmem:s0], [sflag:$0x5], $0x800, $0x38;
	[tilespmem:$0x1F100] =	vst v63  }
0x7b: {  	s29 =	sld [smem:$0x7F0]  }
0x7c: {  	[spmem:s28] =	stream.linear.scatter [tilespmem:s0], [sflag:$0x5], $0x800, $0x38;
	[tilespmem:$0x1F100] =	vst v63  }
0x7d: {  	s22 =	sld [smem:$0x7F1]  }
0x7e: {  	[spmem:s29] =	stream.linear.scatter [tilespmem:s0], [sflag:$0x5], $0x800, $0x38;
	[tilespmem:$0x1F100] =	vst v63  }
0x7f: {  	s23 =	sld [smem:$0x7F2]  }
0x80: {  	[spmem:s22] =	stream.linear.scatter [tilespmem:s0], [sflag:$0x5], $0x800, $0x38;
	[tilespmem:$0x1F100] =	vst v63  }
0x81: {  	s24 =	sld [smem:$0x7F3]  }
0x82: {  	[spmem:s23] =	stream.linear.scatter [tilespmem:s0], [sflag:$0x5], $0x800, $0x38;
	[tilespmem:$0x1F100] =	vst v63  }
0x83: {  	s26 =	sld [smem:$0x7F4]  }
0x84: {  	[spmem:s24] =	stream.linear.scatter [tilespmem:s0], [sflag:$0x5], $0x800, $0x38;
	[tilespmem:$0x1F100] =	vst v63  }
0x85: {  	s28 =	sld [smem:$0x7F5]  }
0x86: {  	[spmem:s26] =	stream.linear.scatter [tilespmem:s0], [sflag:$0x5], $0x800, $0x38;
	[tilespmem:$0x1F100] =	vst v63  }
0x87: {  	s29 =	sld [smem:$0x7F6]  }
0x88: {  	[spmem:s28] =	stream.linear.scatter [tilespmem:s0], [sflag:$0x5], $0x800, $0x38;
	[tilespmem:$0x1F100] =	vst v63  }
0x89: {  	s22 =	sld [smem:$0x7F7]  }
0x8a: {  	[spmem:s29] =	stream.linear.scatter [tilespmem:s0], [sflag:$0x5], $0x800, $0x38;
	[tilespmem:$0x1F100] =	vst v63  }
0x8b: {  	s23 =	sld [smem:$0x7F8]  }
0x8c: {  	[spmem:s22] =	stream.linear.scatter [tilespmem:s0], [sflag:$0x5], $0x800, $0x38;
	[tilespmem:$0x1F100] =	vst v63  }
0x8d: {  	s24 =	sld [smem:$0x7F9]  }
0x8e: {  	[spmem:s23] =	stream.linear.scatter [tilespmem:s0], [sflag:$0x5], $0x800, $0x38;
	[tilespmem:$0x1F100] =	vst v63  }
0x8f: {  	s26 =	sld [smem:$0x7FA]  }
0x90: {  	[spmem:s24] =	stream.linear.scatter [tilespmem:s0], [sflag:$0x5], $0x800, $0x38;
	[tilespmem:$0x1F100] =	vst v63  }
0x91: {  	s28 =	sld [smem:$0x7FB]  }
0x92: {  	[spmem:s26] =	stream.linear.scatter [tilespmem:s0], [sflag:$0x5], $0x800, $0x38;
	[tilespmem:$0x1F100] =	vst v63  }
0x93: {  	s29 =	sld [smem:$0x7FC]  }
0x94: {  	[spmem:s28] =	stream.linear.scatter [tilespmem:s0], [sflag:$0x5], $0x800, $0x38;
	[tilespmem:$0x1F100] =	vst v63  }
0x95: {  	_ = 	snop  }
0x96: {  	[spmem:s29] =	stream.linear.scatter [tilespmem:s0], [sflag:$0x5], $0x800, $0x38;
	[tilespmem:$0x1F100] =	vst v63  }
0x97: {  	_ =	swait.ge [sflag:s1], $0x2800  }
0x98: {  	[sflag:s1] =	ssyncset.done $0x0  }
0x99: {  	[sflag:s1] =	ssyncadd.s32 $0xFFFFD800  }
0x9a: {  	[tilespmem:s6], [sflag:$0x3] =	stream.linear.gather [hbm4b:s30+s4], $0x80, $0x38;
	[tilespmem:$0x1F100] =	vst v63  }
0x9b: {  	_ =	swait.ge [sflag:s9], $0x800  }
0x9c: {  	s20 =	simm.s32 $0x27;
	[sflag:s9] =	ssyncset.done $0x0  }
.LBB2_4:
0x9d: {  	p0 =	sne.s32 s20, $0x1;
	s20 =	sadd.s32 $0xFFFFFFFF, s20;
	[sflag:s9] =	ssyncadd.s32 $0xFFFFF800  }
.Ltmp1:
0x9e: {  	(pc) =	sbr.rel @p0 .LBB2_4-.Ltmp1, $3  }
0x9f: {  	_ =	sdelay $0x1  }
0xa0: {  	_ =	swait.ge [sflag:s9], $0x800  }
0xa1: {  	[sflag:s9] =	ssyncset.done $0x0  }
0xa2: {  	[sflag:s9] =	ssyncadd.s32 $0xFFFFF800  }
0xa3: {  	s20 =	simm.s32 $0x0;
	[bflag:$0x0] =	sbarrier.arrive $0xFFFF  }
0xa4: {  	[tilespmem:s11], [sflag:$0x1] =	stream.indirect.gather [hbm4b:s5+s10], $0x80, s20, s10, $0xb8;
	[tilespmem:$0x1F100] =	vst v63  }
0xa5: {  	s22 =	simm.s32 $0x80;
	s23 =	sld [smem:$0x7FD]  }
0xa6: {  	[tilespmem:s12], [sflag:$0x2] =	stream.indirect.gather [hbm4b:s5+s10], $0x80, s22, s10, $0xb8;
	[tilespmem:$0x1F100] =	vst v63  }
0xa7: {  	_ = 	snop  }
0xa8: {  	[tilespmem:s13], [sflag:$0x4] =	stream.linear.gather [hbm4b:s23+s20], $0x80, $0x38;
	[tilespmem:$0x1F100] =	vst v63  }
0xa9: {  	_ =	swait.ge [sflag:s14], $0x3E80  }
0xaa: {  	[sflag:s14] =	ssyncset.done $0x0  }
0xab: {  	[sflag:s14] =	ssyncadd.s32 $0xFFFFC180  }
0xac: {  	_ =	swait.ge [sflag:s15], $0x80  }
0xad: {  	[sflag:s15] =	ssyncset.done $0x0  }
0xae: {  	[sflag:s15] =	ssyncadd.s32 $0xFFFFFF80  }
0xaf: {  	[spmem:s3] =	stream.indirect.scatter.add.f32 [tilespmem:s11], [sflag:$0x5], $0x80, s6, s10, $0xb8;
	[tilespmem:$0x1F100] =	vst v63  }
0xb0: {  	_ =	swait.ge [sflag:s9], $0x3E80  }
0xb1: {  	[sflag:s9] =	ssyncset.done $0x0  }
0xb2: {  	s24 =	simm.s32 $0x100;
	[sflag:s9] =	ssyncadd.s32 $0xFFFFC180  }
0xb3: {  	[tilespmem:s11], [sflag:$0x1] =	stream.indirect.gather [hbm4b:s5+s10], $0x80, s24, s10, $0xb8;
	[tilespmem:$0x1F100] =	vst v63  }
0xb4: {  	_ = 	snop  }
0xb5: {  	[tilespmem:s6], [sflag:$0x3] =	stream.linear.gather [hbm4b:s8+s20], $0x80, $0x38;
	[tilespmem:$0x1F100] =	vst v63  }
0xb6: {  	_ =	swait.ge [sflag:s1], $0x3E80  }
0xb7: {  	[sflag:s1] =	ssyncset.done $0x0  }
0xb8: {  	[sflag:s1] =	ssyncadd.s32 $0xFFFFC180  }
0xb9: {  	_ =	swait.ge [sflag:s16], $0x80  }
0xba: {  	[sflag:s16] =	ssyncset.done $0x0  }
0xbb: {  	s22 =	simm.s32 $0x20;
	[sflag:s16] =	ssyncadd.s32 $0xFFFFFF80  }
0xbc: {  	[spmem:s3] =	stream.indirect.scatter.add.f32 [tilespmem:s12], [sflag:$0x6], $0x80, s13, s10, $0xb8;
	[tilespmem:$0x1F100] =	vst v63  }
0xbd: {  	s26 =	sadd.s32 $0x20, s21;
	s23 =	sand.u32 $0x60, s22;
	_ =	swait.ge [sflag:s17], $0x3E80  }
0xbe: {  	s23 =	sadd.s32 s23, s2;
	s20 =	sand.u32 $0xFFFFF80, s26;
	[sflag:s17] =	ssyncset.done $0x0  }
0xbf: {  	s24 =	simm.s32 $0x180;
	s20 =	sadd.s32 s20, s23;
	[sflag:s17] =	ssyncadd.s32 $0xFFFFC180  }
0xc0: {  	[tilespmem:s12], [sflag:$0x2] =	stream.indirect.gather [hbm4b:s5+s10], $0x80, s24, s10, $0xb8;
	[tilespmem:$0x1F100] =	vst v63  }
0xc1: {  	s20 =	sadd.s32 $0x10, s20  }
0xc2: {  	[tilespmem:s13], [sflag:$0x4] =	stream.linear.gather [hbm4b:s20+s4], $0x80, $0x38;
	[tilespmem:$0x1F100] =	vst v63  }
0xc3: {  	_ =	swait.ge [sflag:s14], $0x3E80  }
0xc4: {  	[sflag:s14] =	ssyncset.done $0x0  }
0xc5: {  	[sflag:s14] =	ssyncadd.s32 $0xFFFFC180  }
0xc6: {  	_ =	swait.ge [sflag:s15], $0x80  }
0xc7: {  	[sflag:s15] =	ssyncset.done $0x0  }
0xc8: {  	[sflag:s15] =	ssyncadd.s32 $0xFFFFFF80  }
0xc9: {  	[spmem:s3] =	stream.indirect.scatter.add.f32 [tilespmem:s11], [sflag:$0x5], $0x80, s6, s10, $0xb8;
	[tilespmem:$0x1F100] =	vst v63  }
0xca: {  	_ =	swait.ge [sflag:s9], $0x3E80  }
0xcb: {  	[sflag:s9] =	ssyncset.done $0x0  }
0xcc: {  	s28 =	simm.s32 $0x200;
	[sflag:s9] =	ssyncadd.s32 $0xFFFFC180  }
0xcd: {  	[tilespmem:s11], [sflag:$0x1] =	stream.indirect.gather [hbm4b:s5+s10], $0x80, s28, s10, $0xb8;
	[tilespmem:$0x1F100] =	vst v63  }
0xce: {  	s29 =	sadd.s32 $0x0, s25  }
0xcf: {  	[tilespmem:s6], [sflag:$0x3] =	stream.linear.gather [hbm4b:s29+s4], $0x80, $0x38;
	[tilespmem:$0x1F100] =	vst v63  }
0xd0: {  	_ =	swait.ge [sflag:s1], $0x3E80  }
0xd1: {  	[sflag:s1] =	ssyncset.done $0x0  }
0xd2: {  	[sflag:s1] =	ssyncadd.s32 $0xFFFFC180  }
0xd3: {  	_ =	swait.ge [sflag:s16], $0x80  }
0xd4: {  	s20 =	simm.s32 $0x300;
	[sflag:s16] =	ssyncset.done $0x0  }
.LBB2_6:
0xd5: {  	s23 =	sadd.s32 $0xFFFFFF80, s20  }
0xd6: {  	[sflag:s16] =	ssyncadd.s32 $0xFFFFFF80;
	s24 =	smov.u32 s22;
	s26 =	sadd.s32 $0x20, s22  }
0xd7: {  	[spmem:s3] =	stream.indirect.scatter.add.f32 [tilespmem:s12], [sflag:$0x6], $0x80, s13, s10, $0xb8;
	[tilespmem:$0x1F100] =	vst v63  }
0xd8: {  	s28 =	sadd.s32 s21, s26;
	s29 =	sand.u32 $0x60, s26;
	_ =	swait.ge [sflag:s17], $0x3E80  }
0xd9: {  	s28 =	sand.u32 $0xFFFFF80, s28;
	s29 =	sadd.s32 s29, s2;
	[sflag:s17] =	ssyncset.done $0x0  }
0xda: {  	p0 =	sne.s32 s22, $0x4A0;
	s28 =	sadd.s32 s28, s29;
	[sflag:s17] =	ssyncadd.s32 $0xFFFFC180  }
0xdb: {  	[tilespmem:s12], [sflag:$0x2] =	stream.indirect.gather [hbm4b:s5+s10], $0x80, s23, s10, $0xb8;
	[tilespmem:$0x1F100] =	vst v63  }
0xdc: {  	s22 =	sadd.s32 $0x10, s28  }
0xdd: {  	[tilespmem:s13], [sflag:$0x4] =	stream.linear.gather [hbm4b:s22+s4], $0x80, $0x38;
	[tilespmem:$0x1F100] =	vst v63  }
0xde: {  	_ =	swait.ge [sflag:s14], $0x3E80  }
0xdf: {  	[sflag:s14] =	ssyncset.done $0x0  }
0xe0: {  	[sflag:s14] =	ssyncadd.s32 $0xFFFFC180  }
0xe1: {  	_ =	swait.ge [sflag:s15], $0x80  }
0xe2: {  	[sflag:s15] =	ssyncset.done $0x0  }
0xe3: {  	[sflag:s15] =	ssyncadd.s32 $0xFFFFFF80  }
0xe4: {  	[spmem:s3] =	stream.indirect.scatter.add.f32 [tilespmem:s11], [sflag:$0x5], $0x80, s6, s10, $0xb8;
	[tilespmem:$0x1F100] =	vst v63  }
0xe5: {  	_ =	swait.ge [sflag:s9], $0x3E80  }
0xe6: {  	[sflag:s9] =	ssyncset.done $0x0  }
0xe7: {  	s22 =	sadd.s32 s24, s25;
	[sflag:s9] =	ssyncadd.s32 $0xFFFFC180  }
0xe8: {  	[tilespmem:s11], [sflag:$0x1] =	stream.indirect.gather [hbm4b:s5+s10], $0x80, s20, s10, $0xb8;
	[tilespmem:$0x1F100] =	vst v63  }
0xe9: {  	_ = 	snop  }
0xea: {  	[tilespmem:s6], [sflag:$0x3] =	stream.linear.gather [hbm4b:s22+s4], $0x80, $0x38;
	[tilespmem:$0x1F100] =	vst v63  }
.Ltmp2:
0xeb: {  	_ =	swait.ge [sflag:s1], $0x3E80;
	(pc) =	sbr.rel @p0 .LBB2_6-.Ltmp2, $4  }
0xec: {  	[sflag:s1] =	ssyncset.done $0x0  }
0xed: {  	[sflag:s1] =	ssyncadd.s32 $0xFFFFC180  }
0xee: {  	_ =	swait.ge [sflag:s16], $0x80  }
0xef: {  	s20 =	sadd.s32 $0x100, s20;
	s22 =	smov.u32 s26;
	[sflag:s16] =	ssyncset.done $0x0  }
0xf0: {  	[sflag:s16] =	ssyncadd.s32 $0xFFFFFF80  }
0xf1: {  	[spmem:s3] =	stream.indirect.scatter.add.f32 [tilespmem:s12], [sflag:$0x6], $0x80, s13, s10, $0xb8;
	[tilespmem:$0x1F100] =	vst v63  }
0xf2: {  	_ =	swait.ge [sflag:s17], $0x3E80  }
0xf3: {  	[sflag:s17] =	ssyncset.done $0x0  }
0xf4: {  	s20 =	simm.s32 $0x2780;
	[sflag:s17] =	ssyncadd.s32 $0xFFFFC180  }
0xf5: {  	[tilespmem:s12], [sflag:$0x2] =	stream.indirect.gather [hbm4b:s5+s10], $0x80, s20, s10, $0xb8;
	[tilespmem:$0x1F100] =	vst v63  }
0xf6: {  	_ = 	snop  }
0xf7: {  	[tilespmem:s13], [sflag:$0x4] =	stream.linear.gather [hbm4b:s31+s4], $0x80, $0x38;
	[tilespmem:$0x1F100] =	vst v63  }
0xf8: {  	_ =	swait.ge [sflag:s14], $0x3E80  }
0xf9: {  	[sflag:s14] =	ssyncset.done $0x0  }
0xfa: {  	[sflag:s14] =	ssyncadd.s32 $0xFFFFC180  }
0xfb: {  	_ =	swait.ge [sflag:s15], $0x80  }
0xfc: {  	[sflag:s15] =	ssyncset.done $0x0  }
0xfd: {  	[sflag:s15] =	ssyncadd.s32 $0xFFFFFF80  }
0xfe: {  	[spmem:s3] =	stream.indirect.scatter.add.f32 [tilespmem:s11], [sflag:$0x5], $0x80, s6, s10, $0xb8;
	[tilespmem:$0x1F100] =	vst v63  }
0xff: {  	_ =	swait.ge [sflag:s9], $0x3E80  }
0x100: {  	[sflag:s9] =	ssyncset.done $0x0  }
0x101: {  	[sflag:s9] =	ssyncadd.s32 $0xFFFFC180  }
0x102: {  	_ =	swait.ge [sflag:s1], $0x3E80  }
0x103: {  	[sflag:s1] =	ssyncset.done $0x0  }
0x104: {  	[sflag:s1] =	ssyncadd.s32 $0xFFFFC180  }
0x105: {  	_ =	swait.ge [sflag:s16], $0x80  }
0x106: {  	[sflag:s16] =	ssyncset.done $0x0  }
0x107: {  	[sflag:s16] =	ssyncadd.s32 $0xFFFFFF80  }
0x108: {  	[spmem:s3] =	stream.indirect.scatter.add.f32 [tilespmem:s12], [sflag:$0x6], $0x80, s13, s10, $0xb8;
	[tilespmem:$0x1F100] =	vst v63  }
0x109: {  	_ =	swait.ge [sflag:s17], $0x3E80  }
0x10a: {  	[sflag:s17] =	ssyncset.done $0x0  }
0x10b: {  	s28 =	stileid.u32;
	[sflag:s17] =	ssyncadd.s32 $0xFFFFC180  }
0x10c: {  	s20 =	sshll.u32 s28, $0x6;
	[bflag:$0x0] =	sbarrier.arrive $0xFFFF  }
0x10d: {  	s22 =	sshrl.u32 s7, $0x3;
	s20 =	sor.u32 $0x1C07, s20;
	s23 =	rddreg [dreg:$0x13]  }
0x10e: {  	[hbm:s23], [sflag:s20] =	dma.local [spmem:s22], $0x2800  }
0x10f: {  	_ =	swait.ge [sflag:s18], $0x2800  }
0x110: {  	s19 =	sadd.s32 $0x1, s19;
	s29 =	rddreg [dreg:$0x6]  }
0x111: {  	p0 =	sne.s32 s19, s29  }
.Ltmp3:
0x112: {  	_ = 	snop;
	(pc) =	sbr.rel @p0 .LBB2_1-.Ltmp3, $3  }
0x113: {  	_ =	sdelay $0x1  }
0x114: {  	[sflag:s18] =	ssyncset.done $0x0  }
0x115: {  	[sflag:s18] =	ssyncadd.s32 $0xFFFFD800  }
0x116: {  	_ =	sfence.sel $0x180000  }
0x117: {  	[bflag:$0x0] =	sbarrier.arrive $0xFFFF  }
0x118: {  	_ =	strace $0x90000050  }
0x119: {  	s0 =	stileid.u32;
	[bflag:$0x2] =	sbarrier.arrive $0xFFFF  }
0x11a: {  	p0 =	sne.s32 s0, $0x0;
	s0 =	rddreg [dreg:$0x4]  }
0x11b: {  	s0 =	sadd.s32 @!p0 $0x100000, s0  }
0x11c: {  	[sflag:s0] =	ssyncadd.tile.s32 @!p0 $0x1;
	_ =	shalt  }
.Lfunc_end2:
_tile_overlayer_lowered:
.L_overlay_start_2:
0x11d: {  	(tag) =	ssettag $0x2  }
0x11e: {  	s0 =	rddreg [dreg:$0x0];
	s2 =	stileid.u32  }
0x11f: {  	s1 =	rddreg [dreg:$0x1];
	p0 =	sne.s32 s2, $0x0  }
0x120: {  	s3 =	rddreg [dreg:$0x2];
	[bflag:$0x3] =	sbarrier.arrive $0xFFFF;
	s2 =	simm.s32 @!p0 $0x1C07  }
0x121: {  	[timem:s3], [sflag:s2] =	dma.local @!p0 [hbm:s0], s1  }
0x122: {  	s0 =	simm.s32 @!p0 $0x7  }
0x123: {  	_ =	swait.ge @!p0 [sflag:s0], s1  }
0x124: {  	s1 =	ssub.s32 @!p0 $0x0, s1;
	[sflag:s0] =	ssyncset.done @!p0 $0x0  }
0x125: {  	[sflag:s0] =	ssyncadd.s32 @!p0 s1  }
0x126: {  	[bflag:$0x3] =	sbarrier.arrive $0xFFFF  }
0x127: {  	_ =	shalt  }

</sc_bundles>
